<compile_context>
chip_gen: v7x
topology: tpu7x:2x2x1
jax: 0.10.2.dev20260603
libtpu: 0.0.44.dev20260713+nightly
codegen_flags: <defaults>
</compile_context>

<pallas_src>
import functools

import jax
import jax.numpy as jnp
import numpy as np
from jax import lax
from jax.experimental import pallas as pl
from jax.experimental.pallas import tpu as pltpu
from jax.experimental.pallas import tpu_sc as plsc

_N = 10000
_E = 320000
_D_IN = 128
_D_HID = 1024
_D_OUT = 128

_NCORES = 2
_NSUB = 16
_NTILES = _NCORES * _NSUB
_CHUNK = 128
_TAIL = 16

_ROWS_BLK = 2560


_N_PAD = 10240
_D = 128


_NBUF = 2


def _make_seg_sum(with_counts):
    rows_per_tile = _N_PAD // _NSUB
    edges_per_tile = _E // _NTILES
    n_main = edges_per_tile // _CHUNK
    mesh = plsc.VectorSubcoreMesh(core_axis_name="c", subcore_axis_name="s")

    out_type = [jax.ShapeDtypeStruct((_NCORES, _N_PAD, _D), jnp.float32)]
    scratch = (
        [pltpu.VMEM((_CHUNK,), jnp.int32)] * 3
        + [pltpu.VMEM((_CHUNK,), jnp.int32)] * 2
        + [pltpu.VMEM((_CHUNK, _D), jnp.float32)] * 2
        + [pltpu.VMEM_SHARED((_N_PAD, _D), jnp.float32)]
        + [pltpu.SemaphoreType.DMA] * 9
        + [pltpu.VMEM((_TAIL,), jnp.int32)] * 2)
    if with_counts:
        out_type.append(jax.ShapeDtypeStruct((_NTILES, _N_PAD), jnp.float32))
        scratch.append(pltpu.VMEM((_N_PAD,), jnp.float32))

    def body(tbl, ei_h, zer, zer1, out, out_cnt,
             src_v, dst_v, rows_v, acc, sems, src_t, dst_t, hist_v):
        cid = lax.axis_index("c")
        sid = lax.axis_index("s")
        wid = sid * _NCORES + cid
        my_rows = pl.ds(sid * rows_per_tile, rows_per_tile)
        sem_g = sems[0:2]
        sem_s = sems[2:4]
        sem_si = sems[4:7]
        sem_di = sems[7:9]
        e0 = wid * edges_per_tile
        ones16 = jnp.ones((16,), jnp.float32)

        def _idx(off, ring, sem, i, b):
            return (ei_h.at[pl.ds(off + e0 + i * _CHUNK, _CHUNK)], ring[b],
                    sem[b])

        def si_issue(i, s):
            pltpu.async_copy(*_idx(0, src_v, sem_si, i, s))

        def si_wait(i, s):
            pltpu.make_async_copy(*_idx(0, src_v, sem_si, i, s)).wait()

        def di_issue(i, b):
            pltpu.async_copy(*_idx(_E, dst_v, sem_di, i, b))

        def di_wait(i, b):
            pltpu.make_async_copy(*_idx(_E, dst_v, sem_di, i, b)).wait()

        def gather(i, b, s):
            pltpu.async_copy(tbl.at[src_v[s]], rows_v[b], sem_g[b])

        def gather_wait(i, b, s):
            pltpu.make_async_copy(tbl.at[src_v[s]], rows_v[b],
                                  sem_g[b]).wait()

        def scat(i, b):
            pltpu.async_copy(rows_v[b], acc.at[dst_v[b]], sem_s[b], add=True)

        def scat_wait(i, b):
            pltpu.make_async_copy(rows_v[b], acc.at[dst_v[b]],
                                  sem_s[b]).wait()

        def hist(idx_ref, nvec):
            if with_counts:
                for k in range(nvec):
                    plsc.addupdate_scatter(hist_v, [idx_ref[pl.ds(k * 16, 16)]],
                                           ones16)

        n_grp = n_main // 6

        def stage(i, u, g):
            b, s = u % 2, u % 3
            bn, sn = (u + 1) % 2, (u + 1) % 3
            if u == 0:
                @pl.when(g > 0)
                def _():
                    scat_wait(i - 1, bn)
            else:
                scat_wait(i - 1, bn)
            if u < 5:
                di_issue(i + 1, bn)
                si_wait(i + 1, sn)
                gather(i + 1, bn, sn)
            else:
                @pl.when(g < n_grp - 1)
                def _():
                    di_issue(i + 1, bn)
                    si_wait(i + 1, sn)
                    gather(i + 1, bn, sn)
            gather_wait(i, b, s)
            if u < 3:
                si_issue(i + 3, s)
            else:
                @pl.when(g < n_grp - 1)
                def _():
                    si_issue(i + 3, s)
            di_wait(i, b)
            scat(i, b)
            hist(dst_v[b], _CHUNK // 16)

        si_issue(0, 0)
        di_issue(0, 0)
        si_issue(1, 1)
        si_issue(2, 2)
        pltpu.sync_copy(zer.at[my_rows], acc.at[my_rows])
        if with_counts:
            pltpu.sync_copy(zer1, hist_v)
        si_wait(0, 0)
        gather(0, 0, 0)
        plsc.subcore_barrier()

        def group(g, carry):
            for u in range(6):
                stage(6 * g + u, u, g)
            return carry

        lax.fori_loop(0, n_grp, group, 0)
        te = e0 + n_main * _CHUNK
        pltpu.sync_copy(ei_h.at[pl.ds(te, _TAIL)], src_t)
        pltpu.sync_copy(ei_h.at[pl.ds(_E + te, _TAIL)], dst_t)
        rows_tail = rows_v[0].at[pl.ds(0, _TAIL)]
        pltpu.async_copy(tbl.at[src_t], rows_tail, sem_g[0]).wait()
        scat_wait(n_main - 1, 1)
        pltpu.async_copy(rows_tail, acc.at[dst_t], sem_s[0], add=True).wait()
        hist(dst_t, _TAIL // 16)
        plsc.subcore_barrier()
        pltpu.sync_copy(acc.at[my_rows], out.at[cid, my_rows])
        if with_counts:
            pltpu.sync_copy(hist_v, out_cnt.at[wid])

    def _split(scr):
        return (list(scr[0:3]), list(scr[3:5]), list(scr[5:7]),
                scr[7], list(scr[8:17]), scr[17], scr[18])

    if with_counts:
        def body_c(tbl, ei_h, zer, zer1, out, out_cnt, *scr):
            sv, dv, rv, acc, sems, st, dt = _split(scr)
            body(tbl, ei_h, zer, zer1, out, out_cnt,
                 sv, dv, rv, acc, sems, st, dt, scr[-1])
        fn = body_c
    else:
        def body_n(tbl, ei_h, zer, out, *scr):
            sv, dv, rv, acc, sems, st, dt = _split(scr)
            body(tbl, ei_h, zer, None, out, None,
                 sv, dv, rv, acc, sems, st, dt, None)
        fn = body_n

    return pl.kernel(
        fn, out_type=out_type, mesh=mesh, scratch_types=scratch,
        compiler_params=pltpu.CompilerParams(needs_layout_passes=False))


_seg_sum_cache = {}


def _seg_sum(with_counts):
    if with_counts not in _seg_sum_cache:
        _seg_sum_cache[with_counts] = _make_seg_sum(with_counts)
    return _seg_sum_cache[with_counts]


def _dot(a, b):
    return jax.lax.dot_general(
        a.astype(jnp.bfloat16), b.astype(jnp.bfloat16),
        (((1,), (0,)), ((), ())), preferred_element_type=jnp.float32)


def _inv_cnt(c_r):
    ones = jnp.ones((_NTILES, 1), jnp.float32)
    cnt = jax.lax.dot_general(c_r[...], ones, (((0,), (0,)), ((), ())),
                              preferred_element_type=jnp.float32)
    return 1.0 / jnp.maximum(cnt, 1.0)


def _l1_body(x_r, ag_r, c_r, w1_r, b1_r, w2_r, p_r, q_r):
    agg = (ag_r[0] + ag_r[1]) * _inv_cnt(c_r)
    ax = jnp.concatenate([agg.astype(jnp.bfloat16),
                          x_r[...].astype(jnp.bfloat16)], axis=1)
    h = jax.lax.dot_general(ax, w1_r[...].astype(jnp.bfloat16),
                            (((1,), (0,)), ((), ())),
                            preferred_element_type=jnp.float32) + b1_r[...]
    h = jnp.maximum(h, 0.0)
    pq = _dot(h, w2_r[...])
    p_r[...] = pq[:, :_D_OUT]
    q_r[...] = pq[:, _D_OUT:]


def _layer1_fused(x, agg1, cnt, w1l, b1, w1r, w2l, w2r):
    nb = _N_PAD // _ROWS_BLK
    row_spec = lambda w: pl.BlockSpec((_ROWS_BLK, w), lambda i: (i, 0))
    full_spec = lambda r, c: pl.BlockSpec((r, c), lambda i: (0, 0))
    w1 = jnp.concatenate([w1l, w1r], axis=0)
    w2 = jnp.concatenate([w2l, w2r], axis=1)
    return pl.pallas_call(
        _l1_body,
        grid=(nb,),
        in_specs=[
            row_spec(_D_IN),
            pl.BlockSpec((2, _ROWS_BLK, _D), lambda i: (0, i, 0)),
            pl.BlockSpec((_NTILES, _ROWS_BLK), lambda i: (0, i)),
            full_spec(2 * _D_IN, _D_HID), full_spec(1, _D_HID),
            full_spec(_D_HID, 2 * _D_OUT),
        ],
        out_specs=[row_spec(_D_OUT), row_spec(_D_OUT)],
        out_shape=[
            jax.ShapeDtypeStruct((_N, _D_OUT), jnp.float32),
            jax.ShapeDtypeStruct((_N, _D_OUT), jnp.float32),
        ],
    )(x, agg1, cnt, w1, b1.reshape(1, _D_HID), w2)


def _l2_body(ag_r, c_r, q_r, b2_r, out_r):
    o = (ag_r[0] + ag_r[1]) * _inv_cnt(c_r) + b2_r[...] + q_r[...]
    m = jnp.max(o, axis=1, keepdims=True)
    s = jnp.sum(jnp.exp(o - m), axis=1, keepdims=True)
    out_r[...] = o - m - jnp.log(s)


def _layer2_final(agg2, cnt, q, b2):
    nb = _N_PAD // _ROWS_BLK
    row_spec = lambda w: pl.BlockSpec((_ROWS_BLK, w), lambda i: (i, 0))
    return pl.pallas_call(
        _l2_body,
        grid=(nb,),
        in_specs=[
            pl.BlockSpec((2, _ROWS_BLK, _D), lambda i: (0, i, 0)),
            pl.BlockSpec((_NTILES, _ROWS_BLK), lambda i: (0, i)),
            row_spec(_D_OUT),
            pl.BlockSpec((1, _D_OUT), lambda i: (0, 0)),
        ],
        out_specs=row_spec(_D_OUT),
        out_shape=jax.ShapeDtypeStruct((_N, _D_OUT), jnp.float32),
    )(agg2, cnt, q, b2.reshape(1, _D_OUT))


def kernel(x, edge_index, W1_l, b1, W1_r, W2_l, b2, W2_r):
    ei = edge_index.reshape(-1)

    zer = np.zeros((_N_PAD, _D), np.float32)
    zer1 = np.zeros((_N_PAD,), np.float32)
    agg1, cnt = _seg_sum(True)(x, ei, zer, zer1)

    p, q = _layer1_fused(x, agg1, cnt, W1_l, b1, W1_r, W2_l, W2_r)

    (agg2,) = _seg_sum(False)(p, ei, zer)

    return _layer2_final(agg2, cnt, q, b2)

# --- scband reference (transcript-rebuilt; emitter-appended) ---
"""Pipeline reference for scband-net-79568564126090 (READ-ONLY COPY).

The authoritative reference and input builder live on the scoring server;
editing this copy changes nothing except your own understanding.
"""

import jax, jax.numpy as jnp
import numpy as np

N = 10000
E = 320000
D_IN = 128
D_HID = 1024
D_OUT = 128


def setup_inputs(seed: int = 0) -> dict:
    key = jax.random.key(seed)
    ks = jax.random.split(key, 9)
    x = jax.random.normal(ks[0], (N, D_IN), dtype=jnp.float32)
    edge_index = jax.random.randint(ks[1], (2, E), 0, N, dtype=jnp.int32)
    # SAGEConv layer 1: lin_l (applied to aggregated neighbors, with bias), lin_r (root, no bias)
    W1_l = jax.random.normal(ks[2], (D_IN, D_HID), dtype=jnp.float32) * (1.0 / np.sqrt(D_IN))
    b1 = jnp.zeros((D_HID,), dtype=jnp.float32)
    W1_r = jax.random.normal(ks[3], (D_IN, D_HID), dtype=jnp.float32) * (1.0 / np.sqrt(D_IN))
    # SAGEConv layer 2
    W2_l = jax.random.normal(ks[4], (D_HID, D_OUT), dtype=jnp.float32) * (1.0 / np.sqrt(D_HID))
    b2 = jnp.zeros((D_OUT,), dtype=jnp.float32)
    W2_r = jax.random.normal(ks[5], (D_HID, D_OUT), dtype=jnp.float32) * (1.0 / np.sqrt(D_HID))
    return {"x": x, "edge_index": edge_index, "W1_l": W1_l, "b1": b1, "W1_r": W1_r,
            "W2_l": W2_l, "b2": b2, "W2_r": W2_r}


def _sage_conv(x, edge_index, W_l, b, W_r):
    # PyG SAGEConv with normalize=False, mean aggregation:
    # out = lin_l(mean_{j in N(i)} x_j) + lin_r(x_i)
    src = edge_index[0]
    dst = edge_index[1]
    msg = jnp.take(x, src, axis=0)
    agg_sum = jax.ops.segment_sum(msg, dst, num_segments=N)
    cnt = jax.ops.segment_sum(jnp.ones((msg.shape[0],), dtype=x.dtype), dst, num_segments=N)
    agg_mean = agg_sum / jnp.clip(cnt, 1.0)[:, None]
    return agg_mean @ W_l + b + x @ W_r


def reference(x, edge_index, W1_l, b1, W1_r, W2_l, b2, W2_r):
    # dropout is identity in eval mode
    h = jax.nn.relu(_sage_conv(x, edge_index, W1_l, b1, W1_r))
    out = _sage_conv(h, edge_index, W2_l, b2, W2_r)
    return jax.nn.log_softmax(out, axis=1)

if __name__ == "__main__":
    import jax
    _d = setup_inputs()
    print(jax.jit(kernel)(*tuple(_d.values())))

</pallas_src>

<mosaic_0001>
#map = affine_map<(d0, d1) -> (0, 0)>
#map1 = affine_map<(d0, d1) -> (0)>
#map2 = affine_map<(d0, d1) -> (0, 0, 0)>
module attributes {stable_mosaic.version = 14 : i64} {
  func.func @body_n(%arg0: i32, %arg1: i32, %arg2: memref<10000x128xf32, #tpu.memory_space<hbm>>, %arg3: memref<640000xi32, #tpu.memory_space<hbm>>, %arg4: memref<10240x128xf32, #tpu.memory_space<hbm>>, %arg5: memref<2x10240x128xf32, #tpu.memory_space<hbm>>, %arg6: memref<128xi32, #tpu.memory_space<vmem>>, %arg7: memref<128xi32, #tpu.memory_space<vmem>>, %arg8: memref<128xi32, #tpu.memory_space<vmem>>, %arg9: memref<128xi32, #tpu.memory_space<vmem>>, %arg10: memref<128xi32, #tpu.memory_space<vmem>>, %arg11: memref<128x128xf32, #tpu.memory_space<vmem>>, %arg12: memref<128x128xf32, #tpu.memory_space<vmem>>, %arg13: memref<10240x128xf32, #tpu.memory_space<vmem_shared>>, %arg14: memref<!tpu.dma_semaphore, #tpu.memory_space<semaphore_mem>>, %arg15: memref<!tpu.dma_semaphore, #tpu.memory_space<semaphore_mem>>, %arg16: memref<!tpu.dma_semaphore, #tpu.memory_space<semaphore_mem>>, %arg17: memref<!tpu.dma_semaphore, #tpu.memory_space<semaphore_mem>>, %arg18: memref<!tpu.dma_semaphore, #tpu.memory_space<semaphore_mem>>, %arg19: memref<!tpu.dma_semaphore, #tpu.memory_space<semaphore_mem>>, %arg20: memref<!tpu.dma_semaphore, #tpu.memory_space<semaphore_mem>>, %arg21: memref<!tpu.dma_semaphore, #tpu.memory_space<semaphore_mem>>, %arg22: memref<!tpu.dma_semaphore, #tpu.memory_space<semaphore_mem>>, %arg23: memref<16xi32, #tpu.memory_space<vmem>>, %arg24: memref<16xi32, #tpu.memory_space<vmem>>) attributes {dimension_semantics = [#tpu.dimension_semantics<core_parallel>, #tpu.dimension_semantics<subcore_parallel>], iteration_bounds = array<i64: 2, 16>, scalar_prefetch = 0 : i64, scratch_operands = 19 : i64, tpu.core_type = #tpu.core_type<sc_vector_subcore>, window_params = [{transform_indices = #map}, {transform_indices = #map1}, {transform_indices = #map}, {transform_indices = #map2}]} {
    %mul3A = arith.constant 2 : i32
    %mul3A_0 = arith.muli %arg1, %mul3A : i32
    %add3A = arith.addi %mul3A_0, %arg0 : i32
    %mul3A_1 = arith.constant 640 : i32
    %mul3A_2 = arith.muli %arg1, %mul3A_1 : i32
    %mul3A_3 = arith.constant 10000 : i32
    %mul3A_4 = arith.muli %add3A, %mul3A_3 : i32
    %broadcast_in_dim3A = arith.constant 1.000000e+00 : f32
    %broadcast_in_dim3A_5 = vector.broadcast %broadcast_in_dim3A : f32 to vector<16xf32>
    %add3A_6 = arith.constant 0 : i32
    %add3A_7 = arith.addi %add3A_6, %mul3A_4 : i32
    %add3A_8 = arith.constant 0 : i32
    %add3A_9 = arith.addi %add3A_7, %add3A_8 : i32
    %dma_start3A = tpu.memref_slice %arg3[%add3A_9] : memref<640000xi32, #tpu.memory_space<hbm>> -> memref<128xi32, #tpu.memory_space<hbm>>
    %dma_start3A_10 = tpu.memref_slice %arg3[%add3A_9] : memref<640000xi32, #tpu.memory_space<hbm>> -> memref<128xi32, #tpu.memory_space<hbm>>
    tpu.enqueue_dma source(%dma_start3A_10 : memref<128xi32, #tpu.memory_space<hbm>>) target(%arg6 : memref<128xi32, #tpu.memory_space<vmem>>) target_semaphore(%arg18 : memref<!tpu.dma_semaphore, #tpu.memory_space<semaphore_mem>>)
    %add3A_11 = arith.constant 320000 : i32
    %add3A_12 = arith.addi %add3A_11, %mul3A_4 : i32
    %add3A_13 = arith.constant 0 : i32
    %add3A_14 = arith.addi %add3A_12, %add3A_13 : i32
    %dma_start3A_15 = tpu.memref_slice %arg3[%add3A_14] : memref<640000xi32, #tpu.memory_space<hbm>> -> memref<128xi32, #tpu.memory_space<hbm>>
    %dma_start3A_16 = tpu.memref_slice %arg3[%add3A_14] : memref<640000xi32, #tpu.memory_space<hbm>> -> memref<128xi32, #tpu.memory_space<hbm>>
    tpu.enqueue_dma source(%dma_start3A_16 : memref<128xi32, #tpu.memory_space<hbm>>) target(%arg9 : memref<128xi32, #tpu.memory_space<vmem>>) target_semaphore(%arg21 : memref<!tpu.dma_semaphore, #tpu.memory_space<semaphore_mem>>)
    %add3A_17 = arith.constant 0 : i32
    %add3A_18 = arith.addi %add3A_17, %mul3A_4 : i32
    %add3A_19 = arith.constant 128 : i32
    %add3A_20 = arith.addi %add3A_18, %add3A_19 : i32
    %dma_start3A_21 = tpu.memref_slice %arg3[%add3A_20] : memref<640000xi32, #tpu.memory_space<hbm>> -> memref<128xi32, #tpu.memory_space<hbm>>
    %dma_start3A_22 = tpu.memref_slice %arg3[%add3A_20] : memref<640000xi32, #tpu.memory_space<hbm>> -> memref<128xi32, #tpu.memory_space<hbm>>
    tpu.enqueue_dma source(%dma_start3A_22 : memref<128xi32, #tpu.memory_space<hbm>>) target(%arg7 : memref<128xi32, #tpu.memory_space<vmem>>) target_semaphore(%arg19 : memref<!tpu.dma_semaphore, #tpu.memory_space<semaphore_mem>>)
    %add3A_23 = arith.constant 0 : i32
    %add3A_24 = arith.addi %add3A_23, %mul3A_4 : i32
    %add3A_25 = arith.constant 256 : i32
    %add3A_26 = arith.addi %add3A_24, %add3A_25 : i32
    %dma_start3A_27 = tpu.memref_slice %arg3[%add3A_26] : memref<640000xi32, #tpu.memory_space<hbm>> -> memref<128xi32, #tpu.memory_space<hbm>>
    %dma_start3A_28 = tpu.memref_slice %arg3[%add3A_26] : memref<640000xi32, #tpu.memory_space<hbm>> -> memref<128xi32, #tpu.memory_space<hbm>>
    tpu.enqueue_dma source(%dma_start3A_28 : memref<128xi32, #tpu.memory_space<hbm>>) target(%arg8 : memref<128xi32, #tpu.memory_space<vmem>>) target_semaphore(%arg20 : memref<!tpu.dma_semaphore, #tpu.memory_space<semaphore_mem>>)
    "tpu.region"() ({
      %run_scoped3A = tpu.sem_alloc : memref<!tpu.dma_semaphore, #tpu.memory_space<semaphore_mem>>
      %dma_start3A_74 = arith.constant 0 : i32
      %dma_start3A_75 = tpu.memref_slice %arg13[%mul3A_2, %dma_start3A_74] : memref<10240x128xf32, #tpu.memory_space<vmem_shared>> -> memref<640x128xf32, #tpu.memory_space<vmem_shared>>
      %dma_start3A_76 = arith.constant 0 : i32
      %dma_start3A_77 = tpu.memref_slice %arg4[%mul3A_2, %dma_start3A_76] : memref<10240x128xf32, #tpu.memory_space<hbm>> -> memref<640x128xf32, #tpu.memory_space<hbm>>
      tpu.enqueue_dma source(%dma_start3A_77 : memref<640x128xf32, #tpu.memory_space<hbm>>) target(%dma_start3A_75 : memref<640x128xf32, #tpu.memory_space<vmem_shared>>) target_semaphore(%run_scoped3A : memref<!tpu.dma_semaphore, #tpu.memory_space<semaphore_mem>>)
      %dma_wait3A_78 = arith.constant 0 : i32
      %dma_wait3A_79 = tpu.memref_slice %arg13[%mul3A_2, %dma_wait3A_78] : memref<10240x128xf32, #tpu.memory_space<vmem_shared>> -> memref<640x128xf32, #tpu.memory_space<vmem_shared>>
      %dma_wait3A_80 = arith.constant 0 : i32
      %dma_wait3A_81 = tpu.memref_slice %arg4[%mul3A_2, %dma_wait3A_80] : memref<10240x128xf32, #tpu.memory_space<hbm>> -> memref<640x128xf32, #tpu.memory_space<hbm>>
      tpu.wait_dma2 semaphore(%run_scoped3A : memref<!tpu.dma_semaphore, #tpu.memory_space<semaphore_mem>>) src(%dma_wait3A_81 : memref<640x128xf32, #tpu.memory_space<hbm>>) dst(%dma_wait3A_79 : memref<640x128xf32, #tpu.memory_space<vmem_shared>>)
      tpu.yield
    }) : () -> ()
    %add3A_29 = arith.constant 0 : i32
    %add3A_30 = arith.addi %add3A_29, %mul3A_4 : i32
    %add3A_31 = arith.constant 0 : i32
    %add3A_32 = arith.addi %add3A_30, %add3A_31 : i32
    %dma_wait3A = tpu.memref_slice %arg3[%add3A_32] : memref<640000xi32, #tpu.memory_space<hbm>> -> memref<128xi32, #tpu.memory_space<hbm>>
    %dma_wait3A_33 = tpu.memref_slice %arg3[%add3A_32] : memref<640000xi32, #tpu.memory_space<hbm>> -> memref<128xi32, #tpu.memory_space<hbm>>
    tpu.wait_dma2 semaphore(%arg18 : memref<!tpu.dma_semaphore, #tpu.memory_space<semaphore_mem>>) src(%dma_wait3A_33 : memref<128xi32, #tpu.memory_space<hbm>>) dst(%arg6 : memref<128xi32, #tpu.memory_space<vmem>>)
    %dma_start3A_34 = arith.constant 0 : i32
    %dma_start3A_35 = arith.constant 0 : i32
    %dma_start3A_36 = tpu.memref_slice %arg2[%dma_start3A_34, %dma_start3A_35] : memref<10000x128xf32, #tpu.memory_space<hbm>> -> memref<10000x128xf32, #tpu.memory_space<hbm>>
    tpu.enqueue_indirect_dma source(%dma_start3A_36 : memref<10000x128xf32, #tpu.memory_space<hbm>>) target(%arg11 : memref<128x128xf32, #tpu.memory_space<vmem>>) offsets(%arg6 : memref<128xi32, #tpu.memory_space<vmem>>) semaphore(%arg14 : memref<!tpu.dma_semaphore, #tpu.memory_space<semaphore_mem>>)
    %barrier3A = arith.constant 0 : index
    tpu.barrier barrier_id(%barrier3A)
    %scan3A = arith.constant 0 : i32
    %scan3A_37 = arith.constant 0 : i32
    %scan3A_38 = arith.constant 13 : i32
    %scan3A_39 = arith.addi %scan3A_37, %scan3A_38 : i32
    %scan3A_40 = arith.constant 1 : i32
    scf.for %scan3A_74 = %scan3A_37 to %scan3A_39 step %scan3A_40  : i32 {
      %mul3A_75 = arith.constant 6 : i32
      %mul3A_76 = arith.muli %mul3A_75, %scan3A_74 : i32
      %add3A_77 = arith.constant 0 : i32
      %add3A_78 = arith.addi %mul3A_76, %add3A_77 : i32
      %gt3A = arith.constant 0 : i32
      %gt3A_79 = arith.cmpi sgt, %scan3A_74, %gt3A : i32
      %convert_element_type3A = arith.extui %gt3A_79 : i1 to i32
      %cond3A = arith.constant 0 : i32
      %cond3A_80 = arith.cmpi ne, %convert_element_type3A, %cond3A : i32
      scf.if %cond3A_80 {
        %sub3A_364 = arith.constant 1 : i32
        %sub3A_365 = arith.subi %add3A_78, %sub3A_364 : i32
        %dma_wait3A_366 = arith.constant 0 : i32
        %dma_wait3A_367 = arith.constant 0 : i32
        %dma_wait3A_368 = tpu.memref_slice %arg13[%dma_wait3A_366, %dma_wait3A_367] : memref<10240x128xf32, #tpu.memory_space<vmem_shared>> -> memref<10240x128xf32, #tpu.memory_space<vmem_shared>>
        tpu.wait_indirect_dma semaphore(%arg17 : memref<!tpu.dma_semaphore, #tpu.memory_space<semaphore_mem>>) src(%arg12 : memref<128x128xf32, #tpu.memory_space<vmem>>) dst(%dma_wait3A_368 : memref<10240x128xf32, #tpu.memory_space<vmem_shared>>)
      } else {
      }
      %add3A_81 = arith.constant 1 : i32
      %add3A_82 = arith.addi %add3A_78, %add3A_81 : i32
      %add3A_83 = arith.constant 320000 : i32
      %add3A_84 = arith.addi %add3A_83, %mul3A_4 : i32
      %mul3A_85 = arith.constant 128 : i32
      %mul3A_86 = arith.muli %add3A_82, %mul3A_85 : i32
      %add3A_87 = arith.addi %add3A_84, %mul3A_86 : i32
      %dma_start3A_88 = tpu.memref_slice %arg3[%add3A_87] : memref<640000xi32, #tpu.memory_space<hbm>> -> memref<128xi32, #tpu.memory_space<hbm>>
      %dma_start3A_89 = tpu.memref_slice %arg3[%add3A_87] : memref<640000xi32, #tpu.memory_space<hbm>> -> memref<128xi32, #tpu.memory_space<hbm>>
      tpu.enqueue_dma source(%dma_start3A_89 : memref<128xi32, #tpu.memory_space<hbm>>) target(%arg10 : memref<128xi32, #tpu.memory_space<vmem>>) target_semaphore(%arg22 : memref<!tpu.dma_semaphore, #tpu.memory_space<semaphore_mem>>)
      %add3A_90 = arith.constant 1 : i32
      %add3A_91 = arith.addi %add3A_78, %add3A_90 : i32
      %add3A_92 = arith.constant 0 : i32
      %add3A_93 = arith.addi %add3A_92, %mul3A_4 : i32
      %mul3A_94 = arith.constant 128 : i32
      %mul3A_95 = arith.muli %add3A_91, %mul3A_94 : i32
      %add3A_96 = arith.addi %add3A_93, %mul3A_95 : i32
      %dma_wait3A_97 = tpu.memref_slice %arg3[%add3A_96] : memref<640000xi32, #tpu.memory_space<hbm>> -> memref<128xi32, #tpu.memory_space<hbm>>
      %dma_wait3A_98 = tpu.memref_slice %arg3[%add3A_96] : memref<640000xi32, #tpu.memory_space<hbm>> -> memref<128xi32, #tpu.memory_space<hbm>>
      tpu.wait_dma2 semaphore(%arg19 : memref<!tpu.dma_semaphore, #tpu.memory_space<semaphore_mem>>) src(%dma_wait3A_98 : memref<128xi32, #tpu.memory_space<hbm>>) dst(%arg7 : memref<128xi32, #tpu.memory_space<vmem>>)
      %add3A_99 = arith.constant 1 : i32
      %add3A_100 = arith.addi %add3A_78, %add3A_99 : i32
      %dma_start3A_101 = arith.constant 0 : i32
      %dma_start3A_102 = arith.constant 0 : i32
      %dma_start3A_103 = tpu.memref_slice %arg2[%dma_start3A_101, %dma_start3A_102] : memref<10000x128xf32, #tpu.memory_space<hbm>> -> memref<10000x128xf32, #tpu.memory_space<hbm>>
      tpu.enqueue_indirect_dma source(%dma_start3A_103 : memref<10000x128xf32, #tpu.memory_space<hbm>>) target(%arg12 : memref<128x128xf32, #tpu.memory_space<vmem>>) offsets(%arg7 : memref<128xi32, #tpu.memory_space<vmem>>) semaphore(%arg15 : memref<!tpu.dma_semaphore, #tpu.memory_space<semaphore_mem>>)
      %dma_wait3A_104 = arith.constant 0 : i32
      %dma_wait3A_105 = arith.constant 0 : i32
      %dma_wait3A_106 = tpu.memref_slice %arg2[%dma_wait3A_104, %dma_wait3A_105] : memref<10000x128xf32, #tpu.memory_space<hbm>> -> memref<10000x128xf32, #tpu.memory_space<hbm>>
      tpu.wait_indirect_dma semaphore(%arg14 : memref<!tpu.dma_semaphore, #tpu.memory_space<semaphore_mem>>) src(%dma_wait3A_106 : memref<10000x128xf32, #tpu.memory_space<hbm>>) dst(%arg11 : memref<128x128xf32, #tpu.memory_space<vmem>>)
      %add3A_107 = arith.constant 3 : i32
      %add3A_108 = arith.addi %add3A_78, %add3A_107 : i32
      %add3A_109 = arith.constant 0 : i32
      %add3A_110 = arith.addi %add3A_109, %mul3A_4 : i32
      %mul3A_111 = arith.constant 128 : i32
      %mul3A_112 = arith.muli %add3A_108, %mul3A_111 : i32
      %add3A_113 = arith.addi %add3A_110, %mul3A_112 : i32
      %dma_start3A_114 = tpu.memref_slice %arg3[%add3A_113] : memref<640000xi32, #tpu.memory_space<hbm>> -> memref<128xi32, #tpu.memory_space<hbm>>
      %dma_start3A_115 = tpu.memref_slice %arg3[%add3A_113] : memref<640000xi32, #tpu.memory_space<hbm>> -> memref<128xi32, #tpu.memory_space<hbm>>
      tpu.enqueue_dma source(%dma_start3A_115 : memref<128xi32, #tpu.memory_space<hbm>>) target(%arg6 : memref<128xi32, #tpu.memory_space<vmem>>) target_semaphore(%arg18 : memref<!tpu.dma_semaphore, #tpu.memory_space<semaphore_mem>>)
      %add3A_116 = arith.constant 320000 : i32
      %add3A_117 = arith.addi %add3A_116, %mul3A_4 : i32
      %mul3A_118 = arith.constant 128 : i32
      %mul3A_119 = arith.muli %add3A_78, %mul3A_118 : i32
      %add3A_120 = arith.addi %add3A_117, %mul3A_119 : i32
      %dma_wait3A_121 = tpu.memref_slice %arg3[%add3A_120] : memref<640000xi32, #tpu.memory_space<hbm>> -> memref<128xi32, #tpu.memory_space<hbm>>
      %dma_wait3A_122 = tpu.memref_slice %arg3[%add3A_120] : memref<640000xi32, #tpu.memory_space<hbm>> -> memref<128xi32, #tpu.memory_space<hbm>>
      tpu.wait_dma2 semaphore(%arg21 : memref<!tpu.dma_semaphore, #tpu.memory_space<semaphore_mem>>) src(%dma_wait3A_122 : memref<128xi32, #tpu.memory_space<hbm>>) dst(%arg9 : memref<128xi32, #tpu.memory_space<vmem>>)
      %dma_start3A_123 = arith.constant 0 : i32
      %dma_start3A_124 = arith.constant 0 : i32
      %dma_start3A_125 = tpu.memref_slice %arg13[%dma_start3A_123, %dma_start3A_124] : memref<10240x128xf32, #tpu.memory_space<vmem_shared>> -> memref<10240x128xf32, #tpu.memory_space<vmem_shared>>
      tpu.enqueue_indirect_dma source(%arg11 : memref<128x128xf32, #tpu.memory_space<vmem>>) target(%dma_start3A_125 : memref<10240x128xf32, #tpu.memory_space<vmem_shared>>) offsets(%arg9 : memref<128xi32, #tpu.memory_space<vmem>>) semaphore(%arg16 : memref<!tpu.dma_semaphore, #tpu.memory_space<semaphore_mem>>) {add = true}
      %mul3A_126 = arith.constant 6 : i32
      %mul3A_127 = arith.muli %mul3A_126, %scan3A_74 : i32
      %add3A_128 = arith.constant 1 : i32
      %add3A_129 = arith.addi %mul3A_127, %add3A_128 : i32
      %sub3A = arith.constant 1 : i32
      %sub3A_130 = arith.subi %add3A_129, %sub3A : i32
      %dma_wait3A_131 = arith.constant 0 : i32
      %dma_wait3A_132 = arith.constant 0 : i32
      %dma_wait3A_133 = tpu.memref_slice %arg13[%dma_wait3A_131, %dma_wait3A_132] : memref<10240x128xf32, #tpu.memory_space<vmem_shared>> -> memref<10240x128xf32, #tpu.memory_space<vmem_shared>>
      tpu.wait_indirect_dma semaphore(%arg16 : memref<!tpu.dma_semaphore, #tpu.memory_space<semaphore_mem>>) src(%arg11 : memref<128x128xf32, #tpu.memory_space<vmem>>) dst(%dma_wait3A_133 : memref<10240x128xf32, #tpu.memory_space<vmem_shared>>)
      %add3A_134 = arith.constant 1 : i32
      %add3A_135 = arith.addi %add3A_129, %add3A_134 : i32
      %add3A_136 = arith.constant 320000 : i32
      %add3A_137 = arith.addi %add3A_136, %mul3A_4 : i32
      %mul3A_138 = arith.constant 128 : i32
      %mul3A_139 = arith.muli %add3A_135, %mul3A_138 : i32
      %add3A_140 = arith.addi %add3A_137, %mul3A_139 : i32
      %dma_start3A_141 = tpu.memref_slice %arg3[%add3A_140] : memref<640000xi32, #tpu.memory_space<hbm>> -> memref<128xi32, #tpu.memory_space<hbm>>
      %dma_start3A_142 = tpu.memref_slice %arg3[%add3A_140] : memref<640000xi32, #tpu.memory_space<hbm>> -> memref<128xi32, #tpu.memory_space<hbm>>
      tpu.enqueue_dma source(%dma_start3A_142 : memref<128xi32, #tpu.memory_space<hbm>>) target(%arg9 : memref<128xi32, #tpu.memory_space<vmem>>) target_semaphore(%arg21 : memref<!tpu.dma_semaphore, #tpu.memory_space<semaphore_mem>>)
      %add3A_143 = arith.constant 1 : i32
      %add3A_144 = arith.addi %add3A_129, %add3A_143 : i32
      %add3A_145 = arith.constant 0 : i32
      %add3A_146 = arith.addi %add3A_145, %mul3A_4 : i32
      %mul3A_147 = arith.constant 128 : i32
      %mul3A_148 = arith.muli %add3A_144, %mul3A_147 : i32
      %add3A_149 = arith.addi %add3A_146, %mul3A_148 : i32
      %dma_wait3A_150 = tpu.memref_slice %arg3[%add3A_149] : memref<640000xi32, #tpu.memory_space<hbm>> -> memref<128xi32, #tpu.memory_space<hbm>>
      %dma_wait3A_151 = tpu.memref_slice %arg3[%add3A_149] : memref<640000xi32, #tpu.memory_space<hbm>> -> memref<128xi32, #tpu.memory_space<hbm>>
      tpu.wait_dma2 semaphore(%arg20 : memref<!tpu.dma_semaphore, #tpu.memory_space<semaphore_mem>>) src(%dma_wait3A_151 : memref<128xi32, #tpu.memory_space<hbm>>) dst(%arg8 : memref<128xi32, #tpu.memory_space<vmem>>)
      %add3A_152 = arith.constant 1 : i32
      %add3A_153 = arith.addi %add3A_129, %add3A_152 : i32
      %dma_start3A_154 = arith.constant 0 : i32
      %dma_start3A_155 = arith.constant 0 : i32
      %dma_start3A_156 = tpu.memref_slice %arg2[%dma_start3A_154, %dma_start3A_155] : memref<10000x128xf32, #tpu.memory_space<hbm>> -> memref<10000x128xf32, #tpu.memory_space<hbm>>
      tpu.enqueue_indirect_dma source(%dma_start3A_156 : memref<10000x128xf32, #tpu.memory_space<hbm>>) target(%arg11 : memref<128x128xf32, #tpu.memory_space<vmem>>) offsets(%arg8 : memref<128xi32, #tpu.memory_space<vmem>>) semaphore(%arg14 : memref<!tpu.dma_semaphore, #tpu.memory_space<semaphore_mem>>)
      %dma_wait3A_157 = arith.constant 0 : i32
      %dma_wait3A_158 = arith.constant 0 : i32
      %dma_wait3A_159 = tpu.memref_slice %arg2[%dma_wait3A_157, %dma_wait3A_158] : memref<10000x128xf32, #tpu.memory_space<hbm>> -> memref<10000x128xf32, #tpu.memory_space<hbm>>
      tpu.wait_indirect_dma semaphore(%arg15 : memref<!tpu.dma_semaphore, #tpu.memory_space<semaphore_mem>>) src(%dma_wait3A_159 : memref<10000x128xf32, #tpu.memory_space<hbm>>) dst(%arg12 : memref<128x128xf32, #tpu.memory_space<vmem>>)
      %add3A_160 = arith.constant 3 : i32
      %add3A_161 = arith.addi %add3A_129, %add3A_160 : i32
      %add3A_162 = arith.constant 0 : i32
      %add3A_163 = arith.addi %add3A_162, %mul3A_4 : i32
      %mul3A_164 = arith.constant 128 : i32
      %mul3A_165 = arith.muli %add3A_161, %mul3A_164 : i32
      %add3A_166 = arith.addi %add3A_163, %mul3A_165 : i32
      %dma_start3A_167 = tpu.memref_slice %arg3[%add3A_166] : memref<640000xi32, #tpu.memory_space<hbm>> -> memref<128xi32, #tpu.memory_space<hbm>>
      %dma_start3A_168 = tpu.memref_slice %arg3[%add3A_166] : memref<640000xi32, #tpu.memory_space<hbm>> -> memref<128xi32, #tpu.memory_space<hbm>>
      tpu.enqueue_dma source(%dma_start3A_168 : memref<128xi32, #tpu.memory_space<hbm>>) target(%arg7 : memref<128xi32, #tpu.memory_space<vmem>>) target_semaphore(%arg19 : memref<!tpu.dma_semaphore, #tpu.memory_space<semaphore_mem>>)
      %add3A_169 = arith.constant 320000 : i32
      %add3A_170 = arith.addi %add3A_169, %mul3A_4 : i32
      %mul3A_171 = arith.constant 128 : i32
      %mul3A_172 = arith.muli %add3A_129, %mul3A_171 : i32
      %add3A_173 = arith.addi %add3A_170, %mul3A_172 : i32
      %dma_wait3A_174 = tpu.memref_slice %arg3[%add3A_173] : memref<640000xi32, #tpu.memory_space<hbm>> -> memref<128xi32, #tpu.memory_space<hbm>>
      %dma_wait3A_175 = tpu.memref_slice %arg3[%add3A_173] : memref<640000xi32, #tpu.memory_space<hbm>> -> memref<128xi32, #tpu.memory_space<hbm>>
      tpu.wait_dma2 semaphore(%arg22 : memref<!tpu.dma_semaphore, #tpu.memory_space<semaphore_mem>>) src(%dma_wait3A_175 : memref<128xi32, #tpu.memory_space<hbm>>) dst(%arg10 : memref<128xi32, #tpu.memory_space<vmem>>)
      %dma_start3A_176 = arith.constant 0 : i32
      %dma_start3A_177 = arith.constant 0 : i32
      %dma_start3A_178 = tpu.memref_slice %arg13[%dma_start3A_176, %dma_start3A_177] : memref<10240x128xf32, #tpu.memory_space<vmem_shared>> -> memref<10240x128xf32, #tpu.memory_space<vmem_shared>>
      tpu.enqueue_indirect_dma source(%arg12 : memref<128x128xf32, #tpu.memory_space<vmem>>) target(%dma_start3A_178 : memref<10240x128xf32, #tpu.memory_space<vmem_shared>>) offsets(%arg10 : memref<128xi32, #tpu.memory_space<vmem>>) semaphore(%arg17 : memref<!tpu.dma_semaphore, #tpu.memory_space<semaphore_mem>>) {add = true}
      %mul3A_179 = arith.constant 6 : i32
      %mul3A_180 = arith.muli %mul3A_179, %scan3A_74 : i32
      %add3A_181 = arith.constant 2 : i32
      %add3A_182 = arith.addi %mul3A_180, %add3A_181 : i32
      %sub3A_183 = arith.constant 1 : i32
      %sub3A_184 = arith.subi %add3A_182, %sub3A_183 : i32
      %dma_wait3A_185 = arith.constant 0 : i32
      %dma_wait3A_186 = arith.constant 0 : i32
      %dma_wait3A_187 = tpu.memref_slice %arg13[%dma_wait3A_185, %dma_wait3A_186] : memref<10240x128xf32, #tpu.memory_space<vmem_shared>> -> memref<10240x128xf32, #tpu.memory_space<vmem_shared>>
      tpu.wait_indirect_dma semaphore(%arg17 : memref<!tpu.dma_semaphore, #tpu.memory_space<semaphore_mem>>) src(%arg12 : memref<128x128xf32, #tpu.memory_space<vmem>>) dst(%dma_wait3A_187 : memref<10240x128xf32, #tpu.memory_space<vmem_shared>>)
      %add3A_188 = arith.constant 1 : i32
      %add3A_189 = arith.addi %add3A_182, %add3A_188 : i32
      %add3A_190 = arith.constant 320000 : i32
      %add3A_191 = arith.addi %add3A_190, %mul3A_4 : i32
      %mul3A_192 = arith.constant 128 : i32
      %mul3A_193 = arith.muli %add3A_189, %mul3A_192 : i32
      %add3A_194 = arith.addi %add3A_191, %mul3A_193 : i32
      %dma_start3A_195 = tpu.memref_slice %arg3[%add3A_194] : memref<640000xi32, #tpu.memory_space<hbm>> -> memref<128xi32, #tpu.memory_space<hbm>>
      %dma_start3A_196 = tpu.memref_slice %arg3[%add3A_194] : memref<640000xi32, #tpu.memory_space<hbm>> -> memref<128xi32, #tpu.memory_space<hbm>>
      tpu.enqueue_dma source(%dma_start3A_196 : memref<128xi32, #tpu.memory_space<hbm>>) target(%arg10 : memref<128xi32, #tpu.memory_space<vmem>>) target_semaphore(%arg22 : memref<!tpu.dma_semaphore, #tpu.memory_space<semaphore_mem>>)
      %add3A_197 = arith.constant 1 : i32
      %add3A_198 = arith.addi %add3A_182, %add3A_197 : i32
      %add3A_199 = arith.constant 0 : i32
      %add3A_200 = arith.addi %add3A_199, %mul3A_4 : i32
      %mul3A_201 = arith.constant 128 : i32
      %mul3A_202 = arith.muli %add3A_198, %mul3A_201 : i32
      %add3A_203 = arith.addi %add3A_200, %mul3A_202 : i32
      %dma_wait3A_204 = tpu.memref_slice %arg3[%add3A_203] : memref<640000xi32, #tpu.memory_space<hbm>> -> memref<128xi32, #tpu.memory_space<hbm>>
      %dma_wait3A_205 = tpu.memref_slice %arg3[%add3A_203] : memref<640000xi32, #tpu.memory_space<hbm>> -> memref<128xi32, #tpu.memory_space<hbm>>
      tpu.wait_dma2 semaphore(%arg18 : memref<!tpu.dma_semaphore, #tpu.memory_space<semaphore_mem>>) src(%dma_wait3A_205 : memref<128xi32, #tpu.memory_space<hbm>>) dst(%arg6 : memref<128xi32, #tpu.memory_space<vmem>>)
      %add3A_206 = arith.constant 1 : i32
      %add3A_207 = arith.addi %add3A_182, %add3A_206 : i32
      %dma_start3A_208 = arith.constant 0 : i32
      %dma_start3A_209 = arith.constant 0 : i32
      %dma_start3A_210 = tpu.memref_slice %arg2[%dma_start3A_208, %dma_start3A_209] : memref<10000x128xf32, #tpu.memory_space<hbm>> -> memref<10000x128xf32, #tpu.memory_space<hbm>>
      tpu.enqueue_indirect_dma source(%dma_start3A_210 : memref<10000x128xf32, #tpu.memory_space<hbm>>) target(%arg12 : memref<128x128xf32, #tpu.memory_space<vmem>>) offsets(%arg6 : memref<128xi32, #tpu.memory_space<vmem>>) semaphore(%arg15 : memref<!tpu.dma_semaphore, #tpu.memory_space<semaphore_mem>>)
      %dma_wait3A_211 = arith.constant 0 : i32
      %dma_wait3A_212 = arith.constant 0 : i32
      %dma_wait3A_213 = tpu.memref_slice %arg2[%dma_wait3A_211, %dma_wait3A_212] : memref<10000x128xf32, #tpu.memory_space<hbm>> -> memref<10000x128xf32, #tpu.memory_space<hbm>>
      tpu.wait_indirect_dma semaphore(%arg14 : memref<!tpu.dma_semaphore, #tpu.memory_space<semaphore_mem>>) src(%dma_wait3A_213 : memref<10000x128xf32, #tpu.memory_space<hbm>>) dst(%arg11 : memref<128x128xf32, #tpu.memory_space<vmem>>)
      %add3A_214 = arith.constant 3 : i32
      %add3A_215 = arith.addi %add3A_182, %add3A_214 : i32
      %add3A_216 = arith.constant 0 : i32
      %add3A_217 = arith.addi %add3A_216, %mul3A_4 : i32
      %mul3A_218 = arith.constant 128 : i32
      %mul3A_219 = arith.muli %add3A_215, %mul3A_218 : i32
      %add3A_220 = arith.addi %add3A_217, %mul3A_219 : i32
      %dma_start3A_221 = tpu.memref_slice %arg3[%add3A_220] : memref<640000xi32, #tpu.memory_space<hbm>> -> memref<128xi32, #tpu.memory_space<hbm>>
      %dma_start3A_222 = tpu.memref_slice %arg3[%add3A_220] : memref<640000xi32, #tpu.memory_space<hbm>> -> memref<128xi32, #tpu.memory_space<hbm>>
      tpu.enqueue_dma source(%dma_start3A_222 : memref<128xi32, #tpu.memory_space<hbm>>) target(%arg8 : memref<128xi32, #tpu.memory_space<vmem>>) target_semaphore(%arg20 : memref<!tpu.dma_semaphore, #tpu.memory_space<semaphore_mem>>)
      %add3A_223 = arith.constant 320000 : i32
      %add3A_224 = arith.addi %add3A_223, %mul3A_4 : i32
      %mul3A_225 = arith.constant 128 : i32
      %mul3A_226 = arith.muli %add3A_182, %mul3A_225 : i32
      %add3A_227 = arith.addi %add3A_224, %mul3A_226 : i32
      %dma_wait3A_228 = tpu.memref_slice %arg3[%add3A_227] : memref<640000xi32, #tpu.memory_space<hbm>> -> memref<128xi32, #tpu.memory_space<hbm>>
      %dma_wait3A_229 = tpu.memref_slice %arg3[%add3A_227] : memref<640000xi32, #tpu.memory_space<hbm>> -> memref<128xi32, #tpu.memory_space<hbm>>
      tpu.wait_dma2 semaphore(%arg21 : memref<!tpu.dma_semaphore, #tpu.memory_space<semaphore_mem>>) src(%dma_wait3A_229 : memref<128xi32, #tpu.memory_space<hbm>>) dst(%arg9 : memref<128xi32, #tpu.memory_space<vmem>>)
      %dma_start3A_230 = arith.constant 0 : i32
      %dma_start3A_231 = arith.constant 0 : i32
      %dma_start3A_232 = tpu.memref_slice %arg13[%dma_start3A_230, %dma_start3A_231] : memref<10240x128xf32, #tpu.memory_space<vmem_shared>> -> memref<10240x128xf32, #tpu.memory_space<vmem_shared>>
      tpu.enqueue_indirect_dma source(%arg11 : memref<128x128xf32, #tpu.memory_space<vmem>>) target(%dma_start3A_232 : memref<10240x128xf32, #tpu.memory_space<vmem_shared>>) offsets(%arg9 : memref<128xi32, #tpu.memory_space<vmem>>) semaphore(%arg16 : memref<!tpu.dma_semaphore, #tpu.memory_space<semaphore_mem>>) {add = true}
      %mul3A_233 = arith.constant 6 : i32
      %mul3A_234 = arith.muli %mul3A_233, %scan3A_74 : i32
      %add3A_235 = arith.constant 3 : i32
      %add3A_236 = arith.addi %mul3A_234, %add3A_235 : i32
      %sub3A_237 = arith.constant 1 : i32
      %sub3A_238 = arith.subi %add3A_236, %sub3A_237 : i32
      %dma_wait3A_239 = arith.constant 0 : i32
      %dma_wait3A_240 = arith.constant 0 : i32
      %dma_wait3A_241 = tpu.memref_slice %arg13[%dma_wait3A_239, %dma_wait3A_240] : memref<10240x128xf32, #tpu.memory_space<vmem_shared>> -> memref<10240x128xf32, #tpu.memory_space<vmem_shared>>
      tpu.wait_indirect_dma semaphore(%arg16 : memref<!tpu.dma_semaphore, #tpu.memory_space<semaphore_mem>>) src(%arg11 : memref<128x128xf32, #tpu.memory_space<vmem>>) dst(%dma_wait3A_241 : memref<10240x128xf32, #tpu.memory_space<vmem_shared>>)
      %add3A_242 = arith.constant 1 : i32
      %add3A_243 = arith.addi %add3A_236, %add3A_242 : i32
      %add3A_244 = arith.constant 320000 : i32
      %add3A_245 = arith.addi %add3A_244, %mul3A_4 : i32
      %mul3A_246 = arith.constant 128 : i32
      %mul3A_247 = arith.muli %add3A_243, %mul3A_246 : i32
      %add3A_248 = arith.addi %add3A_245, %mul3A_247 : i32
      %dma_start3A_249 = tpu.memref_slice %arg3[%add3A_248] : memref<640000xi32, #tpu.memory_space<hbm>> -> memref<128xi32, #tpu.memory_space<hbm>>
      %dma_start3A_250 = tpu.memref_slice %arg3[%add3A_248] : memref<640000xi32, #tpu.memory_space<hbm>> -> memref<128xi32, #tpu.memory_space<hbm>>
      tpu.enqueue_dma source(%dma_start3A_250 : memref<128xi32, #tpu.memory_space<hbm>>) target(%arg9 : memref<128xi32, #tpu.memory_space<vmem>>) target_semaphore(%arg21 : memref<!tpu.dma_semaphore, #tpu.memory_space<semaphore_mem>>)
      %add3A_251 = arith.constant 1 : i32
      %add3A_252 = arith.addi %add3A_236, %add3A_251 : i32
      %add3A_253 = arith.constant 0 : i32
      %add3A_254 = arith.addi %add3A_253, %mul3A_4 : i32
      %mul3A_255 = arith.constant 128 : i32
      %mul3A_256 = arith.muli %add3A_252, %mul3A_255 : i32
      %add3A_257 = arith.addi %add3A_254, %mul3A_256 : i32
      %dma_wait3A_258 = tpu.memref_slice %arg3[%add3A_257] : memref<640000xi32, #tpu.memory_space<hbm>> -> memref<128xi32, #tpu.memory_space<hbm>>
      %dma_wait3A_259 = tpu.memref_slice %arg3[%add3A_257] : memref<640000xi32, #tpu.memory_space<hbm>> -> memref<128xi32, #tpu.memory_space<hbm>>
      tpu.wait_dma2 semaphore(%arg19 : memref<!tpu.dma_semaphore, #tpu.memory_space<semaphore_mem>>) src(%dma_wait3A_259 : memref<128xi32, #tpu.memory_space<hbm>>) dst(%arg7 : memref<128xi32, #tpu.memory_space<vmem>>)
      %add3A_260 = arith.constant 1 : i32
      %add3A_261 = arith.addi %add3A_236, %add3A_260 : i32
      %dma_start3A_262 = arith.constant 0 : i32
      %dma_start3A_263 = arith.constant 0 : i32
      %dma_start3A_264 = tpu.memref_slice %arg2[%dma_start3A_262, %dma_start3A_263] : memref<10000x128xf32, #tpu.memory_space<hbm>> -> memref<10000x128xf32, #tpu.memory_space<hbm>>
      tpu.enqueue_indirect_dma source(%dma_start3A_264 : memref<10000x128xf32, #tpu.memory_space<hbm>>) target(%arg11 : memref<128x128xf32, #tpu.memory_space<vmem>>) offsets(%arg7 : memref<128xi32, #tpu.memory_space<vmem>>) semaphore(%arg14 : memref<!tpu.dma_semaphore, #tpu.memory_space<semaphore_mem>>)
      %dma_wait3A_265 = arith.constant 0 : i32
      %dma_wait3A_266 = arith.constant 0 : i32
      %dma_wait3A_267 = tpu.memref_slice %arg2[%dma_wait3A_265, %dma_wait3A_266] : memref<10000x128xf32, #tpu.memory_space<hbm>> -> memref<10000x128xf32, #tpu.memory_space<hbm>>
      tpu.wait_indirect_dma semaphore(%arg15 : memref<!tpu.dma_semaphore, #tpu.memory_space<semaphore_mem>>) src(%dma_wait3A_267 : memref<10000x128xf32, #tpu.memory_space<hbm>>) dst(%arg12 : memref<128x128xf32, #tpu.memory_space<vmem>>)
      %lt3A = arith.constant 12 : i32
      %lt3A_268 = arith.cmpi slt, %scan3A_74, %lt3A : i32
      %convert_element_type3A_269 = arith.extui %lt3A_268 : i1 to i32
      %cond3A_270 = arith.constant 0 : i32
      %cond3A_271 = arith.cmpi ne, %convert_element_type3A_269, %cond3A_270 : i32
      scf.if %cond3A_271 {
        %add3A_364 = arith.constant 3 : i32
        %add3A_365 = arith.addi %add3A_236, %add3A_364 : i32
        %add3A_366 = arith.constant 0 : i32
        %add3A_367 = arith.addi %add3A_366, %mul3A_4 : i32
        %mul3A_368 = arith.constant 128 : i32
        %mul3A_369 = arith.muli %add3A_365, %mul3A_368 : i32
        %add3A_370 = arith.addi %add3A_367, %mul3A_369 : i32
        %dma_start3A_371 = tpu.memref_slice %arg3[%add3A_370] : memref<640000xi32, #tpu.memory_space<hbm>> -> memref<128xi32, #tpu.memory_space<hbm>>
        %dma_start3A_372 = tpu.memref_slice %arg3[%add3A_370] : memref<640000xi32, #tpu.memory_space<hbm>> -> memref<128xi32, #tpu.memory_space<hbm>>
        tpu.enqueue_dma source(%dma_start3A_372 : memref<128xi32, #tpu.memory_space<hbm>>) target(%arg6 : memref<128xi32, #tpu.memory_space<vmem>>) target_semaphore(%arg18 : memref<!tpu.dma_semaphore, #tpu.memory_space<semaphore_mem>>)
      } else {
      }
      %add3A_272 = arith.constant 320000 : i32
      %add3A_273 = arith.addi %add3A_272, %mul3A_4 : i32
      %mul3A_274 = arith.constant 128 : i32
      %mul3A_275 = arith.muli %add3A_236, %mul3A_274 : i32
      %add3A_276 = arith.addi %add3A_273, %mul3A_275 : i32
      %dma_wait3A_277 = tpu.memref_slice %arg3[%add3A_276] : memref<640000xi32, #tpu.memory_space<hbm>> -> memref<128xi32, #tpu.memory_space<hbm>>
      %dma_wait3A_278 = tpu.memref_slice %arg3[%add3A_276] : memref<640000xi32, #tpu.memory_space<hbm>> -> memref<128xi32, #tpu.memory_space<hbm>>
      tpu.wait_dma2 semaphore(%arg22 : memref<!tpu.dma_semaphore, #tpu.memory_space<semaphore_mem>>) src(%dma_wait3A_278 : memref<128xi32, #tpu.memory_space<hbm>>) dst(%arg10 : memref<128xi32, #tpu.memory_space<vmem>>)
      %dma_start3A_279 = arith.constant 0 : i32
      %dma_start3A_280 = arith.constant 0 : i32
      %dma_start3A_281 = tpu.memref_slice %arg13[%dma_start3A_279, %dma_start3A_280] : memref<10240x128xf32, #tpu.memory_space<vmem_shared>> -> memref<10240x128xf32, #tpu.memory_space<vmem_shared>>
      tpu.enqueue_indirect_dma source(%arg12 : memref<128x128xf32, #tpu.memory_space<vmem>>) target(%dma_start3A_281 : memref<10240x128xf32, #tpu.memory_space<vmem_shared>>) offsets(%arg10 : memref<128xi32, #tpu.memory_space<vmem>>) semaphore(%arg17 : memref<!tpu.dma_semaphore, #tpu.memory_space<semaphore_mem>>) {add = true}
      %mul3A_282 = arith.constant 6 : i32
      %mul3A_283 = arith.muli %mul3A_282, %scan3A_74 : i32
      %add3A_284 = arith.constant 4 : i32
      %add3A_285 = arith.addi %mul3A_283, %add3A_284 : i32
      %sub3A_286 = arith.constant 1 : i32
      %sub3A_287 = arith.subi %add3A_285, %sub3A_286 : i32
      %dma_wait3A_288 = arith.constant 0 : i32
      %dma_wait3A_289 = arith.constant 0 : i32
      %dma_wait3A_290 = tpu.memref_slice %arg13[%dma_wait3A_288, %dma_wait3A_289] : memref<10240x128xf32, #tpu.memory_space<vmem_shared>> -> memref<10240x128xf32, #tpu.memory_space<vmem_shared>>
      tpu.wait_indirect_dma semaphore(%arg17 : memref<!tpu.dma_semaphore, #tpu.memory_space<semaphore_mem>>) src(%arg12 : memref<128x128xf32, #tpu.memory_space<vmem>>) dst(%dma_wait3A_290 : memref<10240x128xf32, #tpu.memory_space<vmem_shared>>)
      %add3A_291 = arith.constant 1 : i32
      %add3A_292 = arith.addi %add3A_285, %add3A_291 : i32
      %add3A_293 = arith.constant 320000 : i32
      %add3A_294 = arith.addi %add3A_293, %mul3A_4 : i32
      %mul3A_295 = arith.constant 128 : i32
      %mul3A_296 = arith.muli %add3A_292, %mul3A_295 : i32
      %add3A_297 = arith.addi %add3A_294, %mul3A_296 : i32
      %dma_start3A_298 = tpu.memref_slice %arg3[%add3A_297] : memref<640000xi32, #tpu.memory_space<hbm>> -> memref<128xi32, #tpu.memory_space<hbm>>
      %dma_start3A_299 = tpu.memref_slice %arg3[%add3A_297] : memref<640000xi32, #tpu.memory_space<hbm>> -> memref<128xi32, #tpu.memory_space<hbm>>
      tpu.enqueue_dma source(%dma_start3A_299 : memref<128xi32, #tpu.memory_space<hbm>>) target(%arg10 : memref<128xi32, #tpu.memory_space<vmem>>) target_semaphore(%arg22 : memref<!tpu.dma_semaphore, #tpu.memory_space<semaphore_mem>>)
      %add3A_300 = arith.constant 1 : i32
      %add3A_301 = arith.addi %add3A_285, %add3A_300 : i32
      %add3A_302 = arith.constant 0 : i32
      %add3A_303 = arith.addi %add3A_302, %mul3A_4 : i32
      %mul3A_304 = arith.constant 128 : i32
      %mul3A_305 = arith.muli %add3A_301, %mul3A_304 : i32
      %add3A_306 = arith.addi %add3A_303, %mul3A_305 : i32
      %dma_wait3A_307 = tpu.memref_slice %arg3[%add3A_306] : memref<640000xi32, #tpu.memory_space<hbm>> -> memref<128xi32, #tpu.memory_space<hbm>>
      %dma_wait3A_308 = tpu.memref_slice %arg3[%add3A_306] : memref<640000xi32, #tpu.memory_space<hbm>> -> memref<128xi32, #tpu.memory_space<hbm>>
      tpu.wait_dma2 semaphore(%arg20 : memref<!tpu.dma_semaphore, #tpu.memory_space<semaphore_mem>>) src(%dma_wait3A_308 : memref<128xi32, #tpu.memory_space<hbm>>) dst(%arg8 : memref<128xi32, #tpu.memory_space<vmem>>)
      %add3A_309 = arith.constant 1 : i32
      %add3A_310 = arith.addi %add3A_285, %add3A_309 : i32
      %dma_start3A_311 = arith.constant 0 : i32
      %dma_start3A_312 = arith.constant 0 : i32
      %dma_start3A_313 = tpu.memref_slice %arg2[%dma_start3A_311, %dma_start3A_312] : memref<10000x128xf32, #tpu.memory_space<hbm>> -> memref<10000x128xf32, #tpu.memory_space<hbm>>
      tpu.enqueue_indirect_dma source(%dma_start3A_313 : memref<10000x128xf32, #tpu.memory_space<hbm>>) target(%arg12 : memref<128x128xf32, #tpu.memory_space<vmem>>) offsets(%arg8 : memref<128xi32, #tpu.memory_space<vmem>>) semaphore(%arg15 : memref<!tpu.dma_semaphore, #tpu.memory_space<semaphore_mem>>)
      %dma_wait3A_314 = arith.constant 0 : i32
      %dma_wait3A_315 = arith.constant 0 : i32
      %dma_wait3A_316 = tpu.memref_slice %arg2[%dma_wait3A_314, %dma_wait3A_315] : memref<10000x128xf32, #tpu.memory_space<hbm>> -> memref<10000x128xf32, #tpu.memory_space<hbm>>
      tpu.wait_indirect_dma semaphore(%arg14 : memref<!tpu.dma_semaphore, #tpu.memory_space<semaphore_mem>>) src(%dma_wait3A_316 : memref<10000x128xf32, #tpu.memory_space<hbm>>) dst(%arg11 : memref<128x128xf32, #tpu.memory_space<vmem>>)
      %lt3A_317 = arith.constant 12 : i32
      %lt3A_318 = arith.cmpi slt, %scan3A_74, %lt3A_317 : i32
      %convert_element_type3A_319 = arith.extui %lt3A_318 : i1 to i32
      %cond3A_320 = arith.constant 0 : i32
      %cond3A_321 = arith.cmpi ne, %convert_element_type3A_319, %cond3A_320 : i32
      scf.if %cond3A_321 {
        %add3A_364 = arith.constant 3 : i32
        %add3A_365 = arith.addi %add3A_285, %add3A_364 : i32
        %add3A_366 = arith.constant 0 : i32
        %add3A_367 = arith.addi %add3A_366, %mul3A_4 : i32
        %mul3A_368 = arith.constant 128 : i32
        %mul3A_369 = arith.muli %add3A_365, %mul3A_368 : i32
        %add3A_370 = arith.addi %add3A_367, %mul3A_369 : i32
        %dma_start3A_371 = tpu.memref_slice %arg3[%add3A_370] : memref<640000xi32, #tpu.memory_space<hbm>> -> memref<128xi32, #tpu.memory_space<hbm>>
        %dma_start3A_372 = tpu.memref_slice %arg3[%add3A_370] : memref<640000xi32, #tpu.memory_space<hbm>> -> memref<128xi32, #tpu.memory_space<hbm>>
        tpu.enqueue_dma source(%dma_start3A_372 : memref<128xi32, #tpu.memory_space<hbm>>) target(%arg7 : memref<128xi32, #tpu.memory_space<vmem>>) target_semaphore(%arg19 : memref<!tpu.dma_semaphore, #tpu.memory_space<semaphore_mem>>)
      } else {
      }
      %add3A_322 = arith.constant 320000 : i32
      %add3A_323 = arith.addi %add3A_322, %mul3A_4 : i32
      %mul3A_324 = arith.constant 128 : i32
      %mul3A_325 = arith.muli %add3A_285, %mul3A_324 : i32
      %add3A_326 = arith.addi %add3A_323, %mul3A_325 : i32
      %dma_wait3A_327 = tpu.memref_slice %arg3[%add3A_326] : memref<640000xi32, #tpu.memory_space<hbm>> -> memref<128xi32, #tpu.memory_space<hbm>>
      %dma_wait3A_328 = tpu.memref_slice %arg3[%add3A_326] : memref<640000xi32, #tpu.memory_space<hbm>> -> memref<128xi32, #tpu.memory_space<hbm>>
      tpu.wait_dma2 semaphore(%arg21 : memref<!tpu.dma_semaphore, #tpu.memory_space<semaphore_mem>>) src(%dma_wait3A_328 : memref<128xi32, #tpu.memory_space<hbm>>) dst(%arg9 : memref<128xi32, #tpu.memory_space<vmem>>)
      %dma_start3A_329 = arith.constant 0 : i32
      %dma_start3A_330 = arith.constant 0 : i32
      %dma_start3A_331 = tpu.memref_slice %arg13[%dma_start3A_329, %dma_start3A_330] : memref<10240x128xf32, #tpu.memory_space<vmem_shared>> -> memref<10240x128xf32, #tpu.memory_space<vmem_shared>>
      tpu.enqueue_indirect_dma source(%arg11 : memref<128x128xf32, #tpu.memory_space<vmem>>) target(%dma_start3A_331 : memref<10240x128xf32, #tpu.memory_space<vmem_shared>>) offsets(%arg9 : memref<128xi32, #tpu.memory_space<vmem>>) semaphore(%arg16 : memref<!tpu.dma_semaphore, #tpu.memory_space<semaphore_mem>>) {add = true}
      %mul3A_332 = arith.constant 6 : i32
      %mul3A_333 = arith.muli %mul3A_332, %scan3A_74 : i32
      %add3A_334 = arith.constant 5 : i32
      %add3A_335 = arith.addi %mul3A_333, %add3A_334 : i32
      %sub3A_336 = arith.constant 1 : i32
      %sub3A_337 = arith.subi %add3A_335, %sub3A_336 : i32
      %dma_wait3A_338 = arith.constant 0 : i32
      %dma_wait3A_339 = arith.constant 0 : i32
      %dma_wait3A_340 = tpu.memref_slice %arg13[%dma_wait3A_338, %dma_wait3A_339] : memref<10240x128xf32, #tpu.memory_space<vmem_shared>> -> memref<10240x128xf32, #tpu.memory_space<vmem_shared>>
      tpu.wait_indirect_dma semaphore(%arg16 : memref<!tpu.dma_semaphore, #tpu.memory_space<semaphore_mem>>) src(%arg11 : memref<128x128xf32, #tpu.memory_space<vmem>>) dst(%dma_wait3A_340 : memref<10240x128xf32, #tpu.memory_space<vmem_shared>>)
      %lt3A_341 = arith.constant 12 : i32
      %lt3A_342 = arith.cmpi slt, %scan3A_74, %lt3A_341 : i32
      %convert_element_type3A_343 = arith.extui %lt3A_342 : i1 to i32
      %cond3A_344 = arith.constant 0 : i32
      %cond3A_345 = arith.cmpi ne, %convert_element_type3A_343, %cond3A_344 : i32
      scf.if %cond3A_345 {
        %add3A_364 = arith.constant 1 : i32
        %add3A_365 = arith.addi %add3A_335, %add3A_364 : i32
        %add3A_366 = arith.constant 320000 : i32
        %add3A_367 = arith.addi %add3A_366, %mul3A_4 : i32
        %mul3A_368 = arith.constant 128 : i32
        %mul3A_369 = arith.muli %add3A_365, %mul3A_368 : i32
        %add3A_370 = arith.addi %add3A_367, %mul3A_369 : i32
        %dma_start3A_371 = tpu.memref_slice %arg3[%add3A_370] : memref<640000xi32, #tpu.memory_space<hbm>> -> memref<128xi32, #tpu.memory_space<hbm>>
        %dma_start3A_372 = tpu.memref_slice %arg3[%add3A_370] : memref<640000xi32, #tpu.memory_space<hbm>> -> memref<128xi32, #tpu.memory_space<hbm>>
        tpu.enqueue_dma source(%dma_start3A_372 : memref<128xi32, #tpu.memory_space<hbm>>) target(%arg9 : memref<128xi32, #tpu.memory_space<vmem>>) target_semaphore(%arg21 : memref<!tpu.dma_semaphore, #tpu.memory_space<semaphore_mem>>)
        %add3A_373 = arith.constant 1 : i32
        %add3A_374 = arith.addi %add3A_335, %add3A_373 : i32
        %add3A_375 = arith.constant 0 : i32
        %add3A_376 = arith.addi %add3A_375, %mul3A_4 : i32
        %mul3A_377 = arith.constant 128 : i32
        %mul3A_378 = arith.muli %add3A_374, %mul3A_377 : i32
        %add3A_379 = arith.addi %add3A_376, %mul3A_378 : i32
        %dma_wait3A_380 = tpu.memref_slice %arg3[%add3A_379] : memref<640000xi32, #tpu.memory_space<hbm>> -> memref<128xi32, #tpu.memory_space<hbm>>
        %dma_wait3A_381 = tpu.memref_slice %arg3[%add3A_379] : memref<640000xi32, #tpu.memory_space<hbm>> -> memref<128xi32, #tpu.memory_space<hbm>>
        tpu.wait_dma2 semaphore(%arg18 : memref<!tpu.dma_semaphore, #tpu.memory_space<semaphore_mem>>) src(%dma_wait3A_381 : memref<128xi32, #tpu.memory_space<hbm>>) dst(%arg6 : memref<128xi32, #tpu.memory_space<vmem>>)
        %add3A_382 = arith.constant 1 : i32
        %add3A_383 = arith.addi %add3A_335, %add3A_382 : i32
        %dma_start3A_384 = arith.constant 0 : i32
        %dma_start3A_385 = arith.constant 0 : i32
        %dma_start3A_386 = tpu.memref_slice %arg2[%dma_start3A_384, %dma_start3A_385] : memref<10000x128xf32, #tpu.memory_space<hbm>> -> memref<10000x128xf32, #tpu.memory_space<hbm>>
        tpu.enqueue_indirect_dma source(%dma_start3A_386 : memref<10000x128xf32, #tpu.memory_space<hbm>>) target(%arg11 : memref<128x128xf32, #tpu.memory_space<vmem>>) offsets(%arg6 : memref<128xi32, #tpu.memory_space<vmem>>) semaphore(%arg14 : memref<!tpu.dma_semaphore, #tpu.memory_space<semaphore_mem>>)
      } else {
      }
      %dma_wait3A_346 = arith.constant 0 : i32
      %dma_wait3A_347 = arith.constant 0 : i32
      %dma_wait3A_348 = tpu.memref_slice %arg2[%dma_wait3A_346, %dma_wait3A_347] : memref<10000x128xf32, #tpu.memory_space<hbm>> -> memref<10000x128xf32, #tpu.memory_space<hbm>>
      tpu.wait_indirect_dma semaphore(%arg15 : memref<!tpu.dma_semaphore, #tpu.memory_space<semaphore_mem>>) src(%dma_wait3A_348 : memref<10000x128xf32, #tpu.memory_space<hbm>>) dst(%arg12 : memref<128x128xf32, #tpu.memory_space<vmem>>)
      %lt3A_349 = arith.constant 12 : i32
      %lt3A_350 = arith.cmpi slt, %scan3A_74, %lt3A_349 : i32
      %convert_element_type3A_351 = arith.extui %lt3A_350 : i1 to i32
      %cond3A_352 = arith.constant 0 : i32
      %cond3A_353 = arith.cmpi ne, %convert_element_type3A_351, %cond3A_352 : i32
      scf.if %cond3A_353 {
        %add3A_364 = arith.constant 3 : i32
        %add3A_365 = arith.addi %add3A_335, %add3A_364 : i32
        %add3A_366 = arith.constant 0 : i32
        %add3A_367 = arith.addi %add3A_366, %mul3A_4 : i32
        %mul3A_368 = arith.constant 128 : i32
        %mul3A_369 = arith.muli %add3A_365, %mul3A_368 : i32
        %add3A_370 = arith.addi %add3A_367, %mul3A_369 : i32
        %dma_start3A_371 = tpu.memref_slice %arg3[%add3A_370] : memref<640000xi32, #tpu.memory_space<hbm>> -> memref<128xi32, #tpu.memory_space<hbm>>
        %dma_start3A_372 = tpu.memref_slice %arg3[%add3A_370] : memref<640000xi32, #tpu.memory_space<hbm>> -> memref<128xi32, #tpu.memory_space<hbm>>
        tpu.enqueue_dma source(%dma_start3A_372 : memref<128xi32, #tpu.memory_space<hbm>>) target(%arg8 : memref<128xi32, #tpu.memory_space<vmem>>) target_semaphore(%arg20 : memref<!tpu.dma_semaphore, #tpu.memory_space<semaphore_mem>>)
      } else {
      }
      %add3A_354 = arith.constant 320000 : i32
      %add3A_355 = arith.addi %add3A_354, %mul3A_4 : i32
      %mul3A_356 = arith.constant 128 : i32
      %mul3A_357 = arith.muli %add3A_335, %mul3A_356 : i32
      %add3A_358 = arith.addi %add3A_355, %mul3A_357 : i32
      %dma_wait3A_359 = tpu.memref_slice %arg3[%add3A_358] : memref<640000xi32, #tpu.memory_space<hbm>> -> memref<128xi32, #tpu.memory_space<hbm>>
      %dma_wait3A_360 = tpu.memref_slice %arg3[%add3A_358] : memref<640000xi32, #tpu.memory_space<hbm>> -> memref<128xi32, #tpu.memory_space<hbm>>
      tpu.wait_dma2 semaphore(%arg22 : memref<!tpu.dma_semaphore, #tpu.memory_space<semaphore_mem>>) src(%dma_wait3A_360 : memref<128xi32, #tpu.memory_space<hbm>>) dst(%arg10 : memref<128xi32, #tpu.memory_space<vmem>>)
      %dma_start3A_361 = arith.constant 0 : i32
      %dma_start3A_362 = arith.constant 0 : i32
      %dma_start3A_363 = tpu.memref_slice %arg13[%dma_start3A_361, %dma_start3A_362] : memref<10240x128xf32, #tpu.memory_space<vmem_shared>> -> memref<10240x128xf32, #tpu.memory_space<vmem_shared>>
      tpu.enqueue_indirect_dma source(%arg12 : memref<128x128xf32, #tpu.memory_space<vmem>>) target(%dma_start3A_363 : memref<10240x128xf32, #tpu.memory_space<vmem_shared>>) offsets(%arg10 : memref<128xi32, #tpu.memory_space<vmem>>) semaphore(%arg17 : memref<!tpu.dma_semaphore, #tpu.memory_space<semaphore_mem>>) {add = true}
    }
    %scan3A_41 = arith.constant 13 : i32
    %add3A_42 = arith.constant 9984 : i32
    %add3A_43 = arith.addi %mul3A_4, %add3A_42 : i32
    "tpu.region"() ({
      %run_scoped3A = tpu.sem_alloc : memref<!tpu.dma_semaphore, #tpu.memory_space<semaphore_mem>>
      %dma_start3A_74 = tpu.memref_slice %arg3[%add3A_43] : memref<640000xi32, #tpu.memory_space<hbm>> -> memref<16xi32, #tpu.memory_space<hbm>>
      %dma_start3A_75 = tpu.memref_slice %arg3[%add3A_43] : memref<640000xi32, #tpu.memory_space<hbm>> -> memref<16xi32, #tpu.memory_space<hbm>>
      tpu.enqueue_dma source(%dma_start3A_75 : memref<16xi32, #tpu.memory_space<hbm>>) target(%arg23 : memref<16xi32, #tpu.memory_space<vmem>>) target_semaphore(%run_scoped3A : memref<!tpu.dma_semaphore, #tpu.memory_space<semaphore_mem>>)
      %dma_wait3A_76 = tpu.memref_slice %arg3[%add3A_43] : memref<640000xi32, #tpu.memory_space<hbm>> -> memref<16xi32, #tpu.memory_space<hbm>>
      %dma_wait3A_77 = tpu.memref_slice %arg3[%add3A_43] : memref<640000xi32, #tpu.memory_space<hbm>> -> memref<16xi32, #tpu.memory_space<hbm>>
      tpu.wait_dma2 semaphore(%run_scoped3A : memref<!tpu.dma_semaphore, #tpu.memory_space<semaphore_mem>>) src(%dma_wait3A_77 : memref<16xi32, #tpu.memory_space<hbm>>) dst(%arg23 : memref<16xi32, #tpu.memory_space<vmem>>)
      tpu.yield
    }) : () -> ()
    %add3A_44 = arith.constant 320000 : i32
    %add3A_45 = arith.addi %add3A_44, %add3A_43 : i32
    "tpu.region"() ({
      %run_scoped3A = tpu.sem_alloc : memref<!tpu.dma_semaphore, #tpu.memory_space<semaphore_mem>>
      %dma_start3A_74 = tpu.memref_slice %arg3[%add3A_45] : memref<640000xi32, #tpu.memory_space<hbm>> -> memref<16xi32, #tpu.memory_space<hbm>>
      %dma_start3A_75 = tpu.memref_slice %arg3[%add3A_45] : memref<640000xi32, #tpu.memory_space<hbm>> -> memref<16xi32, #tpu.memory_space<hbm>>
      tpu.enqueue_dma source(%dma_start3A_75 : memref<16xi32, #tpu.memory_space<hbm>>) target(%arg24 : memref<16xi32, #tpu.memory_space<vmem>>) target_semaphore(%run_scoped3A : memref<!tpu.dma_semaphore, #tpu.memory_space<semaphore_mem>>)
      %dma_wait3A_76 = tpu.memref_slice %arg3[%add3A_45] : memref<640000xi32, #tpu.memory_space<hbm>> -> memref<16xi32, #tpu.memory_space<hbm>>
      %dma_wait3A_77 = tpu.memref_slice %arg3[%add3A_45] : memref<640000xi32, #tpu.memory_space<hbm>> -> memref<16xi32, #tpu.memory_space<hbm>>
      tpu.wait_dma2 semaphore(%run_scoped3A : memref<!tpu.dma_semaphore, #tpu.memory_space<semaphore_mem>>) src(%dma_wait3A_77 : memref<16xi32, #tpu.memory_space<hbm>>) dst(%arg24 : memref<16xi32, #tpu.memory_space<vmem>>)
      tpu.yield
    }) : () -> ()
    %dma_start3A_46 = arith.constant 0 : i32
    %dma_start3A_47 = arith.constant 0 : i32
    %dma_start3A_48 = tpu.memref_slice %arg11[%dma_start3A_46, %dma_start3A_47] : memref<128x128xf32, #tpu.memory_space<vmem>> -> memref<16x128xf32, #tpu.memory_space<vmem>>
    %dma_start3A_49 = arith.constant 0 : i32
    %dma_start3A_50 = arith.constant 0 : i32
    %dma_start3A_51 = tpu.memref_slice %arg2[%dma_start3A_49, %dma_start3A_50] : memref<10000x128xf32, #tpu.memory_space<hbm>> -> memref<10000x128xf32, #tpu.memory_space<hbm>>
    tpu.enqueue_indirect_dma source(%dma_start3A_51 : memref<10000x128xf32, #tpu.memory_space<hbm>>) target(%dma_start3A_48 : memref<16x128xf32, #tpu.memory_space<vmem>>) offsets(%arg23 : memref<16xi32, #tpu.memory_space<vmem>>) semaphore(%arg14 : memref<!tpu.dma_semaphore, #tpu.memory_space<semaphore_mem>>)
    %dma_wait3A_52 = arith.constant 0 : i32
    %dma_wait3A_53 = arith.constant 0 : i32
    %dma_wait3A_54 = tpu.memref_slice %arg11[%dma_wait3A_52, %dma_wait3A_53] : memref<128x128xf32, #tpu.memory_space<vmem>> -> memref<16x128xf32, #tpu.memory_space<vmem>>
    %dma_wait3A_55 = arith.constant 0 : i32
    %dma_wait3A_56 = arith.constant 0 : i32
    %dma_wait3A_57 = tpu.memref_slice %arg2[%dma_wait3A_55, %dma_wait3A_56] : memref<10000x128xf32, #tpu.memory_space<hbm>> -> memref<10000x128xf32, #tpu.memory_space<hbm>>
    tpu.wait_indirect_dma semaphore(%arg14 : memref<!tpu.dma_semaphore, #tpu.memory_space<semaphore_mem>>) src(%dma_wait3A_57 : memref<10000x128xf32, #tpu.memory_space<hbm>>) dst(%dma_wait3A_54 : memref<16x128xf32, #tpu.memory_space<vmem>>)
    %dma_wait3A_58 = arith.constant 0 : i32
    %dma_wait3A_59 = arith.constant 0 : i32
    %dma_wait3A_60 = tpu.memref_slice %arg13[%dma_wait3A_58, %dma_wait3A_59] : memref<10240x128xf32, #tpu.memory_space<vmem_shared>> -> memref<10240x128xf32, #tpu.memory_space<vmem_shared>>
    tpu.wait_indirect_dma semaphore(%arg17 : memref<!tpu.dma_semaphore, #tpu.memory_space<semaphore_mem>>) src(%arg12 : memref<128x128xf32, #tpu.memory_space<vmem>>) dst(%dma_wait3A_60 : memref<10240x128xf32, #tpu.memory_space<vmem_shared>>)
    %dma_start3A_61 = arith.constant 0 : i32
    %dma_start3A_62 = arith.constant 0 : i32
    %dma_start3A_63 = tpu.memref_slice %arg11[%dma_start3A_61, %dma_start3A_62] : memref<128x128xf32, #tpu.memory_space<vmem>> -> memref<16x128xf32, #tpu.memory_space<vmem>>
    %dma_start3A_64 = arith.constant 0 : i32
    %dma_start3A_65 = arith.constant 0 : i32
    %dma_start3A_66 = tpu.memref_slice %arg13[%dma_start3A_64, %dma_start3A_65] : memref<10240x128xf32, #tpu.memory_space<vmem_shared>> -> memref<10240x128xf32, #tpu.memory_space<vmem_shared>>
    tpu.enqueue_indirect_dma source(%dma_start3A_63 : memref<16x128xf32, #tpu.memory_space<vmem>>) target(%dma_start3A_66 : memref<10240x128xf32, #tpu.memory_space<vmem_shared>>) offsets(%arg24 : memref<16xi32, #tpu.memory_space<vmem>>) semaphore(%arg16 : memref<!tpu.dma_semaphore, #tpu.memory_space<semaphore_mem>>) {add = true}
    %dma_wait3A_67 = arith.constant 0 : i32
    %dma_wait3A_68 = arith.constant 0 : i32
    %dma_wait3A_69 = tpu.memref_slice %arg11[%dma_wait3A_67, %dma_wait3A_68] : memref<128x128xf32, #tpu.memory_space<vmem>> -> memref<16x128xf32, #tpu.memory_space<vmem>>
    %dma_wait3A_70 = arith.constant 0 : i32
    %dma_wait3A_71 = arith.constant 0 : i32
    %dma_wait3A_72 = tpu.memref_slice %arg13[%dma_wait3A_70, %dma_wait3A_71] : memref<10240x128xf32, #tpu.memory_space<vmem_shared>> -> memref<10240x128xf32, #tpu.memory_space<vmem_shared>>
    tpu.wait_indirect_dma semaphore(%arg16 : memref<!tpu.dma_semaphore, #tpu.memory_space<semaphore_mem>>) src(%dma_wait3A_69 : memref<16x128xf32, #tpu.memory_space<vmem>>) dst(%dma_wait3A_72 : memref<10240x128xf32, #tpu.memory_space<vmem_shared>>)
    %barrier3A_73 = arith.constant 0 : index
    tpu.barrier barrier_id(%barrier3A_73)
    "tpu.region"() ({
      %run_scoped3A = tpu.sem_alloc : memref<!tpu.dma_semaphore, #tpu.memory_space<semaphore_mem>>
      %dma_start3A_74 = arith.constant 0 : i32
      %dma_start3A_75 = tpu.memref_slice %arg5[%arg0, %mul3A_2, %dma_start3A_74] : memref<2x10240x128xf32, #tpu.memory_space<hbm>> -> memref<1x640x128xf32, #tpu.memory_space<hbm>>
      %dma_start3A_76 = tpu.memref_squeeze %dma_start3A_75 : memref<1x640x128xf32, #tpu.memory_space<hbm>> -> memref<640x128xf32, #tpu.memory_space<hbm>>
      %dma_start3A_77 = arith.constant 0 : i32
      %dma_start3A_78 = tpu.memref_slice %arg13[%mul3A_2, %dma_start3A_77] : memref<10240x128xf32, #tpu.memory_space<vmem_shared>> -> memref<640x128xf32, #tpu.memory_space<vmem_shared>>
      tpu.enqueue_dma source(%dma_start3A_78 : memref<640x128xf32, #tpu.memory_space<vmem_shared>>) target(%dma_start3A_76 : memref<640x128xf32, #tpu.memory_space<hbm>>) target_semaphore(%run_scoped3A : memref<!tpu.dma_semaphore, #tpu.memory_space<semaphore_mem>>)
      %dma_wait3A_79 = arith.constant 0 : i32
      %dma_wait3A_80 = tpu.memref_slice %arg5[%arg0, %mul3A_2, %dma_wait3A_79] : memref<2x10240x128xf32, #tpu.memory_space<hbm>> -> memref<1x640x128xf32, #tpu.memory_space<hbm>>
      %dma_wait3A_81 = tpu.memref_squeeze %dma_wait3A_80 : memref<1x640x128xf32, #tpu.memory_space<hbm>> -> memref<640x128xf32, #tpu.memory_space<hbm>>
      %dma_wait3A_82 = arith.constant 0 : i32
      %dma_wait3A_83 = tpu.memref_slice %arg13[%mul3A_2, %dma_wait3A_82] : memref<10240x128xf32, #tpu.memory_space<vmem_shared>> -> memref<640x128xf32, #tpu.memory_space<vmem_shared>>
      tpu.wait_dma2 semaphore(%run_scoped3A : memref<!tpu.dma_semaphore, #tpu.memory_space<semaphore_mem>>) src(%dma_wait3A_83 : memref<640x128xf32, #tpu.memory_space<vmem_shared>>) dst(%dma_wait3A_81 : memref<640x128xf32, #tpu.memory_space<hbm>>)
      tpu.yield
    }) : () -> ()
    return
  }
}

#map = affine_map<(d0, d1) -> (0, 0)>
#map1 = affine_map<(d0, d1) -> (0)>
#map2 = affine_map<(d0, d1) -> (0, 0, 0)>
module attributes {stable_mosaic.version = 14 : i64} {
  func.func @body_c(%arg0: i32, %arg1: i32, %arg2: memref<10000x128xf32, #tpu.memory_space<hbm>>, %arg3: memref<640000xi32, #tpu.memory_space<hbm>>, %arg4: memref<10240x128xf32, #tpu.memory_space<hbm>>, %arg5: memref<10240xf32, #tpu.memory_space<hbm>>, %arg6: memref<2x10240x128xf32, #tpu.memory_space<hbm>>, %arg7: memref<32x10240xf32, #tpu.memory_space<hbm>>, %arg8: memref<128xi32, #tpu.memory_space<vmem>>, %arg9: memref<128xi32, #tpu.memory_space<vmem>>, %arg10: memref<128xi32, #tpu.memory_space<vmem>>, %arg11: memref<128xi32, #tpu.memory_space<vmem>>, %arg12: memref<128xi32, #tpu.memory_space<vmem>>, %arg13: memref<128x128xf32, #tpu.memory_space<vmem>>, %arg14: memref<128x128xf32, #tpu.memory_space<vmem>>, %arg15: memref<10240x128xf32, #tpu.memory_space<vmem_shared>>, %arg16: memref<!tpu.dma_semaphore, #tpu.memory_space<semaphore_mem>>, %arg17: memref<!tpu.dma_semaphore, #tpu.memory_space<semaphore_mem>>, %arg18: memref<!tpu.dma_semaphore, #tpu.memory_space<semaphore_mem>>, %arg19: memref<!tpu.dma_semaphore, #tpu.memory_space<semaphore_mem>>, %arg20: memref<!tpu.dma_semaphore, #tpu.memory_space<semaphore_mem>>, %arg21: memref<!tpu.dma_semaphore, #tpu.memory_space<semaphore_mem>>, %arg22: memref<!tpu.dma_semaphore, #tpu.memory_space<semaphore_mem>>, %arg23: memref<!tpu.dma_semaphore, #tpu.memory_space<semaphore_mem>>, %arg24: memref<!tpu.dma_semaphore, #tpu.memory_space<semaphore_mem>>, %arg25: memref<16xi32, #tpu.memory_space<vmem>>, %arg26: memref<16xi32, #tpu.memory_space<vmem>>, %arg27: memref<10240xf32, #tpu.memory_space<vmem>>) attributes {dimension_semantics = [#tpu.dimension_semantics<core_parallel>, #tpu.dimension_semantics<subcore_parallel>], iteration_bounds = array<i64: 2, 16>, scalar_prefetch = 0 : i64, scratch_operands = 20 : i64, tpu.core_type = #tpu.core_type<sc_vector_subcore>, window_params = [{transform_indices = #map}, {transform_indices = #map1}, {transform_indices = #map}, {transform_indices = #map1}, {transform_indices = #map2}, {transform_indices = #map}]} {
    %mul3A = arith.constant 2 : i32
    %mul3A_0 = arith.muli %arg1, %mul3A : i32
    %add3A = arith.addi %mul3A_0, %arg0 : i32
    %mul3A_1 = arith.constant 640 : i32
    %mul3A_2 = arith.muli %arg1, %mul3A_1 : i32
    %mul3A_3 = arith.constant 10000 : i32
    %mul3A_4 = arith.muli %add3A, %mul3A_3 : i32
    %broadcast_in_dim3A = arith.constant 1.000000e+00 : f32
    %broadcast_in_dim3A_5 = vector.broadcast %broadcast_in_dim3A : f32 to vector<16xf32>
    %add3A_6 = arith.constant 0 : i32
    %add3A_7 = arith.addi %add3A_6, %mul3A_4 : i32
    %add3A_8 = arith.constant 0 : i32
    %add3A_9 = arith.addi %add3A_7, %add3A_8 : i32
    %dma_start3A = tpu.memref_slice %arg3[%add3A_9] : memref<640000xi32, #tpu.memory_space<hbm>> -> memref<128xi32, #tpu.memory_space<hbm>>
    %dma_start3A_10 = tpu.memref_slice %arg3[%add3A_9] : memref<640000xi32, #tpu.memory_space<hbm>> -> memref<128xi32, #tpu.memory_space<hbm>>
    tpu.enqueue_dma source(%dma_start3A_10 : memref<128xi32, #tpu.memory_space<hbm>>) target(%arg8 : memref<128xi32, #tpu.memory_space<vmem>>) target_semaphore(%arg20 : memref<!tpu.dma_semaphore, #tpu.memory_space<semaphore_mem>>)
    %add3A_11 = arith.constant 320000 : i32
    %add3A_12 = arith.addi %add3A_11, %mul3A_4 : i32
    %add3A_13 = arith.constant 0 : i32
    %add3A_14 = arith.addi %add3A_12, %add3A_13 : i32
    %dma_start3A_15 = tpu.memref_slice %arg3[%add3A_14] : memref<640000xi32, #tpu.memory_space<hbm>> -> memref<128xi32, #tpu.memory_space<hbm>>
    %dma_start3A_16 = tpu.memref_slice %arg3[%add3A_14] : memref<640000xi32, #tpu.memory_space<hbm>> -> memref<128xi32, #tpu.memory_space<hbm>>
    tpu.enqueue_dma source(%dma_start3A_16 : memref<128xi32, #tpu.memory_space<hbm>>) target(%arg11 : memref<128xi32, #tpu.memory_space<vmem>>) target_semaphore(%arg23 : memref<!tpu.dma_semaphore, #tpu.memory_space<semaphore_mem>>)
    %add3A_17 = arith.constant 0 : i32
    %add3A_18 = arith.addi %add3A_17, %mul3A_4 : i32
    %add3A_19 = arith.constant 128 : i32
    %add3A_20 = arith.addi %add3A_18, %add3A_19 : i32
    %dma_start3A_21 = tpu.memref_slice %arg3[%add3A_20] : memref<640000xi32, #tpu.memory_space<hbm>> -> memref<128xi32, #tpu.memory_space<hbm>>
    %dma_start3A_22 = tpu.memref_slice %arg3[%add3A_20] : memref<640000xi32, #tpu.memory_space<hbm>> -> memref<128xi32, #tpu.memory_space<hbm>>
    tpu.enqueue_dma source(%dma_start3A_22 : memref<128xi32, #tpu.memory_space<hbm>>) target(%arg9 : memref<128xi32, #tpu.memory_space<vmem>>) target_semaphore(%arg21 : memref<!tpu.dma_semaphore, #tpu.memory_space<semaphore_mem>>)
    %add3A_23 = arith.constant 0 : i32
    %add3A_24 = arith.addi %add3A_23, %mul3A_4 : i32
    %add3A_25 = arith.constant 256 : i32
    %add3A_26 = arith.addi %add3A_24, %add3A_25 : i32
    %dma_start3A_27 = tpu.memref_slice %arg3[%add3A_26] : memref<640000xi32, #tpu.memory_space<hbm>> -> memref<128xi32, #tpu.memory_space<hbm>>
    %dma_start3A_28 = tpu.memref_slice %arg3[%add3A_26] : memref<640000xi32, #tpu.memory_space<hbm>> -> memref<128xi32, #tpu.memory_space<hbm>>
    tpu.enqueue_dma source(%dma_start3A_28 : memref<128xi32, #tpu.memory_space<hbm>>) target(%arg10 : memref<128xi32, #tpu.memory_space<vmem>>) target_semaphore(%arg22 : memref<!tpu.dma_semaphore, #tpu.memory_space<semaphore_mem>>)
    "tpu.region"() ({
      %run_scoped3A = tpu.sem_alloc : memref<!tpu.dma_semaphore, #tpu.memory_space<semaphore_mem>>
      %dma_start3A_75 = arith.constant 0 : i32
      %dma_start3A_76 = tpu.memref_slice %arg15[%mul3A_2, %dma_start3A_75] : memref<10240x128xf32, #tpu.memory_space<vmem_shared>> -> memref<640x128xf32, #tpu.memory_space<vmem_shared>>
      %dma_start3A_77 = arith.constant 0 : i32
      %dma_start3A_78 = tpu.memref_slice %arg4[%mul3A_2, %dma_start3A_77] : memref<10240x128xf32, #tpu.memory_space<hbm>> -> memref<640x128xf32, #tpu.memory_space<hbm>>
      tpu.enqueue_dma source(%dma_start3A_78 : memref<640x128xf32, #tpu.memory_space<hbm>>) target(%dma_start3A_76 : memref<640x128xf32, #tpu.memory_space<vmem_shared>>) target_semaphore(%run_scoped3A : memref<!tpu.dma_semaphore, #tpu.memory_space<semaphore_mem>>)
      %dma_wait3A_79 = arith.constant 0 : i32
      %dma_wait3A_80 = tpu.memref_slice %arg15[%mul3A_2, %dma_wait3A_79] : memref<10240x128xf32, #tpu.memory_space<vmem_shared>> -> memref<640x128xf32, #tpu.memory_space<vmem_shared>>
      %dma_wait3A_81 = arith.constant 0 : i32
      %dma_wait3A_82 = tpu.memref_slice %arg4[%mul3A_2, %dma_wait3A_81] : memref<10240x128xf32, #tpu.memory_space<hbm>> -> memref<640x128xf32, #tpu.memory_space<hbm>>
      tpu.wait_dma2 semaphore(%run_scoped3A : memref<!tpu.dma_semaphore, #tpu.memory_space<semaphore_mem>>) src(%dma_wait3A_82 : memref<640x128xf32, #tpu.memory_space<hbm>>) dst(%dma_wait3A_80 : memref<640x128xf32, #tpu.memory_space<vmem_shared>>)
      tpu.yield
    }) : () -> ()
    "tpu.region"() ({
      %run_scoped3A = tpu.sem_alloc : memref<!tpu.dma_semaphore, #tpu.memory_space<semaphore_mem>>
      tpu.enqueue_dma source(%arg5 : memref<10240xf32, #tpu.memory_space<hbm>>) target(%arg27 : memref<10240xf32, #tpu.memory_space<vmem>>) target_semaphore(%run_scoped3A : memref<!tpu.dma_semaphore, #tpu.memory_space<semaphore_mem>>)
      tpu.wait_dma2 semaphore(%run_scoped3A : memref<!tpu.dma_semaphore, #tpu.memory_space<semaphore_mem>>) src(%arg5 : memref<10240xf32, #tpu.memory_space<hbm>>) dst(%arg27 : memref<10240xf32, #tpu.memory_space<vmem>>)
      tpu.yield
    }) : () -> ()
    %add3A_29 = arith.constant 0 : i32
    %add3A_30 = arith.addi %add3A_29, %mul3A_4 : i32
    %add3A_31 = arith.constant 0 : i32
    %add3A_32 = arith.addi %add3A_30, %add3A_31 : i32
    %dma_wait3A = tpu.memref_slice %arg3[%add3A_32] : memref<640000xi32, #tpu.memory_space<hbm>> -> memref<128xi32, #tpu.memory_space<hbm>>
    %dma_wait3A_33 = tpu.memref_slice %arg3[%add3A_32] : memref<640000xi32, #tpu.memory_space<hbm>> -> memref<128xi32, #tpu.memory_space<hbm>>
    tpu.wait_dma2 semaphore(%arg20 : memref<!tpu.dma_semaphore, #tpu.memory_space<semaphore_mem>>) src(%dma_wait3A_33 : memref<128xi32, #tpu.memory_space<hbm>>) dst(%arg8 : memref<128xi32, #tpu.memory_space<vmem>>)
    %dma_start3A_34 = arith.constant 0 : i32
    %dma_start3A_35 = arith.constant 0 : i32
    %dma_start3A_36 = tpu.memref_slice %arg2[%dma_start3A_34, %dma_start3A_35] : memref<10000x128xf32, #tpu.memory_space<hbm>> -> memref<10000x128xf32, #tpu.memory_space<hbm>>
    tpu.enqueue_indirect_dma source(%dma_start3A_36 : memref<10000x128xf32, #tpu.memory_space<hbm>>) target(%arg13 : memref<128x128xf32, #tpu.memory_space<vmem>>) offsets(%arg8 : memref<128xi32, #tpu.memory_space<vmem>>) semaphore(%arg16 : memref<!tpu.dma_semaphore, #tpu.memory_space<semaphore_mem>>)
    %barrier3A = arith.constant 0 : index
    tpu.barrier barrier_id(%barrier3A)
    %scan3A = arith.constant 0 : i32
    %scan3A_37 = arith.constant 0 : i32
    %scan3A_38 = arith.constant 13 : i32
    %scan3A_39 = arith.addi %scan3A_37, %scan3A_38 : i32
    %scan3A_40 = arith.constant 1 : i32
    scf.for %scan3A_75 = %scan3A_37 to %scan3A_39 step %scan3A_40  : i32 {
      %mul3A_76 = arith.constant 6 : i32
      %mul3A_77 = arith.muli %mul3A_76, %scan3A_75 : i32
      %add3A_78 = arith.constant 0 : i32
      %add3A_79 = arith.addi %mul3A_77, %add3A_78 : i32
      %gt3A = arith.constant 0 : i32
      %gt3A_80 = arith.cmpi sgt, %scan3A_75, %gt3A : i32
      %convert_element_type3A = arith.extui %gt3A_80 : i1 to i32
      %cond3A = arith.constant 0 : i32
      %cond3A_81 = arith.cmpi ne, %convert_element_type3A, %cond3A : i32
      scf.if %cond3A_81 {
        %sub3A_461 = arith.constant 1 : i32
        %sub3A_462 = arith.subi %add3A_79, %sub3A_461 : i32
        %dma_wait3A_463 = arith.constant 0 : i32
        %dma_wait3A_464 = arith.constant 0 : i32
        %dma_wait3A_465 = tpu.memref_slice %arg15[%dma_wait3A_463, %dma_wait3A_464] : memref<10240x128xf32, #tpu.memory_space<vmem_shared>> -> memref<10240x128xf32, #tpu.memory_space<vmem_shared>>
        tpu.wait_indirect_dma semaphore(%arg19 : memref<!tpu.dma_semaphore, #tpu.memory_space<semaphore_mem>>) src(%arg14 : memref<128x128xf32, #tpu.memory_space<vmem>>) dst(%dma_wait3A_465 : memref<10240x128xf32, #tpu.memory_space<vmem_shared>>)
      } else {
      }
      %add3A_82 = arith.constant 1 : i32
      %add3A_83 = arith.addi %add3A_79, %add3A_82 : i32
      %add3A_84 = arith.constant 320000 : i32
      %add3A_85 = arith.addi %add3A_84, %mul3A_4 : i32
      %mul3A_86 = arith.constant 128 : i32
      %mul3A_87 = arith.muli %add3A_83, %mul3A_86 : i32
      %add3A_88 = arith.addi %add3A_85, %mul3A_87 : i32
      %dma_start3A_89 = tpu.memref_slice %arg3[%add3A_88] : memref<640000xi32, #tpu.memory_space<hbm>> -> memref<128xi32, #tpu.memory_space<hbm>>
      %dma_start3A_90 = tpu.memref_slice %arg3[%add3A_88] : memref<640000xi32, #tpu.memory_space<hbm>> -> memref<128xi32, #tpu.memory_space<hbm>>
      tpu.enqueue_dma source(%dma_start3A_90 : memref<128xi32, #tpu.memory_space<hbm>>) target(%arg12 : memref<128xi32, #tpu.memory_space<vmem>>) target_semaphore(%arg24 : memref<!tpu.dma_semaphore, #tpu.memory_space<semaphore_mem>>)
      %add3A_91 = arith.constant 1 : i32
      %add3A_92 = arith.addi %add3A_79, %add3A_91 : i32
      %add3A_93 = arith.constant 0 : i32
      %add3A_94 = arith.addi %add3A_93, %mul3A_4 : i32
      %mul3A_95 = arith.constant 128 : i32
      %mul3A_96 = arith.muli %add3A_92, %mul3A_95 : i32
      %add3A_97 = arith.addi %add3A_94, %mul3A_96 : i32
      %dma_wait3A_98 = tpu.memref_slice %arg3[%add3A_97] : memref<640000xi32, #tpu.memory_space<hbm>> -> memref<128xi32, #tpu.memory_space<hbm>>
      %dma_wait3A_99 = tpu.memref_slice %arg3[%add3A_97] : memref<640000xi32, #tpu.memory_space<hbm>> -> memref<128xi32, #tpu.memory_space<hbm>>
      tpu.wait_dma2 semaphore(%arg21 : memref<!tpu.dma_semaphore, #tpu.memory_space<semaphore_mem>>) src(%dma_wait3A_99 : memref<128xi32, #tpu.memory_space<hbm>>) dst(%arg9 : memref<128xi32, #tpu.memory_space<vmem>>)
      %add3A_100 = arith.constant 1 : i32
      %add3A_101 = arith.addi %add3A_79, %add3A_100 : i32
      %dma_start3A_102 = arith.constant 0 : i32
      %dma_start3A_103 = arith.constant 0 : i32
      %dma_start3A_104 = tpu.memref_slice %arg2[%dma_start3A_102, %dma_start3A_103] : memref<10000x128xf32, #tpu.memory_space<hbm>> -> memref<10000x128xf32, #tpu.memory_space<hbm>>
      tpu.enqueue_indirect_dma source(%dma_start3A_104 : memref<10000x128xf32, #tpu.memory_space<hbm>>) target(%arg14 : memref<128x128xf32, #tpu.memory_space<vmem>>) offsets(%arg9 : memref<128xi32, #tpu.memory_space<vmem>>) semaphore(%arg17 : memref<!tpu.dma_semaphore, #tpu.memory_space<semaphore_mem>>)
      %dma_wait3A_105 = arith.constant 0 : i32
      %dma_wait3A_106 = arith.constant 0 : i32
      %dma_wait3A_107 = tpu.memref_slice %arg2[%dma_wait3A_105, %dma_wait3A_106] : memref<10000x128xf32, #tpu.memory_space<hbm>> -> memref<10000x128xf32, #tpu.memory_space<hbm>>
      tpu.wait_indirect_dma semaphore(%arg16 : memref<!tpu.dma_semaphore, #tpu.memory_space<semaphore_mem>>) src(%dma_wait3A_107 : memref<10000x128xf32, #tpu.memory_space<hbm>>) dst(%arg13 : memref<128x128xf32, #tpu.memory_space<vmem>>)
      %add3A_108 = arith.constant 3 : i32
      %add3A_109 = arith.addi %add3A_79, %add3A_108 : i32
      %add3A_110 = arith.constant 0 : i32
      %add3A_111 = arith.addi %add3A_110, %mul3A_4 : i32
      %mul3A_112 = arith.constant 128 : i32
      %mul3A_113 = arith.muli %add3A_109, %mul3A_112 : i32
      %add3A_114 = arith.addi %add3A_111, %mul3A_113 : i32
      %dma_start3A_115 = tpu.memref_slice %arg3[%add3A_114] : memref<640000xi32, #tpu.memory_space<hbm>> -> memref<128xi32, #tpu.memory_space<hbm>>
      %dma_start3A_116 = tpu.memref_slice %arg3[%add3A_114] : memref<640000xi32, #tpu.memory_space<hbm>> -> memref<128xi32, #tpu.memory_space<hbm>>
      tpu.enqueue_dma source(%dma_start3A_116 : memref<128xi32, #tpu.memory_space<hbm>>) target(%arg8 : memref<128xi32, #tpu.memory_space<vmem>>) target_semaphore(%arg20 : memref<!tpu.dma_semaphore, #tpu.memory_space<semaphore_mem>>)
      %add3A_117 = arith.constant 320000 : i32
      %add3A_118 = arith.addi %add3A_117, %mul3A_4 : i32
      %mul3A_119 = arith.constant 128 : i32
      %mul3A_120 = arith.muli %add3A_79, %mul3A_119 : i32
      %add3A_121 = arith.addi %add3A_118, %mul3A_120 : i32
      %dma_wait3A_122 = tpu.memref_slice %arg3[%add3A_121] : memref<640000xi32, #tpu.memory_space<hbm>> -> memref<128xi32, #tpu.memory_space<hbm>>
      %dma_wait3A_123 = tpu.memref_slice %arg3[%add3A_121] : memref<640000xi32, #tpu.memory_space<hbm>> -> memref<128xi32, #tpu.memory_space<hbm>>
      tpu.wait_dma2 semaphore(%arg23 : memref<!tpu.dma_semaphore, #tpu.memory_space<semaphore_mem>>) src(%dma_wait3A_123 : memref<128xi32, #tpu.memory_space<hbm>>) dst(%arg11 : memref<128xi32, #tpu.memory_space<vmem>>)
      %dma_start3A_124 = arith.constant 0 : i32
      %dma_start3A_125 = arith.constant 0 : i32
      %dma_start3A_126 = tpu.memref_slice %arg15[%dma_start3A_124, %dma_start3A_125] : memref<10240x128xf32, #tpu.memory_space<vmem_shared>> -> memref<10240x128xf32, #tpu.memory_space<vmem_shared>>
      tpu.enqueue_indirect_dma source(%arg13 : memref<128x128xf32, #tpu.memory_space<vmem>>) target(%dma_start3A_126 : memref<10240x128xf32, #tpu.memory_space<vmem_shared>>) offsets(%arg11 : memref<128xi32, #tpu.memory_space<vmem>>) semaphore(%arg18 : memref<!tpu.dma_semaphore, #tpu.memory_space<semaphore_mem>>) {add = true}
      %get3A_127 = arith.constant 0 : index
      %get3A_128 = tpu.vector_load %arg11[%get3A_127] {strides = array<i32>} : memref<128xi32, #tpu.memory_space<vmem>>, vector<16xi32>,
      tpu.vector_store_idx %arg27[%get3A_128], %broadcast_in_dim3A_5 {add = true} : memref<10240xf32, #tpu.memory_space<vmem>>[vector<16xi32>], vector<16xf32>,
      %get3A_129 = arith.constant 16 : index
      %get3A_130 = tpu.vector_load %arg11[%get3A_129] {strides = array<i32>} : memref<128xi32, #tpu.memory_space<vmem>>, vector<16xi32>,
      tpu.vector_store_idx %arg27[%get3A_130], %broadcast_in_dim3A_5 {add = true} : memref<10240xf32, #tpu.memory_space<vmem>>[vector<16xi32>], vector<16xf32>,
      %get3A_131 = arith.constant 32 : index
      %get3A_132 = tpu.vector_load %arg11[%get3A_131] {strides = array<i32>} : memref<128xi32, #tpu.memory_space<vmem>>, vector<16xi32>,
      tpu.vector_store_idx %arg27[%get3A_132], %broadcast_in_dim3A_5 {add = true} : memref<10240xf32, #tpu.memory_space<vmem>>[vector<16xi32>], vector<16xf32>,
      %get3A_133 = arith.constant 48 : index
      %get3A_134 = tpu.vector_load %arg11[%get3A_133] {strides = array<i32>} : memref<128xi32, #tpu.memory_space<vmem>>, vector<16xi32>,
      tpu.vector_store_idx %arg27[%get3A_134], %broadcast_in_dim3A_5 {add = true} : memref<10240xf32, #tpu.memory_space<vmem>>[vector<16xi32>], vector<16xf32>,
      %get3A_135 = arith.constant 64 : index
      %get3A_136 = tpu.vector_load %arg11[%get3A_135] {strides = array<i32>} : memref<128xi32, #tpu.memory_space<vmem>>, vector<16xi32>,
      tpu.vector_store_idx %arg27[%get3A_136], %broadcast_in_dim3A_5 {add = true} : memref<10240xf32, #tpu.memory_space<vmem>>[vector<16xi32>], vector<16xf32>,
      %get3A_137 = arith.constant 80 : index
      %get3A_138 = tpu.vector_load %arg11[%get3A_137] {strides = array<i32>} : memref<128xi32, #tpu.memory_space<vmem>>, vector<16xi32>,
      tpu.vector_store_idx %arg27[%get3A_138], %broadcast_in_dim3A_5 {add = true} : memref<10240xf32, #tpu.memory_space<vmem>>[vector<16xi32>], vector<16xf32>,
      %get3A_139 = arith.constant 96 : index
      %get3A_140 = tpu.vector_load %arg11[%get3A_139] {strides = array<i32>} : memref<128xi32, #tpu.memory_space<vmem>>, vector<16xi32>,
      tpu.vector_store_idx %arg27[%get3A_140], %broadcast_in_dim3A_5 {add = true} : memref<10240xf32, #tpu.memory_space<vmem>>[vector<16xi32>], vector<16xf32>,
      %get3A_141 = arith.constant 112 : index
      %get3A_142 = tpu.vector_load %arg11[%get3A_141] {strides = array<i32>} : memref<128xi32, #tpu.memory_space<vmem>>, vector<16xi32>,
      tpu.vector_store_idx %arg27[%get3A_142], %broadcast_in_dim3A_5 {add = true} : memref<10240xf32, #tpu.memory_space<vmem>>[vector<16xi32>], vector<16xf32>,
      %mul3A_143 = arith.constant 6 : i32
      %mul3A_144 = arith.muli %mul3A_143, %scan3A_75 : i32
      %add3A_145 = arith.constant 1 : i32
      %add3A_146 = arith.addi %mul3A_144, %add3A_145 : i32
      %sub3A = arith.constant 1 : i32
      %sub3A_147 = arith.subi %add3A_146, %sub3A : i32
      %dma_wait3A_148 = arith.constant 0 : i32
      %dma_wait3A_149 = arith.constant 0 : i32
      %dma_wait3A_150 = tpu.memref_slice %arg15[%dma_wait3A_148, %dma_wait3A_149] : memref<10240x128xf32, #tpu.memory_space<vmem_shared>> -> memref<10240x128xf32, #tpu.memory_space<vmem_shared>>
      tpu.wait_indirect_dma semaphore(%arg18 : memref<!tpu.dma_semaphore, #tpu.memory_space<semaphore_mem>>) src(%arg13 : memref<128x128xf32, #tpu.memory_space<vmem>>) dst(%dma_wait3A_150 : memref<10240x128xf32, #tpu.memory_space<vmem_shared>>)
      %add3A_151 = arith.constant 1 : i32
      %add3A_152 = arith.addi %add3A_146, %add3A_151 : i32
      %add3A_153 = arith.constant 320000 : i32
      %add3A_154 = arith.addi %add3A_153, %mul3A_4 : i32
      %mul3A_155 = arith.constant 128 : i32
      %mul3A_156 = arith.muli %add3A_152, %mul3A_155 : i32
      %add3A_157 = arith.addi %add3A_154, %mul3A_156 : i32
      %dma_start3A_158 = tpu.memref_slice %arg3[%add3A_157] : memref<640000xi32, #tpu.memory_space<hbm>> -> memref<128xi32, #tpu.memory_space<hbm>>
      %dma_start3A_159 = tpu.memref_slice %arg3[%add3A_157] : memref<640000xi32, #tpu.memory_space<hbm>> -> memref<128xi32, #tpu.memory_space<hbm>>
      tpu.enqueue_dma source(%dma_start3A_159 : memref<128xi32, #tpu.memory_space<hbm>>) target(%arg11 : memref<128xi32, #tpu.memory_space<vmem>>) target_semaphore(%arg23 : memref<!tpu.dma_semaphore, #tpu.memory_space<semaphore_mem>>)
      %add3A_160 = arith.constant 1 : i32
      %add3A_161 = arith.addi %add3A_146, %add3A_160 : i32
      %add3A_162 = arith.constant 0 : i32
      %add3A_163 = arith.addi %add3A_162, %mul3A_4 : i32
      %mul3A_164 = arith.constant 128 : i32
      %mul3A_165 = arith.muli %add3A_161, %mul3A_164 : i32
      %add3A_166 = arith.addi %add3A_163, %mul3A_165 : i32
      %dma_wait3A_167 = tpu.memref_slice %arg3[%add3A_166] : memref<640000xi32, #tpu.memory_space<hbm>> -> memref<128xi32, #tpu.memory_space<hbm>>
      %dma_wait3A_168 = tpu.memref_slice %arg3[%add3A_166] : memref<640000xi32, #tpu.memory_space<hbm>> -> memref<128xi32, #tpu.memory_space<hbm>>
      tpu.wait_dma2 semaphore(%arg22 : memref<!tpu.dma_semaphore, #tpu.memory_space<semaphore_mem>>) src(%dma_wait3A_168 : memref<128xi32, #tpu.memory_space<hbm>>) dst(%arg10 : memref<128xi32, #tpu.memory_space<vmem>>)
      %add3A_169 = arith.constant 1 : i32
      %add3A_170 = arith.addi %add3A_146, %add3A_169 : i32
      %dma_start3A_171 = arith.constant 0 : i32
      %dma_start3A_172 = arith.constant 0 : i32
      %dma_start3A_173 = tpu.memref_slice %arg2[%dma_start3A_171, %dma_start3A_172] : memref<10000x128xf32, #tpu.memory_space<hbm>> -> memref<10000x128xf32, #tpu.memory_space<hbm>>
      tpu.enqueue_indirect_dma source(%dma_start3A_173 : memref<10000x128xf32, #tpu.memory_space<hbm>>) target(%arg13 : memref<128x128xf32, #tpu.memory_space<vmem>>) offsets(%arg10 : memref<128xi32, #tpu.memory_space<vmem>>) semaphore(%arg16 : memref<!tpu.dma_semaphore, #tpu.memory_space<semaphore_mem>>)
      %dma_wait3A_174 = arith.constant 0 : i32
      %dma_wait3A_175 = arith.constant 0 : i32
      %dma_wait3A_176 = tpu.memref_slice %arg2[%dma_wait3A_174, %dma_wait3A_175] : memref<10000x128xf32, #tpu.memory_space<hbm>> -> memref<10000x128xf32, #tpu.memory_space<hbm>>
      tpu.wait_indirect_dma semaphore(%arg17 : memref<!tpu.dma_semaphore, #tpu.memory_space<semaphore_mem>>) src(%dma_wait3A_176 : memref<10000x128xf32, #tpu.memory_space<hbm>>) dst(%arg14 : memref<128x128xf32, #tpu.memory_space<vmem>>)
      %add3A_177 = arith.constant 3 : i32
      %add3A_178 = arith.addi %add3A_146, %add3A_177 : i32
      %add3A_179 = arith.constant 0 : i32
      %add3A_180 = arith.addi %add3A_179, %mul3A_4 : i32
      %mul3A_181 = arith.constant 128 : i32
      %mul3A_182 = arith.muli %add3A_178, %mul3A_181 : i32
      %add3A_183 = arith.addi %add3A_180, %mul3A_182 : i32
      %dma_start3A_184 = tpu.memref_slice %arg3[%add3A_183] : memref<640000xi32, #tpu.memory_space<hbm>> -> memref<128xi32, #tpu.memory_space<hbm>>
      %dma_start3A_185 = tpu.memref_slice %arg3[%add3A_183] : memref<640000xi32, #tpu.memory_space<hbm>> -> memref<128xi32, #tpu.memory_space<hbm>>
      tpu.enqueue_dma source(%dma_start3A_185 : memref<128xi32, #tpu.memory_space<hbm>>) target(%arg9 : memref<128xi32, #tpu.memory_space<vmem>>) target_semaphore(%arg21 : memref<!tpu.dma_semaphore, #tpu.memory_space<semaphore_mem>>)
      %add3A_186 = arith.constant 320000 : i32
      %add3A_187 = arith.addi %add3A_186, %mul3A_4 : i32
      %mul3A_188 = arith.constant 128 : i32
      %mul3A_189 = arith.muli %add3A_146, %mul3A_188 : i32
      %add3A_190 = arith.addi %add3A_187, %mul3A_189 : i32
      %dma_wait3A_191 = tpu.memref_slice %arg3[%add3A_190] : memref<640000xi32, #tpu.memory_space<hbm>> -> memref<128xi32, #tpu.memory_space<hbm>>
      %dma_wait3A_192 = tpu.memref_slice %arg3[%add3A_190] : memref<640000xi32, #tpu.memory_space<hbm>> -> memref<128xi32, #tpu.memory_space<hbm>>
      tpu.wait_dma2 semaphore(%arg24 : memref<!tpu.dma_semaphore, #tpu.memory_space<semaphore_mem>>) src(%dma_wait3A_192 : memref<128xi32, #tpu.memory_space<hbm>>) dst(%arg12 : memref<128xi32, #tpu.memory_space<vmem>>)
      %dma_start3A_193 = arith.constant 0 : i32
      %dma_start3A_194 = arith.constant 0 : i32
      %dma_start3A_195 = tpu.memref_slice %arg15[%dma_start3A_193, %dma_start3A_194] : memref<10240x128xf32, #tpu.memory_space<vmem_shared>> -> memref<10240x128xf32, #tpu.memory_space<vmem_shared>>
      tpu.enqueue_indirect_dma source(%arg14 : memref<128x128xf32, #tpu.memory_space<vmem>>) target(%dma_start3A_195 : memref<10240x128xf32, #tpu.memory_space<vmem_shared>>) offsets(%arg12 : memref<128xi32, #tpu.memory_space<vmem>>) semaphore(%arg19 : memref<!tpu.dma_semaphore, #tpu.memory_space<semaphore_mem>>) {add = true}
      %get3A_196 = arith.constant 0 : index
      %get3A_197 = tpu.vector_load %arg12[%get3A_196] {strides = array<i32>} : memref<128xi32, #tpu.memory_space<vmem>>, vector<16xi32>,
      tpu.vector_store_idx %arg27[%get3A_197], %broadcast_in_dim3A_5 {add = true} : memref<10240xf32, #tpu.memory_space<vmem>>[vector<16xi32>], vector<16xf32>,
      %get3A_198 = arith.constant 16 : index
      %get3A_199 = tpu.vector_load %arg12[%get3A_198] {strides = array<i32>} : memref<128xi32, #tpu.memory_space<vmem>>, vector<16xi32>,
      tpu.vector_store_idx %arg27[%get3A_199], %broadcast_in_dim3A_5 {add = true} : memref<10240xf32, #tpu.memory_space<vmem>>[vector<16xi32>], vector<16xf32>,
      %get3A_200 = arith.constant 32 : index
      %get3A_201 = tpu.vector_load %arg12[%get3A_200] {strides = array<i32>} : memref<128xi32, #tpu.memory_space<vmem>>, vector<16xi32>,
      tpu.vector_store_idx %arg27[%get3A_201], %broadcast_in_dim3A_5 {add = true} : memref<10240xf32, #tpu.memory_space<vmem>>[vector<16xi32>], vector<16xf32>,
      %get3A_202 = arith.constant 48 : index
      %get3A_203 = tpu.vector_load %arg12[%get3A_202] {strides = array<i32>} : memref<128xi32, #tpu.memory_space<vmem>>, vector<16xi32>,
      tpu.vector_store_idx %arg27[%get3A_203], %broadcast_in_dim3A_5 {add = true} : memref<10240xf32, #tpu.memory_space<vmem>>[vector<16xi32>], vector<16xf32>,
      %get3A_204 = arith.constant 64 : index
      %get3A_205 = tpu.vector_load %arg12[%get3A_204] {strides = array<i32>} : memref<128xi32, #tpu.memory_space<vmem>>, vector<16xi32>,
      tpu.vector_store_idx %arg27[%get3A_205], %broadcast_in_dim3A_5 {add = true} : memref<10240xf32, #tpu.memory_space<vmem>>[vector<16xi32>], vector<16xf32>,
      %get3A_206 = arith.constant 80 : index
      %get3A_207 = tpu.vector_load %arg12[%get3A_206] {strides = array<i32>} : memref<128xi32, #tpu.memory_space<vmem>>, vector<16xi32>,
      tpu.vector_store_idx %arg27[%get3A_207], %broadcast_in_dim3A_5 {add = true} : memref<10240xf32, #tpu.memory_space<vmem>>[vector<16xi32>], vector<16xf32>,
      %get3A_208 = arith.constant 96 : index
      %get3A_209 = tpu.vector_load %arg12[%get3A_208] {strides = array<i32>} : memref<128xi32, #tpu.memory_space<vmem>>, vector<16xi32>,
      tpu.vector_store_idx %arg27[%get3A_209], %broadcast_in_dim3A_5 {add = true} : memref<10240xf32, #tpu.memory_space<vmem>>[vector<16xi32>], vector<16xf32>,
      %get3A_210 = arith.constant 112 : index
      %get3A_211 = tpu.vector_load %arg12[%get3A_210] {strides = array<i32>} : memref<128xi32, #tpu.memory_space<vmem>>, vector<16xi32>,
      tpu.vector_store_idx %arg27[%get3A_211], %broadcast_in_dim3A_5 {add = true} : memref<10240xf32, #tpu.memory_space<vmem>>[vector<16xi32>], vector<16xf32>,
      %mul3A_212 = arith.constant 6 : i32
      %mul3A_213 = arith.muli %mul3A_212, %scan3A_75 : i32
      %add3A_214 = arith.constant 2 : i32
      %add3A_215 = arith.addi %mul3A_213, %add3A_214 : i32
      %sub3A_216 = arith.constant 1 : i32
      %sub3A_217 = arith.subi %add3A_215, %sub3A_216 : i32
      %dma_wait3A_218 = arith.constant 0 : i32
      %dma_wait3A_219 = arith.constant 0 : i32
      %dma_wait3A_220 = tpu.memref_slice %arg15[%dma_wait3A_218, %dma_wait3A_219] : memref<10240x128xf32, #tpu.memory_space<vmem_shared>> -> memref<10240x128xf32, #tpu.memory_space<vmem_shared>>
      tpu.wait_indirect_dma semaphore(%arg19 : memref<!tpu.dma_semaphore, #tpu.memory_space<semaphore_mem>>) src(%arg14 : memref<128x128xf32, #tpu.memory_space<vmem>>) dst(%dma_wait3A_220 : memref<10240x128xf32, #tpu.memory_space<vmem_shared>>)
      %add3A_221 = arith.constant 1 : i32
      %add3A_222 = arith.addi %add3A_215, %add3A_221 : i32
      %add3A_223 = arith.constant 320000 : i32
      %add3A_224 = arith.addi %add3A_223, %mul3A_4 : i32
      %mul3A_225 = arith.constant 128 : i32
      %mul3A_226 = arith.muli %add3A_222, %mul3A_225 : i32
      %add3A_227 = arith.addi %add3A_224, %mul3A_226 : i32
      %dma_start3A_228 = tpu.memref_slice %arg3[%add3A_227] : memref<640000xi32, #tpu.memory_space<hbm>> -> memref<128xi32, #tpu.memory_space<hbm>>
      %dma_start3A_229 = tpu.memref_slice %arg3[%add3A_227] : memref<640000xi32, #tpu.memory_space<hbm>> -> memref<128xi32, #tpu.memory_space<hbm>>
      tpu.enqueue_dma source(%dma_start3A_229 : memref<128xi32, #tpu.memory_space<hbm>>) target(%arg12 : memref<128xi32, #tpu.memory_space<vmem>>) target_semaphore(%arg24 : memref<!tpu.dma_semaphore, #tpu.memory_space<semaphore_mem>>)
      %add3A_230 = arith.constant 1 : i32
      %add3A_231 = arith.addi %add3A_215, %add3A_230 : i32
      %add3A_232 = arith.constant 0 : i32
      %add3A_233 = arith.addi %add3A_232, %mul3A_4 : i32
      %mul3A_234 = arith.constant 128 : i32
      %mul3A_235 = arith.muli %add3A_231, %mul3A_234 : i32
      %add3A_236 = arith.addi %add3A_233, %mul3A_235 : i32
      %dma_wait3A_237 = tpu.memref_slice %arg3[%add3A_236] : memref<640000xi32, #tpu.memory_space<hbm>> -> memref<128xi32, #tpu.memory_space<hbm>>
      %dma_wait3A_238 = tpu.memref_slice %arg3[%add3A_236] : memref<640000xi32, #tpu.memory_space<hbm>> -> memref<128xi32, #tpu.memory_space<hbm>>
      tpu.wait_dma2 semaphore(%arg20 : memref<!tpu.dma_semaphore, #tpu.memory_space<semaphore_mem>>) src(%dma_wait3A_238 : memref<128xi32, #tpu.memory_space<hbm>>) dst(%arg8 : memref<128xi32, #tpu.memory_space<vmem>>)
      %add3A_239 = arith.constant 1 : i32
      %add3A_240 = arith.addi %add3A_215, %add3A_239 : i32
      %dma_start3A_241 = arith.constant 0 : i32
      %dma_start3A_242 = arith.constant 0 : i32
      %dma_start3A_243 = tpu.memref_slice %arg2[%dma_start3A_241, %dma_start3A_242] : memref<10000x128xf32, #tpu.memory_space<hbm>> -> memref<10000x128xf32, #tpu.memory_space<hbm>>
      tpu.enqueue_indirect_dma source(%dma_start3A_243 : memref<10000x128xf32, #tpu.memory_space<hbm>>) target(%arg14 : memref<128x128xf32, #tpu.memory_space<vmem>>) offsets(%arg8 : memref<128xi32, #tpu.memory_space<vmem>>) semaphore(%arg17 : memref<!tpu.dma_semaphore, #tpu.memory_space<semaphore_mem>>)
      %dma_wait3A_244 = arith.constant 0 : i32
      %dma_wait3A_245 = arith.constant 0 : i32
      %dma_wait3A_246 = tpu.memref_slice %arg2[%dma_wait3A_244, %dma_wait3A_245] : memref<10000x128xf32, #tpu.memory_space<hbm>> -> memref<10000x128xf32, #tpu.memory_space<hbm>>
      tpu.wait_indirect_dma semaphore(%arg16 : memref<!tpu.dma_semaphore, #tpu.memory_space<semaphore_mem>>) src(%dma_wait3A_246 : memref<10000x128xf32, #tpu.memory_space<hbm>>) dst(%arg13 : memref<128x128xf32, #tpu.memory_space<vmem>>)
      %add3A_247 = arith.constant 3 : i32
      %add3A_248 = arith.addi %add3A_215, %add3A_247 : i32
      %add3A_249 = arith.constant 0 : i32
      %add3A_250 = arith.addi %add3A_249, %mul3A_4 : i32
      %mul3A_251 = arith.constant 128 : i32
      %mul3A_252 = arith.muli %add3A_248, %mul3A_251 : i32
      %add3A_253 = arith.addi %add3A_250, %mul3A_252 : i32
      %dma_start3A_254 = tpu.memref_slice %arg3[%add3A_253] : memref<640000xi32, #tpu.memory_space<hbm>> -> memref<128xi32, #tpu.memory_space<hbm>>
      %dma_start3A_255 = tpu.memref_slice %arg3[%add3A_253] : memref<640000xi32, #tpu.memory_space<hbm>> -> memref<128xi32, #tpu.memory_space<hbm>>
      tpu.enqueue_dma source(%dma_start3A_255 : memref<128xi32, #tpu.memory_space<hbm>>) target(%arg10 : memref<128xi32, #tpu.memory_space<vmem>>) target_semaphore(%arg22 : memref<!tpu.dma_semaphore, #tpu.memory_space<semaphore_mem>>)
      %add3A_256 = arith.constant 320000 : i32
      %add3A_257 = arith.addi %add3A_256, %mul3A_4 : i32
      %mul3A_258 = arith.constant 128 : i32
      %mul3A_259 = arith.muli %add3A_215, %mul3A_258 : i32
      %add3A_260 = arith.addi %add3A_257, %mul3A_259 : i32
      %dma_wait3A_261 = tpu.memref_slice %arg3[%add3A_260] : memref<640000xi32, #tpu.memory_space<hbm>> -> memref<128xi32, #tpu.memory_space<hbm>>
      %dma_wait3A_262 = tpu.memref_slice %arg3[%add3A_260] : memref<640000xi32, #tpu.memory_space<hbm>> -> memref<128xi32, #tpu.memory_space<hbm>>
      tpu.wait_dma2 semaphore(%arg23 : memref<!tpu.dma_semaphore, #tpu.memory_space<semaphore_mem>>) src(%dma_wait3A_262 : memref<128xi32, #tpu.memory_space<hbm>>) dst(%arg11 : memref<128xi32, #tpu.memory_space<vmem>>)
      %dma_start3A_263 = arith.constant 0 : i32
      %dma_start3A_264 = arith.constant 0 : i32
      %dma_start3A_265 = tpu.memref_slice %arg15[%dma_start3A_263, %dma_start3A_264] : memref<10240x128xf32, #tpu.memory_space<vmem_shared>> -> memref<10240x128xf32, #tpu.memory_space<vmem_shared>>
      tpu.enqueue_indirect_dma source(%arg13 : memref<128x128xf32, #tpu.memory_space<vmem>>) target(%dma_start3A_265 : memref<10240x128xf32, #tpu.memory_space<vmem_shared>>) offsets(%arg11 : memref<128xi32, #tpu.memory_space<vmem>>) semaphore(%arg18 : memref<!tpu.dma_semaphore, #tpu.memory_space<semaphore_mem>>) {add = true}
      %get3A_266 = arith.constant 0 : index
      %get3A_267 = tpu.vector_load %arg11[%get3A_266] {strides = array<i32>} : memref<128xi32, #tpu.memory_space<vmem>>, vector<16xi32>,
      tpu.vector_store_idx %arg27[%get3A_267], %broadcast_in_dim3A_5 {add = true} : memref<10240xf32, #tpu.memory_space<vmem>>[vector<16xi32>], vector<16xf32>,
      %get3A_268 = arith.constant 16 : index
      %get3A_269 = tpu.vector_load %arg11[%get3A_268] {strides = array<i32>} : memref<128xi32, #tpu.memory_space<vmem>>, vector<16xi32>,
      tpu.vector_store_idx %arg27[%get3A_269], %broadcast_in_dim3A_5 {add = true} : memref<10240xf32, #tpu.memory_space<vmem>>[vector<16xi32>], vector<16xf32>,
      %get3A_270 = arith.constant 32 : index
      %get3A_271 = tpu.vector_load %arg11[%get3A_270] {strides = array<i32>} : memref<128xi32, #tpu.memory_space<vmem>>, vector<16xi32>,
      tpu.vector_store_idx %arg27[%get3A_271], %broadcast_in_dim3A_5 {add = true} : memref<10240xf32, #tpu.memory_space<vmem>>[vector<16xi32>], vector<16xf32>,
      %get3A_272 = arith.constant 48 : index
      %get3A_273 = tpu.vector_load %arg11[%get3A_272] {strides = array<i32>} : memref<128xi32, #tpu.memory_space<vmem>>, vector<16xi32>,
      tpu.vector_store_idx %arg27[%get3A_273], %broadcast_in_dim3A_5 {add = true} : memref<10240xf32, #tpu.memory_space<vmem>>[vector<16xi32>], vector<16xf32>,
      %get3A_274 = arith.constant 64 : index
      %get3A_275 = tpu.vector_load %arg11[%get3A_274] {strides = array<i32>} : memref<128xi32, #tpu.memory_space<vmem>>, vector<16xi32>,
      tpu.vector_store_idx %arg27[%get3A_275], %broadcast_in_dim3A_5 {add = true} : memref<10240xf32, #tpu.memory_space<vmem>>[vector<16xi32>], vector<16xf32>,
      %get3A_276 = arith.constant 80 : index
      %get3A_277 = tpu.vector_load %arg11[%get3A_276] {strides = array<i32>} : memref<128xi32, #tpu.memory_space<vmem>>, vector<16xi32>,
      tpu.vector_store_idx %arg27[%get3A_277], %broadcast_in_dim3A_5 {add = true} : memref<10240xf32, #tpu.memory_space<vmem>>[vector<16xi32>], vector<16xf32>,
      %get3A_278 = arith.constant 96 : index
      %get3A_279 = tpu.vector_load %arg11[%get3A_278] {strides = array<i32>} : memref<128xi32, #tpu.memory_space<vmem>>, vector<16xi32>,
      tpu.vector_store_idx %arg27[%get3A_279], %broadcast_in_dim3A_5 {add = true} : memref<10240xf32, #tpu.memory_space<vmem>>[vector<16xi32>], vector<16xf32>,
      %get3A_280 = arith.constant 112 : index
      %get3A_281 = tpu.vector_load %arg11[%get3A_280] {strides = array<i32>} : memref<128xi32, #tpu.memory_space<vmem>>, vector<16xi32>,
      tpu.vector_store_idx %arg27[%get3A_281], %broadcast_in_dim3A_5 {add = true} : memref<10240xf32, #tpu.memory_space<vmem>>[vector<16xi32>], vector<16xf32>,
      %mul3A_282 = arith.constant 6 : i32
      %mul3A_283 = arith.muli %mul3A_282, %scan3A_75 : i32
      %add3A_284 = arith.constant 3 : i32
      %add3A_285 = arith.addi %mul3A_283, %add3A_284 : i32
      %sub3A_286 = arith.constant 1 : i32
      %sub3A_287 = arith.subi %add3A_285, %sub3A_286 : i32
      %dma_wait3A_288 = arith.constant 0 : i32
      %dma_wait3A_289 = arith.constant 0 : i32
      %dma_wait3A_290 = tpu.memref_slice %arg15[%dma_wait3A_288, %dma_wait3A_289] : memref<10240x128xf32, #tpu.memory_space<vmem_shared>> -> memref<10240x128xf32, #tpu.memory_space<vmem_shared>>
      tpu.wait_indirect_dma semaphore(%arg18 : memref<!tpu.dma_semaphore, #tpu.memory_space<semaphore_mem>>) src(%arg13 : memref<128x128xf32, #tpu.memory_space<vmem>>) dst(%dma_wait3A_290 : memref<10240x128xf32, #tpu.memory_space<vmem_shared>>)
      %add3A_291 = arith.constant 1 : i32
      %add3A_292 = arith.addi %add3A_285, %add3A_291 : i32
      %add3A_293 = arith.constant 320000 : i32
      %add3A_294 = arith.addi %add3A_293, %mul3A_4 : i32
      %mul3A_295 = arith.constant 128 : i32
      %mul3A_296 = arith.muli %add3A_292, %mul3A_295 : i32
      %add3A_297 = arith.addi %add3A_294, %mul3A_296 : i32
      %dma_start3A_298 = tpu.memref_slice %arg3[%add3A_297] : memref<640000xi32, #tpu.memory_space<hbm>> -> memref<128xi32, #tpu.memory_space<hbm>>
      %dma_start3A_299 = tpu.memref_slice %arg3[%add3A_297] : memref<640000xi32, #tpu.memory_space<hbm>> -> memref<128xi32, #tpu.memory_space<hbm>>
      tpu.enqueue_dma source(%dma_start3A_299 : memref<128xi32, #tpu.memory_space<hbm>>) target(%arg11 : memref<128xi32, #tpu.memory_space<vmem>>) target_semaphore(%arg23 : memref<!tpu.dma_semaphore, #tpu.memory_space<semaphore_mem>>)
      %add3A_300 = arith.constant 1 : i32
      %add3A_301 = arith.addi %add3A_285, %add3A_300 : i32
      %add3A_302 = arith.constant 0 : i32
      %add3A_303 = arith.addi %add3A_302, %mul3A_4 : i32
      %mul3A_304 = arith.constant 128 : i32
      %mul3A_305 = arith.muli %add3A_301, %mul3A_304 : i32
      %add3A_306 = arith.addi %add3A_303, %mul3A_305 : i32
      %dma_wait3A_307 = tpu.memref_slice %arg3[%add3A_306] : memref<640000xi32, #tpu.memory_space<hbm>> -> memref<128xi32, #tpu.memory_space<hbm>>
      %dma_wait3A_308 = tpu.memref_slice %arg3[%add3A_306] : memref<640000xi32, #tpu.memory_space<hbm>> -> memref<128xi32, #tpu.memory_space<hbm>>
      tpu.wait_dma2 semaphore(%arg21 : memref<!tpu.dma_semaphore, #tpu.memory_space<semaphore_mem>>) src(%dma_wait3A_308 : memref<128xi32, #tpu.memory_space<hbm>>) dst(%arg9 : memref<128xi32, #tpu.memory_space<vmem>>)
      %add3A_309 = arith.constant 1 : i32
      %add3A_310 = arith.addi %add3A_285, %add3A_309 : i32
      %dma_start3A_311 = arith.constant 0 : i32
      %dma_start3A_312 = arith.constant 0 : i32
      %dma_start3A_313 = tpu.memref_slice %arg2[%dma_start3A_311, %dma_start3A_312] : memref<10000x128xf32, #tpu.memory_space<hbm>> -> memref<10000x128xf32, #tpu.memory_space<hbm>>
      tpu.enqueue_indirect_dma source(%dma_start3A_313 : memref<10000x128xf32, #tpu.memory_space<hbm>>) target(%arg13 : memref<128x128xf32, #tpu.memory_space<vmem>>) offsets(%arg9 : memref<128xi32, #tpu.memory_space<vmem>>) semaphore(%arg16 : memref<!tpu.dma_semaphore, #tpu.memory_space<semaphore_mem>>)
      %dma_wait3A_314 = arith.constant 0 : i32
      %dma_wait3A_315 = arith.constant 0 : i32
      %dma_wait3A_316 = tpu.memref_slice %arg2[%dma_wait3A_314, %dma_wait3A_315] : memref<10000x128xf32, #tpu.memory_space<hbm>> -> memref<10000x128xf32, #tpu.memory_space<hbm>>
      tpu.wait_indirect_dma semaphore(%arg17 : memref<!tpu.dma_semaphore, #tpu.memory_space<semaphore_mem>>) src(%dma_wait3A_316 : memref<10000x128xf32, #tpu.memory_space<hbm>>) dst(%arg14 : memref<128x128xf32, #tpu.memory_space<vmem>>)
      %lt3A = arith.constant 12 : i32
      %lt3A_317 = arith.cmpi slt, %scan3A_75, %lt3A : i32
      %convert_element_type3A_318 = arith.extui %lt3A_317 : i1 to i32
      %cond3A_319 = arith.constant 0 : i32
      %cond3A_320 = arith.cmpi ne, %convert_element_type3A_318, %cond3A_319 : i32
      scf.if %cond3A_320 {
        %add3A_461 = arith.constant 3 : i32
        %add3A_462 = arith.addi %add3A_285, %add3A_461 : i32
        %add3A_463 = arith.constant 0 : i32
        %add3A_464 = arith.addi %add3A_463, %mul3A_4 : i32
        %mul3A_465 = arith.constant 128 : i32
        %mul3A_466 = arith.muli %add3A_462, %mul3A_465 : i32
        %add3A_467 = arith.addi %add3A_464, %mul3A_466 : i32
        %dma_start3A_468 = tpu.memref_slice %arg3[%add3A_467] : memref<640000xi32, #tpu.memory_space<hbm>> -> memref<128xi32, #tpu.memory_space<hbm>>
        %dma_start3A_469 = tpu.memref_slice %arg3[%add3A_467] : memref<640000xi32, #tpu.memory_space<hbm>> -> memref<128xi32, #tpu.memory_space<hbm>>
        tpu.enqueue_dma source(%dma_start3A_469 : memref<128xi32, #tpu.memory_space<hbm>>) target(%arg8 : memref<128xi32, #tpu.memory_space<vmem>>) target_semaphore(%arg20 : memref<!tpu.dma_semaphore, #tpu.memory_space<semaphore_mem>>)
      } else {
      }
      %add3A_321 = arith.constant 320000 : i32
      %add3A_322 = arith.addi %add3A_321, %mul3A_4 : i32
      %mul3A_323 = arith.constant 128 : i32
      %mul3A_324 = arith.muli %add3A_285, %mul3A_323 : i32
      %add3A_325 = arith.addi %add3A_322, %mul3A_324 : i32
      %dma_wait3A_326 = tpu.memref_slice %arg3[%add3A_325] : memref<640000xi32, #tpu.memory_space<hbm>> -> memref<128xi32, #tpu.memory_space<hbm>>
      %dma_wait3A_327 = tpu.memref_slice %arg3[%add3A_325] : memref<640000xi32, #tpu.memory_space<hbm>> -> memref<128xi32, #tpu.memory_space<hbm>>
      tpu.wait_dma2 semaphore(%arg24 : memref<!tpu.dma_semaphore, #tpu.memory_space<semaphore_mem>>) src(%dma_wait3A_327 : memref<128xi32, #tpu.memory_space<hbm>>) dst(%arg12 : memref<128xi32, #tpu.memory_space<vmem>>)
      %dma_start3A_328 = arith.constant 0 : i32
      %dma_start3A_329 = arith.constant 0 : i32
      %dma_start3A_330 = tpu.memref_slice %arg15[%dma_start3A_328, %dma_start3A_329] : memref<10240x128xf32, #tpu.memory_space<vmem_shared>> -> memref<10240x128xf32, #tpu.memory_space<vmem_shared>>
      tpu.enqueue_indirect_dma source(%arg14 : memref<128x128xf32, #tpu.memory_space<vmem>>) target(%dma_start3A_330 : memref<10240x128xf32, #tpu.memory_space<vmem_shared>>) offsets(%arg12 : memref<128xi32, #tpu.memory_space<vmem>>) semaphore(%arg19 : memref<!tpu.dma_semaphore, #tpu.memory_space<semaphore_mem>>) {add = true}
      %get3A_331 = arith.constant 0 : index
      %get3A_332 = tpu.vector_load %arg12[%get3A_331] {strides = array<i32>} : memref<128xi32, #tpu.memory_space<vmem>>, vector<16xi32>,
      tpu.vector_store_idx %arg27[%get3A_332], %broadcast_in_dim3A_5 {add = true} : memref<10240xf32, #tpu.memory_space<vmem>>[vector<16xi32>], vector<16xf32>,
      %get3A_333 = arith.constant 16 : index
      %get3A_334 = tpu.vector_load %arg12[%get3A_333] {strides = array<i32>} : memref<128xi32, #tpu.memory_space<vmem>>, vector<16xi32>,
      tpu.vector_store_idx %arg27[%get3A_334], %broadcast_in_dim3A_5 {add = true} : memref<10240xf32, #tpu.memory_space<vmem>>[vector<16xi32>], vector<16xf32>,
      %get3A_335 = arith.constant 32 : index
      %get3A_336 = tpu.vector_load %arg12[%get3A_335] {strides = array<i32>} : memref<128xi32, #tpu.memory_space<vmem>>, vector<16xi32>,
      tpu.vector_store_idx %arg27[%get3A_336], %broadcast_in_dim3A_5 {add = true} : memref<10240xf32, #tpu.memory_space<vmem>>[vector<16xi32>], vector<16xf32>,
      %get3A_337 = arith.constant 48 : index
      %get3A_338 = tpu.vector_load %arg12[%get3A_337] {strides = array<i32>} : memref<128xi32, #tpu.memory_space<vmem>>, vector<16xi32>,
      tpu.vector_store_idx %arg27[%get3A_338], %broadcast_in_dim3A_5 {add = true} : memref<10240xf32, #tpu.memory_space<vmem>>[vector<16xi32>], vector<16xf32>,
      %get3A_339 = arith.constant 64 : index
      %get3A_340 = tpu.vector_load %arg12[%get3A_339] {strides = array<i32>} : memref<128xi32, #tpu.memory_space<vmem>>, vector<16xi32>,
      tpu.vector_store_idx %arg27[%get3A_340], %broadcast_in_dim3A_5 {add = true} : memref<10240xf32, #tpu.memory_space<vmem>>[vector<16xi32>], vector<16xf32>,
      %get3A_341 = arith.constant 80 : index
      %get3A_342 = tpu.vector_load %arg12[%get3A_341] {strides = array<i32>} : memref<128xi32, #tpu.memory_space<vmem>>, vector<16xi32>,
      tpu.vector_store_idx %arg27[%get3A_342], %broadcast_in_dim3A_5 {add = true} : memref<10240xf32, #tpu.memory_space<vmem>>[vector<16xi32>], vector<16xf32>,
      %get3A_343 = arith.constant 96 : index
      %get3A_344 = tpu.vector_load %arg12[%get3A_343] {strides = array<i32>} : memref<128xi32, #tpu.memory_space<vmem>>, vector<16xi32>,
      tpu.vector_store_idx %arg27[%get3A_344], %broadcast_in_dim3A_5 {add = true} : memref<10240xf32, #tpu.memory_space<vmem>>[vector<16xi32>], vector<16xf32>,
      %get3A_345 = arith.constant 112 : index
      %get3A_346 = tpu.vector_load %arg12[%get3A_345] {strides = array<i32>} : memref<128xi32, #tpu.memory_space<vmem>>, vector<16xi32>,
      tpu.vector_store_idx %arg27[%get3A_346], %broadcast_in_dim3A_5 {add = true} : memref<10240xf32, #tpu.memory_space<vmem>>[vector<16xi32>], vector<16xf32>,
      %mul3A_347 = arith.constant 6 : i32
      %mul3A_348 = arith.muli %mul3A_347, %scan3A_75 : i32
      %add3A_349 = arith.constant 4 : i32
      %add3A_350 = arith.addi %mul3A_348, %add3A_349 : i32
      %sub3A_351 = arith.constant 1 : i32
      %sub3A_352 = arith.subi %add3A_350, %sub3A_351 : i32
      %dma_wait3A_353 = arith.constant 0 : i32
      %dma_wait3A_354 = arith.constant 0 : i32
      %dma_wait3A_355 = tpu.memref_slice %arg15[%dma_wait3A_353, %dma_wait3A_354] : memref<10240x128xf32, #tpu.memory_space<vmem_shared>> -> memref<10240x128xf32, #tpu.memory_space<vmem_shared>>
      tpu.wait_indirect_dma semaphore(%arg19 : memref<!tpu.dma_semaphore, #tpu.memory_space<semaphore_mem>>) src(%arg14 : memref<128x128xf32, #tpu.memory_space<vmem>>) dst(%dma_wait3A_355 : memref<10240x128xf32, #tpu.memory_space<vmem_shared>>)
      %add3A_356 = arith.constant 1 : i32
      %add3A_357 = arith.addi %add3A_350, %add3A_356 : i32
      %add3A_358 = arith.constant 320000 : i32
      %add3A_359 = arith.addi %add3A_358, %mul3A_4 : i32
      %mul3A_360 = arith.constant 128 : i32
      %mul3A_361 = arith.muli %add3A_357, %mul3A_360 : i32
      %add3A_362 = arith.addi %add3A_359, %mul3A_361 : i32
      %dma_start3A_363 = tpu.memref_slice %arg3[%add3A_362] : memref<640000xi32, #tpu.memory_space<hbm>> -> memref<128xi32, #tpu.memory_space<hbm>>
      %dma_start3A_364 = tpu.memref_slice %arg3[%add3A_362] : memref<640000xi32, #tpu.memory_space<hbm>> -> memref<128xi32, #tpu.memory_space<hbm>>
      tpu.enqueue_dma source(%dma_start3A_364 : memref<128xi32, #tpu.memory_space<hbm>>) target(%arg12 : memref<128xi32, #tpu.memory_space<vmem>>) target_semaphore(%arg24 : memref<!tpu.dma_semaphore, #tpu.memory_space<semaphore_mem>>)
      %add3A_365 = arith.constant 1 : i32
      %add3A_366 = arith.addi %add3A_350, %add3A_365 : i32
      %add3A_367 = arith.constant 0 : i32
      %add3A_368 = arith.addi %add3A_367, %mul3A_4 : i32
      %mul3A_369 = arith.constant 128 : i32
      %mul3A_370 = arith.muli %add3A_366, %mul3A_369 : i32
      %add3A_371 = arith.addi %add3A_368, %mul3A_370 : i32
      %dma_wait3A_372 = tpu.memref_slice %arg3[%add3A_371] : memref<640000xi32, #tpu.memory_space<hbm>> -> memref<128xi32, #tpu.memory_space<hbm>>
      %dma_wait3A_373 = tpu.memref_slice %arg3[%add3A_371] : memref<640000xi32, #tpu.memory_space<hbm>> -> memref<128xi32, #tpu.memory_space<hbm>>
      tpu.wait_dma2 semaphore(%arg22 : memref<!tpu.dma_semaphore, #tpu.memory_space<semaphore_mem>>) src(%dma_wait3A_373 : memref<128xi32, #tpu.memory_space<hbm>>) dst(%arg10 : memref<128xi32, #tpu.memory_space<vmem>>)
      %add3A_374 = arith.constant 1 : i32
      %add3A_375 = arith.addi %add3A_350, %add3A_374 : i32
      %dma_start3A_376 = arith.constant 0 : i32
      %dma_start3A_377 = arith.constant 0 : i32
      %dma_start3A_378 = tpu.memref_slice %arg2[%dma_start3A_376, %dma_start3A_377] : memref<10000x128xf32, #tpu.memory_space<hbm>> -> memref<10000x128xf32, #tpu.memory_space<hbm>>
      tpu.enqueue_indirect_dma source(%dma_start3A_378 : memref<10000x128xf32, #tpu.memory_space<hbm>>) target(%arg14 : memref<128x128xf32, #tpu.memory_space<vmem>>) offsets(%arg10 : memref<128xi32, #tpu.memory_space<vmem>>) semaphore(%arg17 : memref<!tpu.dma_semaphore, #tpu.memory_space<semaphore_mem>>)
      %dma_wait3A_379 = arith.constant 0 : i32
      %dma_wait3A_380 = arith.constant 0 : i32
      %dma_wait3A_381 = tpu.memref_slice %arg2[%dma_wait3A_379, %dma_wait3A_380] : memref<10000x128xf32, #tpu.memory_space<hbm>> -> memref<10000x128xf32, #tpu.memory_space<hbm>>
      tpu.wait_indirect_dma semaphore(%arg16 : memref<!tpu.dma_semaphore, #tpu.memory_space<semaphore_mem>>) src(%dma_wait3A_381 : memref<10000x128xf32, #tpu.memory_space<hbm>>) dst(%arg13 : memref<128x128xf32, #tpu.memory_space<vmem>>)
      %lt3A_382 = arith.constant 12 : i32
      %lt3A_383 = arith.cmpi slt, %scan3A_75, %lt3A_382 : i32
      %convert_element_type3A_384 = arith.extui %lt3A_383 : i1 to i32
      %cond3A_385 = arith.constant 0 : i32
      %cond3A_386 = arith.cmpi ne, %convert_element_type3A_384, %cond3A_385 : i32
      scf.if %cond3A_386 {
        %add3A_461 = arith.constant 3 : i32
        %add3A_462 = arith.addi %add3A_350, %add3A_461 : i32
        %add3A_463 = arith.constant 0 : i32
        %add3A_464 = arith.addi %add3A_463, %mul3A_4 : i32
        %mul3A_465 = arith.constant 128 : i32
        %mul3A_466 = arith.muli %add3A_462, %mul3A_465 : i32
        %add3A_467 = arith.addi %add3A_464, %mul3A_466 : i32
        %dma_start3A_468 = tpu.memref_slice %arg3[%add3A_467] : memref<640000xi32, #tpu.memory_space<hbm>> -> memref<128xi32, #tpu.memory_space<hbm>>
        %dma_start3A_469 = tpu.memref_slice %arg3[%add3A_467] : memref<640000xi32, #tpu.memory_space<hbm>> -> memref<128xi32, #tpu.memory_space<hbm>>
        tpu.enqueue_dma source(%dma_start3A_469 : memref<128xi32, #tpu.memory_space<hbm>>) target(%arg9 : memref<128xi32, #tpu.memory_space<vmem>>) target_semaphore(%arg21 : memref<!tpu.dma_semaphore, #tpu.memory_space<semaphore_mem>>)
      } else {
      }
      %add3A_387 = arith.constant 320000 : i32
      %add3A_388 = arith.addi %add3A_387, %mul3A_4 : i32
      %mul3A_389 = arith.constant 128 : i32
      %mul3A_390 = arith.muli %add3A_350, %mul3A_389 : i32
      %add3A_391 = arith.addi %add3A_388, %mul3A_390 : i32
      %dma_wait3A_392 = tpu.memref_slice %arg3[%add3A_391] : memref<640000xi32, #tpu.memory_space<hbm>> -> memref<128xi32, #tpu.memory_space<hbm>>
      %dma_wait3A_393 = tpu.memref_slice %arg3[%add3A_391] : memref<640000xi32, #tpu.memory_space<hbm>> -> memref<128xi32, #tpu.memory_space<hbm>>
      tpu.wait_dma2 semaphore(%arg23 : memref<!tpu.dma_semaphore, #tpu.memory_space<semaphore_mem>>) src(%dma_wait3A_393 : memref<128xi32, #tpu.memory_space<hbm>>) dst(%arg11 : memref<128xi32, #tpu.memory_space<vmem>>)
      %dma_start3A_394 = arith.constant 0 : i32
      %dma_start3A_395 = arith.constant 0 : i32
      %dma_start3A_396 = tpu.memref_slice %arg15[%dma_start3A_394, %dma_start3A_395] : memref<10240x128xf32, #tpu.memory_space<vmem_shared>> -> memref<10240x128xf32, #tpu.memory_space<vmem_shared>>
      tpu.enqueue_indirect_dma source(%arg13 : memref<128x128xf32, #tpu.memory_space<vmem>>) target(%dma_start3A_396 : memref<10240x128xf32, #tpu.memory_space<vmem_shared>>) offsets(%arg11 : memref<128xi32, #tpu.memory_space<vmem>>) semaphore(%arg18 : memref<!tpu.dma_semaphore, #tpu.memory_space<semaphore_mem>>) {add = true}
      %get3A_397 = arith.constant 0 : index
      %get3A_398 = tpu.vector_load %arg11[%get3A_397] {strides = array<i32>} : memref<128xi32, #tpu.memory_space<vmem>>, vector<16xi32>,
      tpu.vector_store_idx %arg27[%get3A_398], %broadcast_in_dim3A_5 {add = true} : memref<10240xf32, #tpu.memory_space<vmem>>[vector<16xi32>], vector<16xf32>,
      %get3A_399 = arith.constant 16 : index
      %get3A_400 = tpu.vector_load %arg11[%get3A_399] {strides = array<i32>} : memref<128xi32, #tpu.memory_space<vmem>>, vector<16xi32>,
      tpu.vector_store_idx %arg27[%get3A_400], %broadcast_in_dim3A_5 {add = true} : memref<10240xf32, #tpu.memory_space<vmem>>[vector<16xi32>], vector<16xf32>,
      %get3A_401 = arith.constant 32 : index
      %get3A_402 = tpu.vector_load %arg11[%get3A_401] {strides = array<i32>} : memref<128xi32, #tpu.memory_space<vmem>>, vector<16xi32>,
      tpu.vector_store_idx %arg27[%get3A_402], %broadcast_in_dim3A_5 {add = true} : memref<10240xf32, #tpu.memory_space<vmem>>[vector<16xi32>], vector<16xf32>,
      %get3A_403 = arith.constant 48 : index
      %get3A_404 = tpu.vector_load %arg11[%get3A_403] {strides = array<i32>} : memref<128xi32, #tpu.memory_space<vmem>>, vector<16xi32>,
      tpu.vector_store_idx %arg27[%get3A_404], %broadcast_in_dim3A_5 {add = true} : memref<10240xf32, #tpu.memory_space<vmem>>[vector<16xi32>], vector<16xf32>,
      %get3A_405 = arith.constant 64 : index
      %get3A_406 = tpu.vector_load %arg11[%get3A_405] {strides = array<i32>} : memref<128xi32, #tpu.memory_space<vmem>>, vector<16xi32>,
      tpu.vector_store_idx %arg27[%get3A_406], %broadcast_in_dim3A_5 {add = true} : memref<10240xf32, #tpu.memory_space<vmem>>[vector<16xi32>], vector<16xf32>,
      %get3A_407 = arith.constant 80 : index
      %get3A_408 = tpu.vector_load %arg11[%get3A_407] {strides = array<i32>} : memref<128xi32, #tpu.memory_space<vmem>>, vector<16xi32>,
      tpu.vector_store_idx %arg27[%get3A_408], %broadcast_in_dim3A_5 {add = true} : memref<10240xf32, #tpu.memory_space<vmem>>[vector<16xi32>], vector<16xf32>,
      %get3A_409 = arith.constant 96 : index
      %get3A_410 = tpu.vector_load %arg11[%get3A_409] {strides = array<i32>} : memref<128xi32, #tpu.memory_space<vmem>>, vector<16xi32>,
      tpu.vector_store_idx %arg27[%get3A_410], %broadcast_in_dim3A_5 {add = true} : memref<10240xf32, #tpu.memory_space<vmem>>[vector<16xi32>], vector<16xf32>,
      %get3A_411 = arith.constant 112 : index
      %get3A_412 = tpu.vector_load %arg11[%get3A_411] {strides = array<i32>} : memref<128xi32, #tpu.memory_space<vmem>>, vector<16xi32>,
      tpu.vector_store_idx %arg27[%get3A_412], %broadcast_in_dim3A_5 {add = true} : memref<10240xf32, #tpu.memory_space<vmem>>[vector<16xi32>], vector<16xf32>,
      %mul3A_413 = arith.constant 6 : i32
      %mul3A_414 = arith.muli %mul3A_413, %scan3A_75 : i32
      %add3A_415 = arith.constant 5 : i32
      %add3A_416 = arith.addi %mul3A_414, %add3A_415 : i32
      %sub3A_417 = arith.constant 1 : i32
      %sub3A_418 = arith.subi %add3A_416, %sub3A_417 : i32
      %dma_wait3A_419 = arith.constant 0 : i32
      %dma_wait3A_420 = arith.constant 0 : i32
      %dma_wait3A_421 = tpu.memref_slice %arg15[%dma_wait3A_419, %dma_wait3A_420] : memref<10240x128xf32, #tpu.memory_space<vmem_shared>> -> memref<10240x128xf32, #tpu.memory_space<vmem_shared>>
      tpu.wait_indirect_dma semaphore(%arg18 : memref<!tpu.dma_semaphore, #tpu.memory_space<semaphore_mem>>) src(%arg13 : memref<128x128xf32, #tpu.memory_space<vmem>>) dst(%dma_wait3A_421 : memref<10240x128xf32, #tpu.memory_space<vmem_shared>>)
      %lt3A_422 = arith.constant 12 : i32
      %lt3A_423 = arith.cmpi slt, %scan3A_75, %lt3A_422 : i32
      %convert_element_type3A_424 = arith.extui %lt3A_423 : i1 to i32
      %cond3A_425 = arith.constant 0 : i32
      %cond3A_426 = arith.cmpi ne, %convert_element_type3A_424, %cond3A_425 : i32
      scf.if %cond3A_426 {
        %add3A_461 = arith.constant 1 : i32
        %add3A_462 = arith.addi %add3A_416, %add3A_461 : i32
        %add3A_463 = arith.constant 320000 : i32
        %add3A_464 = arith.addi %add3A_463, %mul3A_4 : i32
        %mul3A_465 = arith.constant 128 : i32
        %mul3A_466 = arith.muli %add3A_462, %mul3A_465 : i32
        %add3A_467 = arith.addi %add3A_464, %mul3A_466 : i32
        %dma_start3A_468 = tpu.memref_slice %arg3[%add3A_467] : memref<640000xi32, #tpu.memory_space<hbm>> -> memref<128xi32, #tpu.memory_space<hbm>>
        %dma_start3A_469 = tpu.memref_slice %arg3[%add3A_467] : memref<640000xi32, #tpu.memory_space<hbm>> -> memref<128xi32, #tpu.memory_space<hbm>>
        tpu.enqueue_dma source(%dma_start3A_469 : memref<128xi32, #tpu.memory_space<hbm>>) target(%arg11 : memref<128xi32, #tpu.memory_space<vmem>>) target_semaphore(%arg23 : memref<!tpu.dma_semaphore, #tpu.memory_space<semaphore_mem>>)
        %add3A_470 = arith.constant 1 : i32
        %add3A_471 = arith.addi %add3A_416, %add3A_470 : i32
        %add3A_472 = arith.constant 0 : i32
        %add3A_473 = arith.addi %add3A_472, %mul3A_4 : i32
        %mul3A_474 = arith.constant 128 : i32
        %mul3A_475 = arith.muli %add3A_471, %mul3A_474 : i32
        %add3A_476 = arith.addi %add3A_473, %mul3A_475 : i32
        %dma_wait3A_477 = tpu.memref_slice %arg3[%add3A_476] : memref<640000xi32, #tpu.memory_space<hbm>> -> memref<128xi32, #tpu.memory_space<hbm>>
        %dma_wait3A_478 = tpu.memref_slice %arg3[%add3A_476] : memref<640000xi32, #tpu.memory_space<hbm>> -> memref<128xi32, #tpu.memory_space<hbm>>
        tpu.wait_dma2 semaphore(%arg20 : memref<!tpu.dma_semaphore, #tpu.memory_space<semaphore_mem>>) src(%dma_wait3A_478 : memref<128xi32, #tpu.memory_space<hbm>>) dst(%arg8 : memref<128xi32, #tpu.memory_space<vmem>>)
        %add3A_479 = arith.constant 1 : i32
        %add3A_480 = arith.addi %add3A_416, %add3A_479 : i32
        %dma_start3A_481 = arith.constant 0 : i32
        %dma_start3A_482 = arith.constant 0 : i32
        %dma_start3A_483 = tpu.memref_slice %arg2[%dma_start3A_481, %dma_start3A_482] : memref<10000x128xf32, #tpu.memory_space<hbm>> -> memref<10000x128xf32, #tpu.memory_space<hbm>>
        tpu.enqueue_indirect_dma source(%dma_start3A_483 : memref<10000x128xf32, #tpu.memory_space<hbm>>) target(%arg13 : memref<128x128xf32, #tpu.memory_space<vmem>>) offsets(%arg8 : memref<128xi32, #tpu.memory_space<vmem>>) semaphore(%arg16 : memref<!tpu.dma_semaphore, #tpu.memory_space<semaphore_mem>>)
      } else {
      }
      %dma_wait3A_427 = arith.constant 0 : i32
      %dma_wait3A_428 = arith.constant 0 : i32
      %dma_wait3A_429 = tpu.memref_slice %arg2[%dma_wait3A_427, %dma_wait3A_428] : memref<10000x128xf32, #tpu.memory_space<hbm>> -> memref<10000x128xf32, #tpu.memory_space<hbm>>
      tpu.wait_indirect_dma semaphore(%arg17 : memref<!tpu.dma_semaphore, #tpu.memory_space<semaphore_mem>>) src(%dma_wait3A_429 : memref<10000x128xf32, #tpu.memory_space<hbm>>) dst(%arg14 : memref<128x128xf32, #tpu.memory_space<vmem>>)
      %lt3A_430 = arith.constant 12 : i32
      %lt3A_431 = arith.cmpi slt, %scan3A_75, %lt3A_430 : i32
      %convert_element_type3A_432 = arith.extui %lt3A_431 : i1 to i32
      %cond3A_433 = arith.constant 0 : i32
      %cond3A_434 = arith.cmpi ne, %convert_element_type3A_432, %cond3A_433 : i32
      scf.if %cond3A_434 {
        %add3A_461 = arith.constant 3 : i32
        %add3A_462 = arith.addi %add3A_416, %add3A_461 : i32
        %add3A_463 = arith.constant 0 : i32
        %add3A_464 = arith.addi %add3A_463, %mul3A_4 : i32
        %mul3A_465 = arith.constant 128 : i32
        %mul3A_466 = arith.muli %add3A_462, %mul3A_465 : i32
        %add3A_467 = arith.addi %add3A_464, %mul3A_466 : i32
        %dma_start3A_468 = tpu.memref_slice %arg3[%add3A_467] : memref<640000xi32, #tpu.memory_space<hbm>> -> memref<128xi32, #tpu.memory_space<hbm>>
        %dma_start3A_469 = tpu.memref_slice %arg3[%add3A_467] : memref<640000xi32, #tpu.memory_space<hbm>> -> memref<128xi32, #tpu.memory_space<hbm>>
        tpu.enqueue_dma source(%dma_start3A_469 : memref<128xi32, #tpu.memory_space<hbm>>) target(%arg10 : memref<128xi32, #tpu.memory_space<vmem>>) target_semaphore(%arg22 : memref<!tpu.dma_semaphore, #tpu.memory_space<semaphore_mem>>)
      } else {
      }
      %add3A_435 = arith.constant 320000 : i32
      %add3A_436 = arith.addi %add3A_435, %mul3A_4 : i32
      %mul3A_437 = arith.constant 128 : i32
      %mul3A_438 = arith.muli %add3A_416, %mul3A_437 : i32
      %add3A_439 = arith.addi %add3A_436, %mul3A_438 : i32
      %dma_wait3A_440 = tpu.memref_slice %arg3[%add3A_439] : memref<640000xi32, #tpu.memory_space<hbm>> -> memref<128xi32, #tpu.memory_space<hbm>>
      %dma_wait3A_441 = tpu.memref_slice %arg3[%add3A_439] : memref<640000xi32, #tpu.memory_space<hbm>> -> memref<128xi32, #tpu.memory_space<hbm>>
      tpu.wait_dma2 semaphore(%arg24 : memref<!tpu.dma_semaphore, #tpu.memory_space<semaphore_mem>>) src(%dma_wait3A_441 : memref<128xi32, #tpu.memory_space<hbm>>) dst(%arg12 : memref<128xi32, #tpu.memory_space<vmem>>)
      %dma_start3A_442 = arith.constant 0 : i32
      %dma_start3A_443 = arith.constant 0 : i32
      %dma_start3A_444 = tpu.memref_slice %arg15[%dma_start3A_442, %dma_start3A_443] : memref<10240x128xf32, #tpu.memory_space<vmem_shared>> -> memref<10240x128xf32, #tpu.memory_space<vmem_shared>>
      tpu.enqueue_indirect_dma source(%arg14 : memref<128x128xf32, #tpu.memory_space<vmem>>) target(%dma_start3A_444 : memref<10240x128xf32, #tpu.memory_space<vmem_shared>>) offsets(%arg12 : memref<128xi32, #tpu.memory_space<vmem>>) semaphore(%arg19 : memref<!tpu.dma_semaphore, #tpu.memory_space<semaphore_mem>>) {add = true}
      %get3A_445 = arith.constant 0 : index
      %get3A_446 = tpu.vector_load %arg12[%get3A_445] {strides = array<i32>} : memref<128xi32, #tpu.memory_space<vmem>>, vector<16xi32>,
      tpu.vector_store_idx %arg27[%get3A_446], %broadcast_in_dim3A_5 {add = true} : memref<10240xf32, #tpu.memory_space<vmem>>[vector<16xi32>], vector<16xf32>,
      %get3A_447 = arith.constant 16 : index
      %get3A_448 = tpu.vector_load %arg12[%get3A_447] {strides = array<i32>} : memref<128xi32, #tpu.memory_space<vmem>>, vector<16xi32>,
      tpu.vector_store_idx %arg27[%get3A_448], %broadcast_in_dim3A_5 {add = true} : memref<10240xf32, #tpu.memory_space<vmem>>[vector<16xi32>], vector<16xf32>,
      %get3A_449 = arith.constant 32 : index
      %get3A_450 = tpu.vector_load %arg12[%get3A_449] {strides = array<i32>} : memref<128xi32, #tpu.memory_space<vmem>>, vector<16xi32>,
      tpu.vector_store_idx %arg27[%get3A_450], %broadcast_in_dim3A_5 {add = true} : memref<10240xf32, #tpu.memory_space<vmem>>[vector<16xi32>], vector<16xf32>,
      %get3A_451 = arith.constant 48 : index
      %get3A_452 = tpu.vector_load %arg12[%get3A_451] {strides = array<i32>} : memref<128xi32, #tpu.memory_space<vmem>>, vector<16xi32>,
      tpu.vector_store_idx %arg27[%get3A_452], %broadcast_in_dim3A_5 {add = true} : memref<10240xf32, #tpu.memory_space<vmem>>[vector<16xi32>], vector<16xf32>,
      %get3A_453 = arith.constant 64 : index
      %get3A_454 = tpu.vector_load %arg12[%get3A_453] {strides = array<i32>} : memref<128xi32, #tpu.memory_space<vmem>>, vector<16xi32>,
      tpu.vector_store_idx %arg27[%get3A_454], %broadcast_in_dim3A_5 {add = true} : memref<10240xf32, #tpu.memory_space<vmem>>[vector<16xi32>], vector<16xf32>,
      %get3A_455 = arith.constant 80 : index
      %get3A_456 = tpu.vector_load %arg12[%get3A_455] {strides = array<i32>} : memref<128xi32, #tpu.memory_space<vmem>>, vector<16xi32>,
      tpu.vector_store_idx %arg27[%get3A_456], %broadcast_in_dim3A_5 {add = true} : memref<10240xf32, #tpu.memory_space<vmem>>[vector<16xi32>], vector<16xf32>,
      %get3A_457 = arith.constant 96 : index
      %get3A_458 = tpu.vector_load %arg12[%get3A_457] {strides = array<i32>} : memref<128xi32, #tpu.memory_space<vmem>>, vector<16xi32>,
      tpu.vector_store_idx %arg27[%get3A_458], %broadcast_in_dim3A_5 {add = true} : memref<10240xf32, #tpu.memory_space<vmem>>[vector<16xi32>], vector<16xf32>,
      %get3A_459 = arith.constant 112 : index
      %get3A_460 = tpu.vector_load %arg12[%get3A_459] {strides = array<i32>} : memref<128xi32, #tpu.memory_space<vmem>>, vector<16xi32>,
      tpu.vector_store_idx %arg27[%get3A_460], %broadcast_in_dim3A_5 {add = true} : memref<10240xf32, #tpu.memory_space<vmem>>[vector<16xi32>], vector<16xf32>,
    }
    %scan3A_41 = arith.constant 13 : i32
    %add3A_42 = arith.constant 9984 : i32
    %add3A_43 = arith.addi %mul3A_4, %add3A_42 : i32
    "tpu.region"() ({
      %run_scoped3A = tpu.sem_alloc : memref<!tpu.dma_semaphore, #tpu.memory_space<semaphore_mem>>
      %dma_start3A_75 = tpu.memref_slice %arg3[%add3A_43] : memref<640000xi32, #tpu.memory_space<hbm>> -> memref<16xi32, #tpu.memory_space<hbm>>
      %dma_start3A_76 = tpu.memref_slice %arg3[%add3A_43] : memref<640000xi32, #tpu.memory_space<hbm>> -> memref<16xi32, #tpu.memory_space<hbm>>
      tpu.enqueue_dma source(%dma_start3A_76 : memref<16xi32, #tpu.memory_space<hbm>>) target(%arg25 : memref<16xi32, #tpu.memory_space<vmem>>) target_semaphore(%run_scoped3A : memref<!tpu.dma_semaphore, #tpu.memory_space<semaphore_mem>>)
      %dma_wait3A_77 = tpu.memref_slice %arg3[%add3A_43] : memref<640000xi32, #tpu.memory_space<hbm>> -> memref<16xi32, #tpu.memory_space<hbm>>
      %dma_wait3A_78 = tpu.memref_slice %arg3[%add3A_43] : memref<640000xi32, #tpu.memory_space<hbm>> -> memref<16xi32, #tpu.memory_space<hbm>>
      tpu.wait_dma2 semaphore(%run_scoped3A : memref<!tpu.dma_semaphore, #tpu.memory_space<semaphore_mem>>) src(%dma_wait3A_78 : memref<16xi32, #tpu.memory_space<hbm>>) dst(%arg25 : memref<16xi32, #tpu.memory_space<vmem>>)
      tpu.yield
    }) : () -> ()
    %add3A_44 = arith.constant 320000 : i32
    %add3A_45 = arith.addi %add3A_44, %add3A_43 : i32
    "tpu.region"() ({
      %run_scoped3A = tpu.sem_alloc : memref<!tpu.dma_semaphore, #tpu.memory_space<semaphore_mem>>
      %dma_start3A_75 = tpu.memref_slice %arg3[%add3A_45] : memref<640000xi32, #tpu.memory_space<hbm>> -> memref<16xi32, #tpu.memory_space<hbm>>
      %dma_start3A_76 = tpu.memref_slice %arg3[%add3A_45] : memref<640000xi32, #tpu.memory_space<hbm>> -> memref<16xi32, #tpu.memory_space<hbm>>
      tpu.enqueue_dma source(%dma_start3A_76 : memref<16xi32, #tpu.memory_space<hbm>>) target(%arg26 : memref<16xi32, #tpu.memory_space<vmem>>) target_semaphore(%run_scoped3A : memref<!tpu.dma_semaphore, #tpu.memory_space<semaphore_mem>>)
      %dma_wait3A_77 = tpu.memref_slice %arg3[%add3A_45] : memref<640000xi32, #tpu.memory_space<hbm>> -> memref<16xi32, #tpu.memory_space<hbm>>
      %dma_wait3A_78 = tpu.memref_slice %arg3[%add3A_45] : memref<640000xi32, #tpu.memory_space<hbm>> -> memref<16xi32, #tpu.memory_space<hbm>>
      tpu.wait_dma2 semaphore(%run_scoped3A : memref<!tpu.dma_semaphore, #tpu.memory_space<semaphore_mem>>) src(%dma_wait3A_78 : memref<16xi32, #tpu.memory_space<hbm>>) dst(%arg26 : memref<16xi32, #tpu.memory_space<vmem>>)
      tpu.yield
    }) : () -> ()
    %dma_start3A_46 = arith.constant 0 : i32
    %dma_start3A_47 = arith.constant 0 : i32
    %dma_start3A_48 = tpu.memref_slice %arg13[%dma_start3A_46, %dma_start3A_47] : memref<128x128xf32, #tpu.memory_space<vmem>> -> memref<16x128xf32, #tpu.memory_space<vmem>>
    %dma_start3A_49 = arith.constant 0 : i32
    %dma_start3A_50 = arith.constant 0 : i32
    %dma_start3A_51 = tpu.memref_slice %arg2[%dma_start3A_49, %dma_start3A_50] : memref<10000x128xf32, #tpu.memory_space<hbm>> -> memref<10000x128xf32, #tpu.memory_space<hbm>>
    tpu.enqueue_indirect_dma source(%dma_start3A_51 : memref<10000x128xf32, #tpu.memory_space<hbm>>) target(%dma_start3A_48 : memref<16x128xf32, #tpu.memory_space<vmem>>) offsets(%arg25 : memref<16xi32, #tpu.memory_space<vmem>>) semaphore(%arg16 : memref<!tpu.dma_semaphore, #tpu.memory_space<semaphore_mem>>)
    %dma_wait3A_52 = arith.constant 0 : i32
    %dma_wait3A_53 = arith.constant 0 : i32
    %dma_wait3A_54 = tpu.memref_slice %arg13[%dma_wait3A_52, %dma_wait3A_53] : memref<128x128xf32, #tpu.memory_space<vmem>> -> memref<16x128xf32, #tpu.memory_space<vmem>>
    %dma_wait3A_55 = arith.constant 0 : i32
    %dma_wait3A_56 = arith.constant 0 : i32
    %dma_wait3A_57 = tpu.memref_slice %arg2[%dma_wait3A_55, %dma_wait3A_56] : memref<10000x128xf32, #tpu.memory_space<hbm>> -> memref<10000x128xf32, #tpu.memory_space<hbm>>
    tpu.wait_indirect_dma semaphore(%arg16 : memref<!tpu.dma_semaphore, #tpu.memory_space<semaphore_mem>>) src(%dma_wait3A_57 : memref<10000x128xf32, #tpu.memory_space<hbm>>) dst(%dma_wait3A_54 : memref<16x128xf32, #tpu.memory_space<vmem>>)
    %dma_wait3A_58 = arith.constant 0 : i32
    %dma_wait3A_59 = arith.constant 0 : i32
    %dma_wait3A_60 = tpu.memref_slice %arg15[%dma_wait3A_58, %dma_wait3A_59] : memref<10240x128xf32, #tpu.memory_space<vmem_shared>> -> memref<10240x128xf32, #tpu.memory_space<vmem_shared>>
    tpu.wait_indirect_dma semaphore(%arg19 : memref<!tpu.dma_semaphore, #tpu.memory_space<semaphore_mem>>) src(%arg14 : memref<128x128xf32, #tpu.memory_space<vmem>>) dst(%dma_wait3A_60 : memref<10240x128xf32, #tpu.memory_space<vmem_shared>>)
    %dma_start3A_61 = arith.constant 0 : i32
    %dma_start3A_62 = arith.constant 0 : i32
    %dma_start3A_63 = tpu.memref_slice %arg13[%dma_start3A_61, %dma_start3A_62] : memref<128x128xf32, #tpu.memory_space<vmem>> -> memref<16x128xf32, #tpu.memory_space<vmem>>
    %dma_start3A_64 = arith.constant 0 : i32
    %dma_start3A_65 = arith.constant 0 : i32
    %dma_start3A_66 = tpu.memref_slice %arg15[%dma_start3A_64, %dma_start3A_65] : memref<10240x128xf32, #tpu.memory_space<vmem_shared>> -> memref<10240x128xf32, #tpu.memory_space<vmem_shared>>
    tpu.enqueue_indirect_dma source(%dma_start3A_63 : memref<16x128xf32, #tpu.memory_space<vmem>>) target(%dma_start3A_66 : memref<10240x128xf32, #tpu.memory_space<vmem_shared>>) offsets(%arg26 : memref<16xi32, #tpu.memory_space<vmem>>) semaphore(%arg18 : memref<!tpu.dma_semaphore, #tpu.memory_space<semaphore_mem>>) {add = true}
    %dma_wait3A_67 = arith.constant 0 : i32
    %dma_wait3A_68 = arith.constant 0 : i32
    %dma_wait3A_69 = tpu.memref_slice %arg13[%dma_wait3A_67, %dma_wait3A_68] : memref<128x128xf32, #tpu.memory_space<vmem>> -> memref<16x128xf32, #tpu.memory_space<vmem>>
    %dma_wait3A_70 = arith.constant 0 : i32
    %dma_wait3A_71 = arith.constant 0 : i32
    %dma_wait3A_72 = tpu.memref_slice %arg15[%dma_wait3A_70, %dma_wait3A_71] : memref<10240x128xf32, #tpu.memory_space<vmem_shared>> -> memref<10240x128xf32, #tpu.memory_space<vmem_shared>>
    tpu.wait_indirect_dma semaphore(%arg18 : memref<!tpu.dma_semaphore, #tpu.memory_space<semaphore_mem>>) src(%dma_wait3A_69 : memref<16x128xf32, #tpu.memory_space<vmem>>) dst(%dma_wait3A_72 : memref<10240x128xf32, #tpu.memory_space<vmem_shared>>)
    %get3A = arith.constant 0 : index
    %get3A_73 = tpu.vector_load %arg26[%get3A] {strides = array<i32>} : memref<16xi32, #tpu.memory_space<vmem>>, vector<16xi32>,
    tpu.vector_store_idx %arg27[%get3A_73], %broadcast_in_dim3A_5 {add = true} : memref<10240xf32, #tpu.memory_space<vmem>>[vector<16xi32>], vector<16xf32>,
    %barrier3A_74 = arith.constant 0 : index
    tpu.barrier barrier_id(%barrier3A_74)
    "tpu.region"() ({
      %run_scoped3A = tpu.sem_alloc : memref<!tpu.dma_semaphore, #tpu.memory_space<semaphore_mem>>
      %dma_start3A_75 = arith.constant 0 : i32
      %dma_start3A_76 = tpu.memref_slice %arg6[%arg0, %mul3A_2, %dma_start3A_75] : memref<2x10240x128xf32, #tpu.memory_space<hbm>> -> memref<1x640x128xf32, #tpu.memory_space<hbm>>
      %dma_start3A_77 = tpu.memref_squeeze %dma_start3A_76 : memref<1x640x128xf32, #tpu.memory_space<hbm>> -> memref<640x128xf32, #tpu.memory_space<hbm>>
      %dma_start3A_78 = arith.constant 0 : i32
      %dma_start3A_79 = tpu.memref_slice %arg15[%mul3A_2, %dma_start3A_78] : memref<10240x128xf32, #tpu.memory_space<vmem_shared>> -> memref<640x128xf32, #tpu.memory_space<vmem_shared>>
      tpu.enqueue_dma source(%dma_start3A_79 : memref<640x128xf32, #tpu.memory_space<vmem_shared>>) target(%dma_start3A_77 : memref<640x128xf32, #tpu.memory_space<hbm>>) target_semaphore(%run_scoped3A : memref<!tpu.dma_semaphore, #tpu.memory_space<semaphore_mem>>)
      %dma_wait3A_80 = arith.constant 0 : i32
      %dma_wait3A_81 = tpu.memref_slice %arg6[%arg0, %mul3A_2, %dma_wait3A_80] : memref<2x10240x128xf32, #tpu.memory_space<hbm>> -> memref<1x640x128xf32, #tpu.memory_space<hbm>>
      %dma_wait3A_82 = tpu.memref_squeeze %dma_wait3A_81 : memref<1x640x128xf32, #tpu.memory_space<hbm>> -> memref<640x128xf32, #tpu.memory_space<hbm>>
      %dma_wait3A_83 = arith.constant 0 : i32
      %dma_wait3A_84 = tpu.memref_slice %arg15[%mul3A_2, %dma_wait3A_83] : memref<10240x128xf32, #tpu.memory_space<vmem_shared>> -> memref<640x128xf32, #tpu.memory_space<vmem_shared>>
      tpu.wait_dma2 semaphore(%run_scoped3A : memref<!tpu.dma_semaphore, #tpu.memory_space<semaphore_mem>>) src(%dma_wait3A_84 : memref<640x128xf32, #tpu.memory_space<vmem_shared>>) dst(%dma_wait3A_82 : memref<640x128xf32, #tpu.memory_space<hbm>>)
      tpu.yield
    }) : () -> ()
    "tpu.region"() ({
      %run_scoped3A = tpu.sem_alloc : memref<!tpu.dma_semaphore, #tpu.memory_space<semaphore_mem>>
      %dma_start3A_75 = arith.constant 0 : i32
      %dma_start3A_76 = tpu.memref_slice %arg7[%add3A, %dma_start3A_75] : memref<32x10240xf32, #tpu.memory_space<hbm>> -> memref<1x10240xf32, #tpu.memory_space<hbm>>
      %dma_start3A_77 = tpu.memref_squeeze %dma_start3A_76 : memref<1x10240xf32, #tpu.memory_space<hbm>> -> memref<10240xf32, #tpu.memory_space<hbm>>
      %dma_start3A_78 = arith.constant 0 : i32
      %dma_start3A_79 = tpu.memref_slice %arg7[%add3A, %dma_start3A_78] : memref<32x10240xf32, #tpu.memory_space<hbm>> -> memref<1x10240xf32, #tpu.memory_space<hbm>>
      %dma_start3A_80 = tpu.memref_squeeze %dma_start3A_79 : memref<1x10240xf32, #tpu.memory_space<hbm>> -> memref<10240xf32, #tpu.memory_space<hbm>>
      tpu.enqueue_dma source(%arg27 : memref<10240xf32, #tpu.memory_space<vmem>>) target(%dma_start3A_80 : memref<10240xf32, #tpu.memory_space<hbm>>) target_semaphore(%run_scoped3A : memref<!tpu.dma_semaphore, #tpu.memory_space<semaphore_mem>>)
      %dma_wait3A_81 = arith.constant 0 : i32
      %dma_wait3A_82 = tpu.memref_slice %arg7[%add3A, %dma_wait3A_81] : memref<32x10240xf32, #tpu.memory_space<hbm>> -> memref<1x10240xf32, #tpu.memory_space<hbm>>
      %dma_wait3A_83 = tpu.memref_squeeze %dma_wait3A_82 : memref<1x10240xf32, #tpu.memory_space<hbm>> -> memref<10240xf32, #tpu.memory_space<hbm>>
      %dma_wait3A_84 = arith.constant 0 : i32
      %dma_wait3A_85 = tpu.memref_slice %arg7[%add3A, %dma_wait3A_84] : memref<32x10240xf32, #tpu.memory_space<hbm>> -> memref<1x10240xf32, #tpu.memory_space<hbm>>
      %dma_wait3A_86 = tpu.memref_squeeze %dma_wait3A_85 : memref<1x10240xf32, #tpu.memory_space<hbm>> -> memref<10240xf32, #tpu.memory_space<hbm>>
      tpu.wait_dma2 semaphore(%run_scoped3A : memref<!tpu.dma_semaphore, #tpu.memory_space<semaphore_mem>>) src(%arg27 : memref<10240xf32, #tpu.memory_space<vmem>>) dst(%dma_wait3A_86 : memref<10240xf32, #tpu.memory_space<hbm>>)
      tpu.yield
    }) : () -> ()
    return
  }
}

module attributes {stable_mosaic.version = 14 : i64} {
  func.func @_l1_body(%arg0: i32, %arg1: memref<2560x128xf32, #tpu.memory_space<vmem>>, %arg2: memref<2x2560x128xf32, #tpu.memory_space<vmem>>, %arg3: memref<32x2560xf32, #tpu.memory_space<vmem>>, %arg4: memref<256x1024xf32, #tpu.memory_space<vmem>>, %arg5: memref<1x1024xf32, #tpu.memory_space<vmem>>, %arg6: memref<1024x256xf32, #tpu.memory_space<vmem>>, %arg7: memref<2560x128xf32, #tpu.memory_space<vmem>>, %arg8: memref<2560x128xf32, #tpu.memory_space<vmem>>) attributes {dimension_semantics = [#tpu.dimension_semantics<arbitrary>], iteration_bounds = array<i64: 4>, scalar_prefetch = 0 : i64, scratch_operands = 0 : i64, tpu.core_type = #tpu.core_type<tc>, window_params = [{transform_indices = @transform_0, window_bounds = array<i64: 2560, 128>}, {transform_indices = @transform_1, window_bounds = array<i64: 2, 2560, 128>}, {transform_indices = @transform_2, window_bounds = array<i64: 32, 2560>}, {pipeline_mode = #tpu.pipeline_mode<synchronous>, transform_indices = @transform_3, window_bounds = array<i64: 256, 1024>}, {pipeline_mode = #tpu.pipeline_mode<synchronous>, transform_indices = @transform_4, window_bounds = array<i64: 1, 1024>}, {pipeline_mode = #tpu.pipeline_mode<synchronous>, transform_indices = @transform_5, window_bounds = array<i64: 1024, 256>}, {transform_indices = @transform_6, window_bounds = array<i64: 2560, 128>}, {transform_indices = @transform_7, window_bounds = array<i64: 2560, 128>}]} {
    %get3A = arith.constant 0 : index
    %get3A_0 = arith.constant 0 : index
    %get3A_1 = arith.constant 0 : index
    %get3A_2 = vector.load %arg2[%get3A, %get3A_0, %get3A_1] : memref<2x2560x128xf32, #tpu.memory_space<vmem>>, vector<1x2560x128xf32>
    %get3A_3 = vector.shape_cast %get3A_2 : vector<1x2560x128xf32> to vector<2560x128xf32>
    %get3A_4 = arith.constant 1 : index
    %get3A_5 = arith.constant 0 : index
    %get3A_6 = arith.constant 0 : index
    %get3A_7 = vector.load %arg2[%get3A_4, %get3A_5, %get3A_6] : memref<2x2560x128xf32, #tpu.memory_space<vmem>>, vector<1x2560x128xf32>
    %get3A_8 = vector.shape_cast %get3A_7 : vector<1x2560x128xf32> to vector<2560x128xf32>
    %add3A = arith.addf %get3A_3, %get3A_8 : vector<2560x128xf32>
    %broadcast_in_dim3A = arith.constant 1.000000e+00 : f32
    %broadcast_in_dim3A_9 = vector.broadcast %broadcast_in_dim3A : f32 to vector<32x1xf32>
    %get3A_10 = arith.constant 0 : index
    %get3A_11 = arith.constant 0 : index
    %get3A_12 = vector.load %arg3[%get3A_10, %get3A_11] : memref<32x2560xf32, #tpu.memory_space<vmem>>, vector<32x2560xf32>
    %dot_general3A = arith.constant dense<0.000000e+00> : vector<2560x1xf32>
    %dot_general3A_13 = tpu.matmul %get3A_12, %broadcast_in_dim3A_9, %dot_general3A {dimension_numbers = #tpu.dot_dimension_numbers<[0], [0], [1], [1], [0, 1, 1, 1], [], []>, transpose_lhs_hint = false} : vector<32x2560xf32>, vector<32x1xf32>, vector<2560x1xf32> -> vector<2560x1xf32>
    %max3A = arith.constant 1.000000e+00 : f32
    %max3A_14 = vector.broadcast %max3A : f32 to vector<2560x1xf32>
    %max3A_15 = arith.maximumf %dot_general3A_13, %max3A_14 : vector<2560x1xf32>
    %div3A = arith.constant 1.000000e+00 : f32
    %div3A_16 = vector.broadcast %div3A : f32 to vector<2560x1xf32>
    %div3A_17 = arith.divf %div3A_16, %max3A_15 : vector<2560x1xf32>
    %mul3A = vector.broadcast %div3A_17 : vector<2560x1xf32> to vector<2560x128xf32>
    %mul3A_18 = arith.mulf %add3A, %mul3A : vector<2560x128xf32>
    %convert_element_type3A = arith.truncf %mul3A_18 : vector<2560x128xf32> to vector<2560x128xbf16>
    %get3A_19 = arith.constant 0 : index
    %get3A_20 = arith.constant 0 : index
    %get3A_21 = vector.load %arg1[%get3A_19, %get3A_20] : memref<2560x128xf32, #tpu.memory_space<vmem>>, vector<2560x128xf32>
    %convert_element_type3A_22 = arith.truncf %get3A_21 : vector<2560x128xf32> to vector<2560x128xbf16>
    %concatenate3A = tpu.concatenate %convert_element_type3A, %convert_element_type3A_22 in 1 : vector<2560x128xbf16>, vector<2560x128xbf16> -> vector<2560x256xbf16>
    %get3A_23 = arith.constant 0 : index
    %get3A_24 = arith.constant 0 : index
    %get3A_25 = vector.load %arg4[%get3A_23, %get3A_24] : memref<256x1024xf32, #tpu.memory_space<vmem>>, vector<256x1024xf32>
    %convert_element_type3A_26 = arith.truncf %get3A_25 : vector<256x1024xf32> to vector<256x1024xbf16>
    %dot_general3A_27 = arith.constant dense<0.000000e+00> : vector<2560x1024xf32>
    %dot_general3A_28 = tpu.matmul %concatenate3A, %convert_element_type3A_26, %dot_general3A_27 {dimension_numbers = #tpu.dot_dimension_numbers<[1], [0], [0], [1], [0, 0, 1, 1], [], []>, transpose_lhs_hint = false} : vector<2560x256xbf16>, vector<256x1024xbf16>, vector<2560x1024xf32> -> vector<2560x1024xf32>
    %get3A_29 = arith.constant 0 : index
    %get3A_30 = arith.constant 0 : index
    %get3A_31 = vector.load %arg5[%get3A_29, %get3A_30] : memref<1x1024xf32, #tpu.memory_space<vmem>>, vector<1x1024xf32>
    %add3A_32 = vector.broadcast %get3A_31 : vector<1x1024xf32> to vector<2560x1024xf32>
    %add3A_33 = arith.addf %dot_general3A_28, %add3A_32 : vector<2560x1024xf32>
    %max3A_34 = arith.constant 0.000000e+00 : f32
    %max3A_35 = vector.broadcast %max3A_34 : f32 to vector<2560x1024xf32>
    %max3A_36 = arith.maximumf %add3A_33, %max3A_35 : vector<2560x1024xf32>
    %get3A_37 = arith.constant 0 : index
    %get3A_38 = arith.constant 0 : index
    %get3A_39 = vector.load %arg6[%get3A_37, %get3A_38] : memref<1024x256xf32, #tpu.memory_space<vmem>>, vector<1024x256xf32>
    %convert_element_type3A_40 = arith.truncf %max3A_36 : vector<2560x1024xf32> to vector<2560x1024xbf16>
    %convert_element_type3A_41 = arith.truncf %get3A_39 : vector<1024x256xf32> to vector<1024x256xbf16>
    %dot_general3A_42 = arith.constant dense<0.000000e+00> : vector<2560x256xf32>
    %dot_general3A_43 = tpu.matmul %convert_element_type3A_40, %convert_element_type3A_41, %dot_general3A_42 {dimension_numbers = #tpu.dot_dimension_numbers<[1], [0], [0], [1], [0, 0, 1, 1], [], []>, transpose_lhs_hint = false} : vector<2560x1024xbf16>, vector<1024x256xbf16>, vector<2560x256xf32> -> vector<2560x256xf32>
    %slice3A = vector.extract_strided_slice %dot_general3A_43 {offsets = [0, 0], sizes = [2560, 128], strides = [1, 1]} : vector<2560x256xf32> to vector<2560x128xf32>
    %swap3A = arith.constant 0 : index
    %swap3A_44 = arith.constant 0 : index
    %swap3A_45 = vector.load %arg7[%swap3A, %swap3A_44] : memref<2560x128xf32, #tpu.memory_space<vmem>>, vector<2560x128xf32>
    tpu.vector_store %arg7[%swap3A, %swap3A_44], %slice3A {strides = array<i32>} : memref<2560x128xf32, #tpu.memory_space<vmem>>, vector<2560x128xf32>,
    %slice3A_46 = vector.extract_strided_slice %dot_general3A_43 {offsets = [0, 128], sizes = [2560, 128], strides = [1, 1]} : vector<2560x256xf32> to vector<2560x128xf32>
    %swap3A_47 = arith.constant 0 : index
    %swap3A_48 = arith.constant 0 : index
    %swap3A_49 = vector.load %arg8[%swap3A_47, %swap3A_48] : memref<2560x128xf32, #tpu.memory_space<vmem>>, vector<2560x128xf32>
    tpu.vector_store %arg8[%swap3A_47, %swap3A_48], %slice3A_46 {strides = array<i32>} : memref<2560x128xf32, #tpu.memory_space<vmem>>, vector<2560x128xf32>,
    return
  }
  func.func @transform_0(%arg0: i32) -> (i32, i32) {
    %c0_i32 = arith.constant 0 : i32
    %c0_i32_0 = arith.constant 0 : i32
    return %arg0, %c0_i32 : i32, i32
  }
  func.func @transform_1(%arg0: i32) -> (i32, i32, i32) {
    %c0_i32 = arith.constant 0 : i32
    %c0_i32_0 = arith.constant 0 : i32
    %c0_i32_1 = arith.constant 0 : i32
    return %c0_i32, %arg0, %c0_i32_0 : i32, i32, i32
  }
  func.func @transform_2(%arg0: i32) -> (i32, i32) {
    %c0_i32 = arith.constant 0 : i32
    %c0_i32_0 = arith.constant 0 : i32
    return %c0_i32, %arg0 : i32, i32
  }
  func.func @transform_3(%arg0: i32) -> (i32, i32) {
    %c0_i32 = arith.constant 0 : i32
    %c0_i32_0 = arith.constant 0 : i32
    %c0_i32_1 = arith.constant 0 : i32
    return %c0_i32, %c0_i32_0 : i32, i32
  }
  func.func @transform_4(%arg0: i32) -> (i32, i32) {
    %c0_i32 = arith.constant 0 : i32
    %c0_i32_0 = arith.constant 0 : i32
    %c0_i32_1 = arith.constant 0 : i32
    return %c0_i32, %c0_i32_0 : i32, i32
  }
  func.func @transform_5(%arg0: i32) -> (i32, i32) {
    %c0_i32 = arith.constant 0 : i32
    %c0_i32_0 = arith.constant 0 : i32
    %c0_i32_1 = arith.constant 0 : i32
    return %c0_i32, %c0_i32_0 : i32, i32
  }
  func.func @transform_6(%arg0: i32) -> (i32, i32) {
    %c0_i32 = arith.constant 0 : i32
    %c0_i32_0 = arith.constant 0 : i32
    return %arg0, %c0_i32 : i32, i32
  }
  func.func @transform_7(%arg0: i32) -> (i32, i32) {
    %c0_i32 = arith.constant 0 : i32
    %c0_i32_0 = arith.constant 0 : i32
    return %arg0, %c0_i32 : i32, i32
  }
}

module attributes {stable_mosaic.version = 14 : i64} {
  func.func @_l2_body(%arg0: i32, %arg1: memref<2x2560x128xf32, #tpu.memory_space<vmem>>, %arg2: memref<32x2560xf32, #tpu.memory_space<vmem>>, %arg3: memref<2560x128xf32, #tpu.memory_space<vmem>>, %arg4: memref<1x128xf32, #tpu.memory_space<vmem>>, %arg5: memref<2560x128xf32, #tpu.memory_space<vmem>>) attributes {dimension_semantics = [#tpu.dimension_semantics<arbitrary>], iteration_bounds = array<i64: 4>, scalar_prefetch = 0 : i64, scratch_operands = 0 : i64, tpu.core_type = #tpu.core_type<tc>, window_params = [{transform_indices = @transform_0, window_bounds = array<i64: 2, 2560, 128>}, {transform_indices = @transform_1, window_bounds = array<i64: 32, 2560>}, {transform_indices = @transform_2, window_bounds = array<i64: 2560, 128>}, {pipeline_mode = #tpu.pipeline_mode<synchronous>, transform_indices = @transform_3, window_bounds = array<i64: 1, 128>}, {transform_indices = @transform_4, window_bounds = array<i64: 2560, 128>}]} {
    %get3A = arith.constant 0 : index
    %get3A_0 = arith.constant 0 : index
    %get3A_1 = arith.constant 0 : index
    %get3A_2 = vector.load %arg1[%get3A, %get3A_0, %get3A_1] : memref<2x2560x128xf32, #tpu.memory_space<vmem>>, vector<1x2560x128xf32>
    %get3A_3 = vector.shape_cast %get3A_2 : vector<1x2560x128xf32> to vector<2560x128xf32>
    %get3A_4 = arith.constant 1 : index
    %get3A_5 = arith.constant 0 : index
    %get3A_6 = arith.constant 0 : index
    %get3A_7 = vector.load %arg1[%get3A_4, %get3A_5, %get3A_6] : memref<2x2560x128xf32, #tpu.memory_space<vmem>>, vector<1x2560x128xf32>
    %get3A_8 = vector.shape_cast %get3A_7 : vector<1x2560x128xf32> to vector<2560x128xf32>
    %add3A = arith.addf %get3A_3, %get3A_8 : vector<2560x128xf32>
    %broadcast_in_dim3A = arith.constant 1.000000e+00 : f32
    %broadcast_in_dim3A_9 = vector.broadcast %broadcast_in_dim3A : f32 to vector<32x1xf32>
    %get3A_10 = arith.constant 0 : index
    %get3A_11 = arith.constant 0 : index
    %get3A_12 = vector.load %arg2[%get3A_10, %get3A_11] : memref<32x2560xf32, #tpu.memory_space<vmem>>, vector<32x2560xf32>
    %dot_general3A = arith.constant dense<0.000000e+00> : vector<2560x1xf32>
    %dot_general3A_13 = tpu.matmul %get3A_12, %broadcast_in_dim3A_9, %dot_general3A {dimension_numbers = #tpu.dot_dimension_numbers<[0], [0], [1], [1], [0, 1, 1, 1], [], []>, transpose_lhs_hint = false} : vector<32x2560xf32>, vector<32x1xf32>, vector<2560x1xf32> -> vector<2560x1xf32>
    %max3A = arith.constant 1.000000e+00 : f32
    %max3A_14 = vector.broadcast %max3A : f32 to vector<2560x1xf32>
    %max3A_15 = arith.maximumf %dot_general3A_13, %max3A_14 : vector<2560x1xf32>
    %div3A = arith.constant 1.000000e+00 : f32
    %div3A_16 = vector.broadcast %div3A : f32 to vector<2560x1xf32>
    %div3A_17 = arith.divf %div3A_16, %max3A_15 : vector<2560x1xf32>
    %mul3A = vector.broadcast %div3A_17 : vector<2560x1xf32> to vector<2560x128xf32>
    %mul3A_18 = arith.mulf %add3A, %mul3A : vector<2560x128xf32>
    %get3A_19 = arith.constant 0 : index
    %get3A_20 = arith.constant 0 : index
    %get3A_21 = vector.load %arg4[%get3A_19, %get3A_20] : memref<1x128xf32, #tpu.memory_space<vmem>>, vector<1x128xf32>
    %add3A_22 = vector.broadcast %get3A_21 : vector<1x128xf32> to vector<2560x128xf32>
    %add3A_23 = arith.addf %mul3A_18, %add3A_22 : vector<2560x128xf32>
    %get3A_24 = arith.constant 0 : index
    %get3A_25 = arith.constant 0 : index
    %get3A_26 = vector.load %arg3[%get3A_24, %get3A_25] : memref<2560x128xf32, #tpu.memory_space<vmem>>, vector<2560x128xf32>
    %add3A_27 = arith.addf %add3A_23, %get3A_26 : vector<2560x128xf32>
    %reduce_max3A = arith.constant dense<0xFF800000> : vector<2560xf32>
    %reduce_max3A_28 = vector.multi_reduction <maximumf>, %add3A_27, %reduce_max3A [1] : vector<2560x128xf32> to vector<2560xf32>
    %broadcast_in_dim3A_29 = vector.shape_cast %reduce_max3A_28 : vector<2560xf32> to vector<2560x1xf32>
    %sub3A = vector.broadcast %broadcast_in_dim3A_29 : vector<2560x1xf32> to vector<2560x128xf32>
    %sub3A_30 = arith.subf %add3A_27, %sub3A : vector<2560x128xf32>
    %exp3A = math.exp %sub3A_30 : vector<2560x128xf32>
    %reduce_sum3A = arith.constant dense<0.000000e+00> : vector<2560xf32>
    %reduce_sum3A_31 = vector.multi_reduction <add>, %exp3A, %reduce_sum3A [1] : vector<2560x128xf32> to vector<2560xf32>
    %broadcast_in_dim3A_32 = vector.shape_cast %reduce_sum3A_31 : vector<2560xf32> to vector<2560x1xf32>
    %sub3A_33 = vector.broadcast %broadcast_in_dim3A_29 : vector<2560x1xf32> to vector<2560x128xf32>
    %sub3A_34 = arith.subf %add3A_27, %sub3A_33 : vector<2560x128xf32>
    %log3A = math.log %broadcast_in_dim3A_32 : vector<2560x1xf32>
    %sub3A_35 = vector.broadcast %log3A : vector<2560x1xf32> to vector<2560x128xf32>
    %sub3A_36 = arith.subf %sub3A_34, %sub3A_35 : vector<2560x128xf32>
    %swap3A = arith.constant 0 : index
    %swap3A_37 = arith.constant 0 : index
    %swap3A_38 = vector.load %arg5[%swap3A, %swap3A_37] : memref<2560x128xf32, #tpu.memory_space<vmem>>, vector<2560x128xf32>
    tpu.vector_store %arg5[%swap3A, %swap3A_37], %sub3A_36 {strides = array<i32>} : memref<2560x128xf32, #tpu.memory_space<vmem>>, vector<2560x128xf32>,
    return
  }
  func.func @transform_0(%arg0: i32) -> (i32, i32, i32) {
    %c0_i32 = arith.constant 0 : i32
    %c0_i32_0 = arith.constant 0 : i32
    %c0_i32_1 = arith.constant 0 : i32
    return %c0_i32, %arg0, %c0_i32_0 : i32, i32, i32
  }
  func.func @transform_1(%arg0: i32) -> (i32, i32) {
    %c0_i32 = arith.constant 0 : i32
    %c0_i32_0 = arith.constant 0 : i32
    return %c0_i32, %arg0 : i32, i32
  }
  func.func @transform_2(%arg0: i32) -> (i32, i32) {
    %c0_i32 = arith.constant 0 : i32
    %c0_i32_0 = arith.constant 0 : i32
    return %arg0, %c0_i32 : i32, i32
  }
  func.func @transform_3(%arg0: i32) -> (i32, i32) {
    %c0_i32 = arith.constant 0 : i32
    %c0_i32_0 = arith.constant 0 : i32
    %c0_i32_1 = arith.constant 0 : i32
    return %c0_i32, %c0_i32_0 : i32, i32
  }
  func.func @transform_4(%arg0: i32) -> (i32, i32) {
    %c0_i32 = arith.constant 0 : i32
    %c0_i32_0 = arith.constant 0 : i32
    return %arg0, %c0_i32 : i32, i32
  }
}

</mosaic_0001>

<sc_bundles>
// kernel: kernel.6.cloned.1.call-start
scs
__scs_entry_jumppad:
0x0: {  	(pc) =	sbr.rel $0x88, $3  }
0x1: {  	(tag) =	ssettag $0x0;
	lr =	simm.s32 $0x1  }
0x2: {  	[smem:$0x3F99] =	sst lr;
	_ =	strace $0xD0000000  }
0x3: {  	_ = 	snop  }
0x4: {  	_ = 	snop  }
0x5: {  	_ = 	snop  }
0x6: {  	_ = 	snop  }
0x7: {  	_ = 	snop  }
__scs_overlays_trampoline_lowered:
0x8: {  	[smem:$0x3FA8] =	sst s0  }
0x9: {  	[smem:$0x3FA9] =	sst s1  }
0xa: {  	[smem:$0x3FAA] =	sst s2  }
0xb: {  	[smem:$0x3FAB] =	sst s3  }
0xc: {  	[smem:$0x3FAC] =	sst s4  }
0xd: {  	[smem:$0x3FAD] =	sst s5  }
0xe: {  	[smem:$0x3FAE] =	sst s6  }
0xf: {  	[smem:$0x3FAF] =	sst s7  }
0x10: {  	[smem:$0x3FB0] =	sst s8  }
0x11: {  	[smem:$0x3FB1] =	sst s9;
	s0 =	simm.s32 @!p0 $0x0  }
0x12: {  	s1 =	sld [smem:$0x3F97];
	s0 =	simm.s32 @p0 $0x1  }
0x13: {  	[smem:$0x3FB2] =	sst s0;
	s0 =	simm.s32 @!p1 $0x0  }
0x14: {  	s2 =	sld [smem:$0x3F96];
	s0 =	simm.s32 @p1 $0x1  }
0x15: {  	[smem:$0x3FB3] =	sst s0;
	s0 =	simm.s32 @!p2 $0x0  }
0x16: {  	s3 =	sld [smem:$0x3FDB];
	s0 =	simm.s32 @p2 $0x1  }
0x17: {  	s4 =	simm.s32 $0x1BF5;
	[smem:$0x3FB5] =	sst s0  }
0x18: {  	s0 =	sld [smem:$0x3F98];
	_ =	swait.ge [sflag:s4], $0x0  }
0x19: {  	s7 =	sld [smem:$0x3F99]  }
0x1a: {  	s8 =	sadd.s32 $0xFFFFE003, lr  }
0x1b: {  	s9 =	sadd.s32 $0xFFFFFEF7, lr;
	s5 =	simm.s32 $0xFFFFFFFF;
	p2 =	slt.u32 s8, $0xFFFFF086  }
0x1c: {  	p1 =	slt.u32 s9, $0xF7A;
	s5 =	simm.s32 @!p2 $0x0  }
0x1d: {  	s5 =	simm.s32 @p1 $0x1;
	p0 =	seq.s32 s7, s2  }
0x1e: {  	s7 =	smul.u32 @!p0 $0xF7A, s2;
	p2 =	seq.s32 @!p0 s5, $0x0  }
0x1f: {  	s9 =	smul.u32 $0xF7A, s1;
	s8 =	simm.s32 @!p0 $0x1BF5;
	p2 =	por !p2, p0  }
0x20: {  	[sflag:s8] =	ssyncset.s32 @!p0 $0xFFFFF086;
	s6 =	sadd.s32 @!p0 s3, s7;
	s7 =	simm.s32 @!p0 $0x108  }
0x21: {  	s3 =	sadd.s32 s3, s9;
	s6 =	sadd.s32 @!p0 $0x88, s6;
	s7 =	simm.s32 @p2 $0x1082  }
0x22: {  	[simem:s7], [sflag:s8] =	dma.local @!p0 [hbm:s6], $0xF7A  }
0x23: {  	s9 =	sor.u32 $0xD0000000, s2;
	s6 =	simm.s32 $0x108;
	_ =	swait.ge @!p0 [sflag:s8], $0x0  }
0x24: {  	s3 =	sadd.s32 $0x88, s3;
	s6 =	simm.s32 @!p1 $0x1082;
	[sflag:s4] =	ssyncset.s32 $0xFFFFF086  }
0x25: {  	[simem:s6], [sflag:s4] =	dma.local [hbm:s3], $0xF7A  }
0x26: {  	[smem:$0x3F99] =	sst s1;
	(tag) =	ssettag s2;
	_ =	strace s9  }
0x27: {  	s1 =	sld [smem:$0x3FA9]  }
0x28: {  	s2 =	sld [smem:$0x3FAA]  }
0x29: {  	s4 =	sld [smem:$0x3FAC]  }
0x2a: {  	p0 =	seq.s32 s5, $0x0;
	s5 =	sld [smem:$0x3FAD]  }
0x2b: {  	s6 =	sld [smem:$0x3FAE]  }
0x2c: {  	s7 =	sld [smem:$0x3FAF]  }
0x2d: {  	s3 =	simm.s32 $0x108;
	s8 =	sld [smem:$0x3FB0]  }
0x2e: {  	s3 =	simm.s32 @!p0 $0x1082;
	s9 =	sld [smem:$0x3FB1]  }
0x2f: {  	lr =	sadd.s32 s0, s3;
	s0 =	sld [smem:$0x3FA8]  }
0x30: {  	s3 =	sld [smem:$0x3FAB]  }
0x31: {  	[smem:$0x3FB4] =	sst s10  }
0x32: {  	s10 =	sld [smem:$0x3FB2];
	_ =	sdelay $0x3  }
0x33: {  	p0 =	seq.s32 s10, $0x1;
	s10 =	sld [smem:$0x3FB4];
	_ =	sdelay $0x3  }
0x34: {  	[smem:$0x3FB4] =	sst s10  }
0x35: {  	s10 =	sld [smem:$0x3FB3];
	_ =	sdelay $0x3  }
0x36: {  	p1 =	seq.s32 s10, $0x1;
	s10 =	sld [smem:$0x3FB4];
	_ =	sdelay $0x3  }
0x37: {  	[smem:$0x3FB4] =	sst s10  }
0x38: {  	s10 =	sld [smem:$0x3FB5]  }
0x39: {  	_ = 	snop;
	(pc) =	sbr.ind lr, $3  }
0x3a: {  	_ = 	snop  }
0x3b: {  	_ = 	snop  }
0x3c: {  	p2 =	seq.s32 s10, $0x1;
	s10 =	sld [smem:$0x3FB4]  }
0x3d: {  	_ =	shalt  }
0x3e: {  	_ =	shalt  }
0x3f: {  	_ =	shalt  }
0x40: {  	_ =	shalt  }
0x41: {  	_ =	shalt  }
0x42: {  	_ =	shalt  }
0x43: {  	_ =	shalt  }
0x44: {  	_ =	shalt  }
0x45: {  	_ =	shalt  }
0x46: {  	_ =	shalt  }
0x47: {  	_ =	shalt  }
0x48: {  	_ =	shalt  }
0x49: {  	_ =	shalt  }
0x4a: {  	_ =	shalt  }
0x4b: {  	_ =	shalt  }
0x4c: {  	_ =	shalt  }
0x4d: {  	_ =	shalt  }
0x4e: {  	_ =	shalt  }
0x4f: {  	_ =	shalt  }
0x50: {  	_ =	shalt  }
0x51: {  	_ =	shalt  }
0x52: {  	_ =	shalt  }
0x53: {  	_ =	shalt  }
0x54: {  	_ =	shalt  }
0x55: {  	_ =	shalt  }
0x56: {  	_ =	shalt  }
0x57: {  	_ =	shalt  }
0x58: {  	_ =	shalt  }
0x59: {  	_ =	shalt  }
0x5a: {  	_ =	shalt  }
0x5b: {  	_ =	shalt  }
0x5c: {  	_ =	shalt  }
0x5d: {  	_ =	shalt  }
0x5e: {  	_ =	shalt  }
0x5f: {  	_ =	shalt  }
0x60: {  	_ =	shalt  }
0x61: {  	_ =	shalt  }
0x62: {  	_ =	shalt  }
0x63: {  	_ =	shalt  }
0x64: {  	_ =	shalt  }
0x65: {  	_ =	shalt  }
0x66: {  	_ =	shalt  }
0x67: {  	_ =	shalt  }
0x68: {  	_ =	shalt  }
0x69: {  	_ =	shalt  }
0x6a: {  	_ =	shalt  }
0x6b: {  	_ =	shalt  }
0x6c: {  	_ =	shalt  }
0x6d: {  	_ =	shalt  }
0x6e: {  	_ =	shalt  }
0x6f: {  	_ =	shalt  }
0x70: {  	_ =	shalt  }
0x71: {  	_ =	shalt  }
0x72: {  	_ =	shalt  }
0x73: {  	_ =	shalt  }
0x74: {  	_ =	shalt  }
0x75: {  	_ =	shalt  }
0x76: {  	_ =	shalt  }
0x77: {  	_ =	shalt  }
0x78: {  	_ =	shalt  }
0x79: {  	_ =	shalt  }
0x7a: {  	_ =	shalt  }
0x7b: {  	_ =	shalt  }
0x7c: {  	_ =	shalt  }
0x7d: {  	_ =	shalt  }
0x7e: {  	_ =	shalt  }
0x7f: {  	_ =	shalt  }
0x80: {  	_ =	shalt  }
0x81: {  	_ =	shalt  }
0x82: {  	_ =	shalt  }
0x83: {  	_ =	shalt  }
0x84: {  	_ =	shalt  }
0x85: {  	_ =	shalt  }
0x86: {  	_ =	shalt  }
0x87: {  	_ =	shalt  }
.Lfunc_end0:
.L_simem_size_0:
called_computation_lowered:
.L_overlay_start_0:
0x88: {  	s2 =	sld [smem:$0x3FD9]  }
0x89: {  	s3 =	sld [smem:$0x3FFE];
	_ =	sdelay $0x1  }
0x8a: {  	s1 =	srdreg.scid  }
0x8b: {  	s0 =	sand.u32 $0x1, s1  }
0x8c: {  	s17 =	sshll.u32 s0, $0xA;
	s2 =	sadd.s32 s3, s2  }
0x8d: {  	s2 =	sadd.s32 s2, s17  }
0x8e: {  	[smem:$0x3FC0] =	sst s2  }
0x8f: {  	_ = 	snop  }
0x90: {  	s2 =	sld [smem:$0x3FC9]  }
0x91: {  	s18 =	sld [smem:$0x3FD0];
	(tm) =	ssettm $0x1  }
0x92: {  	s4 =	sld [smem:$0x3FFB];
	_ =	sdelay $0x3  }
0x93: {  	_ =	strace s4  }
0x94: {  	s4 =	sld [smem:$0x3FFC];
	_ =	sdelay $0x3  }
0x95: {  	_ =	strace s4  }
0x96: {  	s4 =	sld [smem:$0x3FFD];
	_ =	sdelay $0x3  }
0x97: {  	_ =	strace s4  }
0x98: {  	_ =	strace $0x8FFFFFFF  }
0x99: {  	s19 =	sld [smem:$0x3FDB];
	_ =	sdelay $0x1  }
0x9a: {  	s5 =	simm.s32 $_scs_section_size  }
0x9b: {  	s6 =	simm.s32 $_size__tile_overlayer_lowered;
	s7 =	simm.s32 $_tile_overlayer_lowered  }
0x9c: {  	s22 =	simm.s32 $0x1BFF;
	s21 =	sshll.u32 s7, $0x1;
	s4 =	sadd.s32 s5, s19  }
0x9d: {  	s8 =	simm.s32 $0x0;
	s20 =	sshll.u32 s6, $0x1;
	s6 =	sadd.s32 s21, s4  }
0x9e: {  	[timem:s8], [sflag:s22] =	dma.local [hbm:s6], s20  }
0x9f: {  	_ =	swait.ge [sflag:s22], s20  }
0xa0: {  	s5 =	ssub.s32 $0x0, s20;
	[sflag:s22] =	ssyncset.done $0x0  }
0xa1: {  	[sflag:s22] =	ssyncadd.s32 s5;
	_ =	sdelay $0x1  }
0xa2: {  	s23 =	simm.s32 $0x1B8B  }
0xa3: {  	_ =	swait.ge [sflag:s23], $0x1  }
0xa4: {  	[sflag:s23] =	ssyncset.done $0x0  }
0xa5: {  	s25 =	simm.s32 $0x1B8E;
	s24 =	sld [smem:$0x3FFE];
	[sflag:s23] =	ssyncadd.s32 $0xFFFFFFFF  }
0xa6: {  	s26 =	simm.s32 $execute0_lowered;
	[smem:$0x3FD2] =	sst s25  }
0xa7: {  	s6 =	sshll.u32 s26, $0x1;
	_ =	strace $0x80000046;
	[dreg:$0x1] =	wrdreg $0xFFFFFFFF  }
0xa8: {  	s28 =	simm.s32 $_size_execute0_lowered;
	s4 =	sadd.s32 s4, s6;
	[dreg:$0x0] =	wrdreg $0x0  }
0xa9: {  	s6 =	sshll.u32 s28, $0x1;
	[dreg:$0x2] =	wrdreg s4  }
0xaa: {  	[dreg:$0x3] =	wrdreg s6  }
0xab: {  	[dreg:$0x4] =	wrdreg $0xC0  }
0xac: {  	_ =	task [dreg:s8], $0x5FFFF  }
0xad: {  	[dreg:$0x1] =	wrdreg $0xFFFFFFFF  }
0xae: {  	[dreg:$0x0] =	wrdreg $0x60  }
0xaf: {  	[dreg:$0x2] =	wrdreg s2  }
0xb0: {  	[dreg:$0x3] =	wrdreg s24  }
0xb1: {  	[dreg:$0x4] =	wrdreg s18  }
0xb2: {  	[dreg:$0x5] =	wrdreg $0x82800  }
0xb3: {  	[dreg:$0x6] =	wrdreg $0x9  }
0xb4: {  	_ =	task.clear_ibuf [dreg:s8], $0x7FFFF;
	_ =	strace $0x90000046  }
0xb5: {  	s29 =	simm.s32 $0x9;
	_ =	strace $0x80000048  }
0xb6: {  	_ =	swait.ge [sflag:s29], $0x1  }
0xb7: {  	[sflag:s29] =	ssyncadd.s32 $0xFFFFFFFF  }
0xb8: {  	_ =	strace $0x90000048  }
0xb9: {  	_ =	sfence  }
0xba: {  	s30 =	sld [smem:$0x0];
	_ =	sdelay $0x2  }
0xbb: {  	s31 =	sshll.u32 s1, $0xD;
	s1 =	sshrl.u32 s1, $0x2  }
0xbc: {  	s3 =	sand.u32 $0x4000, s31;
	s1 =	sadd.s32 s1, s30  }
0xbd: {  	s0 =	sor.u32 s3, s0;
	s1 =	sshll.u32 s1, $0x11  }
0xbe: {  	s0 =	sor.u32 s1, s0  }
0xbf: {  	s0 =	sadd.s32 $0x8F2B, s0  }
0xc0: {  	[sflag:s0] =	ssyncadd.remote.s32 $0x1  }
0xc1: {  	_ =	sfence.sel $0xFFFF  }
0xc2: {  	[dreg:$0x0] =	wrdreg $0xFFFFFFFF;
	(pc) =	sbr.abs _section_cstart, $3  }
0xc3: {  	[dreg:$0x1] =	wrdreg $0xFFFFFFFF  }
0xc4: {  	_ =	task.clear_ibuf [dreg:s8], $0x2FFFF;
	_ =	strace $0x9FFFFFFF  }
0xc5: {  	(tm) =	ssettm $0x7FFFFFFF  }
tec
execute0_lowered:
.L_overlay_start_1:
0x0: {  	(tag) =	ssettag $0x1  }
0x1: {  	s1 =	rddreg [dreg:$0x0]  }
0x2: {  	s0 =	rddreg [dreg:$0x1]  }
0x3: {  	s3 =	rddreg [dreg:$0x3];
	s5 =	simm.s32 $0x0;
	s12 =	stileid.u32  }
0x4: {  	s2 =	srdreg.scid;
	s28 =	simm.s32 $0x200;
	s29 =	simm.s32 $0x6  }
0x5: {  	s30 =	simm.s32 $0x4280;
	s31 =	simm.s32 $0x1;
	s4 =	smul.u32 $0x14000, s12  }
0x6: {  	[smem:$0x7FF] =	sst s5;
	s2 =	sand.u32 $0x1, s2;
	s23 =	smul.u32 $0x50000, s12  }
0x7: {  	s6 =	sshll.u32 s12, $0x1;
	s9 =	sshrl.u32 s12, $0x2;
	s25 =	smul.u32 $0x4E20, s12  }
0x8: {  	s14 =	sshll.u32 s12, $0x6;
	_ =	strace $0x80000047;
	s7 =	smul.u32 $0x140000, s2  }
0x9: {  	s8 =	sor.u32 s2, s6;
	s6 =	sadd.s32 $0x2A00, s0;
	s9 =	smul.u32 $0x14000, s9  }
0xa: {  	s20 =	ssub.s32 $0x2, s2;
	s2 =	smul.u32 $0x2710, s2;
	s10 =	sshll.u32 s8, $0x7  }
0xb: {  	s11 =	sshrl.u32 s4, $0x3;
	s8 =	smul.u32 $0x2710, s8;
	s21 =	sshrl.u32 s20, $0x1  }
0xc: {  	s4 =	sadd.s32 s4, s7;
	s18 =	sand.u32 $0x380, s10;
	s19 =	sadd.s32 s11, s0  }
0xd: {  	s2 =	sadd.s32 s2, s25;
	s4 =	sshrl.u32 s4, $0x3;
	s7 =	sor.u32 s9, s18  }
0xe: {  	s8 =	sshrl.u32 s8, $0x3;
	s9 =	sadd.s32 $0x16400, s19;
	s17 =	sadd.s32 $0x400, s2  }
0xf: {  	s19 =	sadd.s32 $0x4E500, s2;
	s25 =	sadd.s32 $0x4E300, s2;
	s12 =	sadd.s32 $0x4E480, s2  }
0x10: {  	s4 =	sadd.s32 s4, s0;
	s22 =	sadd.s32 s6, s8;
	[dreg:$0x15] =	wrdreg s9  }
0x11: {  	s7 =	sshrl.u32 s7, $0x3;
	s24 =	sadd.s32 $0x9C40, s22;
	[dreg:$0x10] =	wrdreg s22  }
0x12: {  	s8 =	sshrl.u32 s23, $0x2;
	s13 =	sadd.s32 $0x10, s22;
	[dreg:$0x11] =	wrdreg s24  }
0x13: {  	s18 =	sshrl.u32 s17, $0x3;
	s26 =	sadd.s32 $0x20, s22;
	[dreg:$0x12] =	wrdreg s13  }
0x14: {  	s23 =	sadd.s32 $0x380, s2;
	s8 =	sadd.s32 s8, s3;
	[dreg:$0x13] =	wrdreg s26  }
0x15: {  	s0 =	sadd.s32 s7, s0;
	s15 =	sadd.s32 $0x4E0, s22;
	[dreg:$0x14] =	wrdreg s8  }
0x16: {  	s7 =	ssub.s32 s20, s21;
	s16 =	sadd.s32 $0xA120, s22;
	[dreg:$0x16] =	wrdreg s15  }
0x17: {  	s4 =	sadd.s32 $0x3E400, s4;
	s20 =	sadd.s32 s18, s6;
	[dreg:$0x17] =	wrdreg s16  }
0x18: {  	s21 =	sshrl.u32 s19, $0x3;
	s13 =	sor.u32 $0x1C0A, s14;
	[dreg:$0x18] =	wrdreg s4  }
0x19: {  	s0 =	sadd.s32 $0x8E400, s0;
	[dreg:$0x5] =	wrdreg s20;
	s22 =	sadd.s32 s21, s6  }
0x1a: {  	s24 =	sshrl.u32 s23, $0x3;
	s4 =	sshrl.u32 s25, $0x3;
	s26 =	sadd.s32 $0x4E280, s2  }
0x1b: {  	s14 =	sshrl.u32 s12, $0x3;
	s15 =	sadd.s32 $0x280, s2;
	s16 =	sadd.s32 $0x4E400, s2  }
0x1c: {  	s20 =	sadd.s32 $0x200, s2;
	s23 =	sadd.s32 $0x180, s2;
	[dreg:$0x19] =	wrdreg s0  }
0x1d: {  	s7 =	smax.u32 s7, $0x1;
	s8 =	simm.s32 $0x2;
	[dreg:$0x6] =	wrdreg s22  }
0x1e: {  	s0 =	sadd.s32 s24, s6;
	s9 =	sadd.s32 s4, s6;
	s10 =	sshrl.u32 s26, $0x3  }
0x1f: {  	s4 =	sshrl.u32 s15, $0x3;
	s18 =	sshrl.u32 s16, $0x3;
	s21 =	sshrl.u32 s20, $0x3  }
0x20: {  	s22 =	sadd.s32 $0x4E380, s2;
	s25 =	sshrl.u32 s23, $0x3;
	[dreg:$0x1a] =	wrdreg s7  }
0x21: {  	s2 =	sadd.s32 $0x300, s2;
	s20 =	simm.s32 $0x180;
	[dreg:$0x7] =	wrdreg s0  }
0x22: {  	s23 =	simm.s32 $0xA;
	s15 =	simm.s32 $0x0;
	[dreg:$0x8] =	wrdreg s9  }
0x23: {  	s11 =	sadd.s32 s10, s6;
	s0 =	sadd.s32 s14, s6;
	s17 =	sadd.s32 s4, s6  }
0x24: {  	s19 =	sadd.s32 s18, s6;
	s4 =	sshrl.u32 s22, $0x3;
	[dreg:$0x1b] =	wrdreg s2  }
0x25: {  	s26 =	sadd.s32 s25, s6;
	s22 =	simm.s32 $0x100;
	[dreg:$0x9] =	wrdreg s11  }
0x26: {  	s25 =	simm.s32 $0x5;
	s2 =	simm.s32 $0x7;
	[dreg:$0xa] =	wrdreg s0  }
0x27: {  	s9 =	simm.s32 $0x9;
	s10 =	simm.s32 $0x4;
	[dreg:$0xb] =	wrdreg s17  }
0x28: {  	s14 =	simm.s32 $0x10;
	[dreg:$0xc] =	wrdreg s19;
	s0 =	sadd.s32 s21, s6  }
0x29: {  	s24 =	sadd.s32 s4, s6;
	[dreg:$0xf] =	wrdreg s26;
	s21 =	simm.s32 $0x80  }
0x2a: {  	s26 =	simm.s32 $0x280;
	s4 =	simm.s32 $0x3;
	[dreg:$0xd] =	wrdreg s0  }
0x2b: {  	v0 =	vimm.f32 $1.000000000e+00;
	[dreg:$0xe] =	wrdreg s24;
	s24 =	simm.s32 $0x1C380;
	s0 =	simm.s32 $0x8  }
.LBB2_1:
0x2c: {  	s7 =	rddreg [dreg:$0x10]  }
0x2d: {  	s11 =	rddreg [dreg:$0x11]  }
0x2e: {  	[tilespmem:s5], [sflag:$0x5] =	stream.linear.gather [hbm4b:s7+s5], $0x80, $0x38;
	[tilespmem:$0x1EB80] =	vst v63  }
0x2f: {  	s12 =	rddreg [dreg:$0x12]  }
0x30: {  	[tilespmem:s20], [sflag:$0x8] =	stream.linear.gather [hbm4b:s11+s5], $0x80, $0x38;
	[tilespmem:$0x1EB80] =	vst v63  }
0x31: {  	s16 =	rddreg [dreg:$0x13]  }
0x32: {  	[tilespmem:s21], [sflag:$0x6] =	stream.linear.gather [hbm4b:s12+s5], $0x80, $0x38;
	[tilespmem:$0x1EB80] =	vst v63  }
0x33: {  	s17 =	rddreg [dreg:$0x14]  }
0x34: {  	[tilespmem:s22], [sflag:$0x7] =	stream.linear.gather [hbm4b:s16+s5], $0x80, $0x38;
	[tilespmem:$0x1EB80] =	vst v63  }
0x35: {  	s18 =	rddreg [dreg:$0x15];
	s16 =	sshrl.u32 s17, $0x3  }
0x36: {  	[spmem:s16], [sflag:s13] =	dma.local [hbm:s18], $0x2800  }
0x37: {  	_ =	swait.ge [sflag:s23], $0x2800  }
0x38: {  	[sflag:s23] =	ssyncset.done $0x0  }
0x39: {  	[sflag:s23] =	ssyncadd.s32 $0xFFFFD800  }
0x3a: {  	s19 =	rddreg [dreg:$0x2]  }
0x3b: {  	[tilespmem:s24], [sflag:$0xA] =	stream.linear.gather [hbm4b:s19+s5], $0x2800, $0x38;
	[tilespmem:$0x1EB80] =	vst v63  }
0x3c: {  	_ =	swait.ge [sflag:s23], $0x2800  }
0x3d: {  	[sflag:s23] =	ssyncset.done $0x0  }
0x3e: {  	[sflag:s23] =	ssyncadd.s32 $0xFFFFD800  }
0x3f: {  	_ =	swait.ge [sflag:s25], $0x80  }
0x40: {  	[sflag:s25] =	ssyncset.done $0x0  }
0x41: {  	[sflag:s25] =	ssyncadd.s32 $0xFFFFFF80  }
0x42: {  	[tilespmem:s26], [sflag:$0x1] =	stream.indirect.gather [hbm4b:s1+s21], $0x80, s5, s21, $0xb8;
	[tilespmem:$0x1EB80] =	vst v63  }
0x43: {  	[bflag:$0x0] =	sbarrier.arrive $0xFFFF  }
0x44: {  	s7 =	simm.s32 $0x0;
	s19 =	rddreg [dreg:$0x1b]  }
.LBB2_2:
0x45: {  	p0 =	seq.s32 s7, $0x0  }
0x46: {  	s18 =	simm.s32 @!p0 $0x4  }
0x47: {  	_ =	swait.ge @!p0 [sflag:s18], $0x4000  }
0x48: {  	s17 =	rddreg [dreg:$0x9];
	[sflag:s18] =	ssyncset.done @!p0 $0x0  }
0x49: {  	[sflag:s18] =	ssyncadd.s32 @!p0 $0xFFFFC000;
	s17 =	sadd.s32 s7, s17  }
0x4a: {  	[tilespmem:s28], [sflag:$0x9] =	stream.linear.gather [hbm4b:s17+s5], $0x80, $0x38;
	[tilespmem:$0x1EB80] =	vst v63  }
0x4b: {  	_ =	swait.ge [sflag:s29], $0x80  }
0x4c: {  	[sflag:s29] =	ssyncset.done $0x0  }
0x4d: {  	[sflag:s29] =	ssyncadd.s32 $0xFFFFFF80  }
0x4e: {  	[tilespmem:s30], [sflag:$0x2] =	stream.indirect.gather [hbm4b:s1+s21], $0x80, s21, s21, $0xb8;
	[tilespmem:$0x1EB80] =	vst v63  }
0x4f: {  	_ =	swait.ge [sflag:s31], $0x4000  }
0x50: {  	s12 =	rddreg [dreg:$0xf];
	[sflag:s31] =	ssyncset.done $0x0  }
0x51: {  	[sflag:s31] =	ssyncadd.s32 $0xFFFFC000;
	s17 =	sadd.s32 s7, s12  }
0x52: {  	[tilespmem:s5], [sflag:$0x5] =	stream.linear.gather [hbm4b:s17+s5], $0x80, $0x38;
	[tilespmem:$0x1EB80] =	vst v63  }
0x53: {  	_ =	swait.ge [sflag:s0], $0x80  }
0x54: {  	[sflag:s0] =	ssyncset.done $0x0  }
0x55: {  	[sflag:s0] =	ssyncadd.s32 $0xFFFFFF80  }
0x56: {  	[spmem:s3] =	stream.indirect.scatter.add.f32 [tilespmem:s26], [sflag:$0x3], $0x80, s20, s21, $0xb8;
	[tilespmem:$0x1EB80] =	vst v63  }
0x57: {  	v1 =	vld [tilespmem:$0x180];
	_ =	sdelay $0x7  }
0x58: {  	[tilespmem:v1+s24+$0x0] =	vst.idx.add.f32.msk $0xffff, v0  }
0x59: {  	v1 =	vld [tilespmem:$0x190];
	_ =	sdelay $0x7  }
0x5a: {  	[tilespmem:v1+s24+$0x0] =	vst.idx.add.f32.msk $0xffff, v0  }
0x5b: {  	v1 =	vld [tilespmem:$0x1A0];
	_ =	sdelay $0x7  }
0x5c: {  	[tilespmem:v1+s24+$0x0] =	vst.idx.add.f32.msk $0xffff, v0  }
0x5d: {  	v1 =	vld [tilespmem:$0x1B0];
	_ =	sdelay $0x7  }
0x5e: {  	[tilespmem:v1+s24+$0x0] =	vst.idx.add.f32.msk $0xffff, v0  }
0x5f: {  	v1 =	vld [tilespmem:$0x1C0];
	_ =	sdelay $0x7  }
0x60: {  	[tilespmem:v1+s24+$0x0] =	vst.idx.add.f32.msk $0xffff, v0  }
0x61: {  	v1 =	vld [tilespmem:$0x1D0];
	_ =	sdelay $0x7  }
0x62: {  	[tilespmem:v1+s24+$0x0] =	vst.idx.add.f32.msk $0xffff, v0  }
0x63: {  	v1 =	vld [tilespmem:$0x1E0];
	_ =	sdelay $0x7  }
0x64: {  	[tilespmem:v1+s24+$0x0] =	vst.idx.add.f32.msk $0xffff, v0  }
0x65: {  	v1 =	vld [tilespmem:$0x1F0];
	_ =	sdelay $0x7  }
0x66: {  	[tilespmem:v1+s24+$0x0] =	vst.idx.add.f32.msk $0xffff, v0  }
0x67: {  	_ =	swait.ge [sflag:s4], $0x4000  }
0x68: {  	s18 =	rddreg [dreg:$0x8];
	[sflag:s4] =	ssyncset.done $0x0  }
0x69: {  	[sflag:s4] =	ssyncadd.s32 $0xFFFFC000;
	s17 =	sadd.s32 s7, s18  }
0x6a: {  	[tilespmem:s20], [sflag:$0x8] =	stream.linear.gather [hbm4b:s17+s5], $0x80, $0x38;
	[tilespmem:$0x1EB80] =	vst v63  }
0x6b: {  	_ =	swait.ge [sflag:s2], $0x80  }
0x6c: {  	[sflag:s2] =	ssyncset.done $0x0  }
0x6d: {  	[sflag:s2] =	ssyncadd.s32 $0xFFFFFF80  }
0x6e: {  	[tilespmem:s26], [sflag:$0x1] =	stream.indirect.gather [hbm4b:s1+s21], $0x80, s22, s21, $0xb8;
	[tilespmem:$0x1EB80] =	vst v63  }
0x6f: {  	_ =	swait.ge [sflag:s8], $0x4000  }
0x70: {  	s11 =	rddreg [dreg:$0xd];
	[sflag:s8] =	ssyncset.done $0x0  }
0x71: {  	[sflag:s8] =	ssyncadd.s32 $0xFFFFC000;
	s17 =	sadd.s32 s7, s11  }
0x72: {  	[tilespmem:s21], [sflag:$0x6] =	stream.linear.gather [hbm4b:s17+s5], $0x80, $0x38;
	[tilespmem:$0x1EB80] =	vst v63  }
0x73: {  	_ =	swait.ge [sflag:s9], $0x80  }
0x74: {  	[sflag:s9] =	ssyncset.done $0x0  }
0x75: {  	[sflag:s9] =	ssyncadd.s32 $0xFFFFFF80  }
0x76: {  	[spmem:s3] =	stream.indirect.scatter.add.f32 [tilespmem:s30], [sflag:$0x4], $0x80, s28, s21, $0xb8;
	[tilespmem:$0x1EB80] =	vst v63  }
0x77: {  	v1 =	vld [tilespmem:$0x200];
	_ =	sdelay $0x7  }
0x78: {  	[tilespmem:v1+s24+$0x0] =	vst.idx.add.f32.msk $0xffff, v0  }
0x79: {  	v1 =	vld [tilespmem:$0x210];
	_ =	sdelay $0x7  }
0x7a: {  	[tilespmem:v1+s24+$0x0] =	vst.idx.add.f32.msk $0xffff, v0  }
0x7b: {  	v1 =	vld [tilespmem:$0x220];
	_ =	sdelay $0x7  }
0x7c: {  	[tilespmem:v1+s24+$0x0] =	vst.idx.add.f32.msk $0xffff, v0  }
0x7d: {  	v1 =	vld [tilespmem:$0x230];
	_ =	sdelay $0x7  }
0x7e: {  	[tilespmem:v1+s24+$0x0] =	vst.idx.add.f32.msk $0xffff, v0  }
0x7f: {  	v1 =	vld [tilespmem:$0x240];
	_ =	sdelay $0x7  }
0x80: {  	[tilespmem:v1+s24+$0x0] =	vst.idx.add.f32.msk $0xffff, v0  }
0x81: {  	v1 =	vld [tilespmem:$0x250];
	_ =	sdelay $0x7  }
0x82: {  	[tilespmem:v1+s24+$0x0] =	vst.idx.add.f32.msk $0xffff, v0  }
0x83: {  	v1 =	vld [tilespmem:$0x260];
	_ =	sdelay $0x7  }
0x84: {  	[tilespmem:v1+s24+$0x0] =	vst.idx.add.f32.msk $0xffff, v0  }
0x85: {  	v1 =	vld [tilespmem:$0x270];
	_ =	sdelay $0x7  }
0x86: {  	[tilespmem:v1+s24+$0x0] =	vst.idx.add.f32.msk $0xffff, v0  }
0x87: {  	_ =	swait.ge [sflag:s10], $0x4000  }
0x88: {  	s12 =	rddreg [dreg:$0xe];
	[sflag:s10] =	ssyncset.done $0x0  }
0x89: {  	[sflag:s10] =	ssyncadd.s32 $0xFFFFC000;
	s17 =	sadd.s32 s7, s12  }
0x8a: {  	[tilespmem:s28], [sflag:$0x9] =	stream.linear.gather [hbm4b:s17+s5], $0x80, $0x38;
	[tilespmem:$0x1EB80] =	vst v63  }
0x8b: {  	_ =	swait.ge [sflag:s25], $0x80  }
0x8c: {  	[sflag:s25] =	ssyncset.done $0x0  }
0x8d: {  	[sflag:s25] =	ssyncadd.s32 $0xFFFFFF80  }
0x8e: {  	[tilespmem:s30], [sflag:$0x2] =	stream.indirect.gather [hbm4b:s1+s21], $0x80, s5, s21, $0xb8;
	[tilespmem:$0x1EB80] =	vst v63  }
0x8f: {  	_ =	swait.ge [sflag:s31], $0x4000  }
0x90: {  	s18 =	rddreg [dreg:$0xb];
	[sflag:s31] =	ssyncset.done $0x0  }
0x91: {  	[sflag:s31] =	ssyncadd.s32 $0xFFFFC000;
	s17 =	sadd.s32 s7, s18  }
0x92: {  	[tilespmem:s22], [sflag:$0x7] =	stream.linear.gather [hbm4b:s17+s5], $0x80, $0x38;
	[tilespmem:$0x1EB80] =	vst v63  }
0x93: {  	_ =	swait.ge [sflag:s0], $0x80  }
0x94: {  	[sflag:s0] =	ssyncset.done $0x0  }
0x95: {  	[sflag:s0] =	ssyncadd.s32 $0xFFFFFF80  }
0x96: {  	[spmem:s3] =	stream.indirect.scatter.add.f32 [tilespmem:s26], [sflag:$0x3], $0x80, s20, s21, $0xb8;
	[tilespmem:$0x1EB80] =	vst v63  }
0x97: {  	v1 =	vld [tilespmem:$0x180];
	_ =	sdelay $0x7  }
0x98: {  	[tilespmem:v1+s24+$0x0] =	vst.idx.add.f32.msk $0xffff, v0  }
0x99: {  	v1 =	vld [tilespmem:$0x190];
	_ =	sdelay $0x7  }
0x9a: {  	[tilespmem:v1+s24+$0x0] =	vst.idx.add.f32.msk $0xffff, v0  }
0x9b: {  	v1 =	vld [tilespmem:$0x1A0];
	_ =	sdelay $0x7  }
0x9c: {  	[tilespmem:v1+s24+$0x0] =	vst.idx.add.f32.msk $0xffff, v0  }
0x9d: {  	v1 =	vld [tilespmem:$0x1B0];
	_ =	sdelay $0x7  }
0x9e: {  	[tilespmem:v1+s24+$0x0] =	vst.idx.add.f32.msk $0xffff, v0  }
0x9f: {  	v1 =	vld [tilespmem:$0x1C0];
	_ =	sdelay $0x7  }
0xa0: {  	[tilespmem:v1+s24+$0x0] =	vst.idx.add.f32.msk $0xffff, v0  }
0xa1: {  	v1 =	vld [tilespmem:$0x1D0];
	_ =	sdelay $0x7  }
0xa2: {  	[tilespmem:v1+s24+$0x0] =	vst.idx.add.f32.msk $0xffff, v0  }
0xa3: {  	v1 =	vld [tilespmem:$0x1E0];
	_ =	sdelay $0x7  }
0xa4: {  	[tilespmem:v1+s24+$0x0] =	vst.idx.add.f32.msk $0xffff, v0  }
0xa5: {  	v1 =	vld [tilespmem:$0x1F0];
	_ =	sdelay $0x7  }
0xa6: {  	[tilespmem:v1+s24+$0x0] =	vst.idx.add.f32.msk $0xffff, v0  }
0xa7: {  	_ =	swait.ge [sflag:s4], $0x4000  }
0xa8: {  	s11 =	rddreg [dreg:$0xc];
	[sflag:s4] =	ssyncset.done $0x0  }
0xa9: {  	[sflag:s4] =	ssyncadd.s32 $0xFFFFC000;
	s17 =	sadd.s32 s7, s11  }
0xaa: {  	[tilespmem:s20], [sflag:$0x8] =	stream.linear.gather [hbm4b:s17+s5], $0x80, $0x38;
	[tilespmem:$0x1EB80] =	vst v63  }
0xab: {  	_ =	swait.ge [sflag:s29], $0x80  }
0xac: {  	[sflag:s29] =	ssyncset.done $0x0  }
0xad: {  	[sflag:s29] =	ssyncadd.s32 $0xFFFFFF80  }
0xae: {  	[tilespmem:s26], [sflag:$0x1] =	stream.indirect.gather [hbm4b:s1+s21], $0x80, s21, s21, $0xb8;
	[tilespmem:$0x1EB80] =	vst v63  }
0xaf: {  	p0 =	seq.s32 s7, $0x480;
	_ =	swait.ge [sflag:s8], $0x4000  }
0xb0: {  	s17 =	sshrl.u32 @!p0 s19, $0x3;
	[sflag:s8] =	ssyncset.done $0x0  }
0xb1: {  	s18 =	simm.s32 @!p0 $0x0;
	s17 =	sadd.s32 @!p0 s6, s17;
	[sflag:s8] =	ssyncadd.s32 $0xFFFFC000  }
0xb2: {  	[tilespmem:s18], [sflag:$0x5] =	stream.linear.gather @!p0 [hbm4b:s17+s18], $0x80, $0x38;
	[tilespmem:$0x1EB80] =	vst v63  }
0xb3: {  	_ =	swait.ge [sflag:s9], $0x80  }
0xb4: {  	[sflag:s9] =	ssyncset.done $0x0  }
0xb5: {  	[sflag:s9] =	ssyncadd.s32 $0xFFFFFF80  }
0xb6: {  	[spmem:s3] =	stream.indirect.scatter.add.f32 [tilespmem:s30], [sflag:$0x4], $0x80, s28, s21, $0xb8;
	[tilespmem:$0x1EB80] =	vst v63  }
0xb7: {  	v1 =	vld [tilespmem:$0x200];
	_ =	sdelay $0x7  }
0xb8: {  	[tilespmem:v1+s24+$0x0] =	vst.idx.add.f32.msk $0xffff, v0  }
0xb9: {  	v1 =	vld [tilespmem:$0x210];
	_ =	sdelay $0x7  }
0xba: {  	[tilespmem:v1+s24+$0x0] =	vst.idx.add.f32.msk $0xffff, v0  }
0xbb: {  	v1 =	vld [tilespmem:$0x220];
	_ =	sdelay $0x7  }
0xbc: {  	[tilespmem:v1+s24+$0x0] =	vst.idx.add.f32.msk $0xffff, v0  }
0xbd: {  	v1 =	vld [tilespmem:$0x230];
	_ =	sdelay $0x7  }
0xbe: {  	[tilespmem:v1+s24+$0x0] =	vst.idx.add.f32.msk $0xffff, v0  }
0xbf: {  	v1 =	vld [tilespmem:$0x240];
	_ =	sdelay $0x7  }
0xc0: {  	[tilespmem:v1+s24+$0x0] =	vst.idx.add.f32.msk $0xffff, v0  }
0xc1: {  	v1 =	vld [tilespmem:$0x250];
	_ =	sdelay $0x7  }
0xc2: {  	[tilespmem:v1+s24+$0x0] =	vst.idx.add.f32.msk $0xffff, v0  }
0xc3: {  	v1 =	vld [tilespmem:$0x260];
	_ =	sdelay $0x7  }
0xc4: {  	[tilespmem:v1+s24+$0x0] =	vst.idx.add.f32.msk $0xffff, v0  }
0xc5: {  	v1 =	vld [tilespmem:$0x270];
	_ =	sdelay $0x7  }
0xc6: {  	[tilespmem:v1+s24+$0x0] =	vst.idx.add.f32.msk $0xffff, v0  }
0xc7: {  	_ =	swait.ge [sflag:s10], $0x4000  }
0xc8: {  	s12 =	rddreg [dreg:$0xa];
	[sflag:s10] =	ssyncset.done $0x0  }
0xc9: {  	[sflag:s10] =	ssyncadd.s32 $0xFFFFC000;
	s17 =	sadd.s32 s7, s12  }
0xca: {  	[tilespmem:s28], [sflag:$0x9] =	stream.linear.gather [hbm4b:s17+s5], $0x80, $0x38;
	[tilespmem:$0x1EB80] =	vst v63  }
0xcb: {  	_ =	swait.ge [sflag:s2], $0x80  }
0xcc: {  	[sflag:s2] =	ssyncset.done $0x0  }
0xcd: {  	[sflag:s2] =	ssyncadd.s32 $0xFFFFFF80  }
0xce: {  	[tilespmem:s30], [sflag:$0x2] =	stream.indirect.gather [hbm4b:s1+s21], $0x80, s22, s21, $0xb8;
	[tilespmem:$0x1EB80] =	vst v63  }
0xcf: {  	_ =	swait.ge [sflag:s31], $0x4000  }
0xd0: {  	s17 =	rddreg [dreg:$0x7];
	[sflag:s31] =	ssyncset.done $0x0  }
0xd1: {  	s11 =	simm.s32 @!p0 $0x80;
	[sflag:s31] =	ssyncadd.s32 $0xFFFFC000;
	s17 =	sadd.s32 @!p0 s7, s17  }
0xd2: {  	[tilespmem:s11], [sflag:$0x6] =	stream.linear.gather @!p0 [hbm4b:s17+s18], $0x80, $0x38;
	[tilespmem:$0x1EB80] =	vst v63  }
0xd3: {  	_ =	swait.ge [sflag:s0], $0x80  }
0xd4: {  	[sflag:s0] =	ssyncset.done $0x0  }
0xd5: {  	[sflag:s0] =	ssyncadd.s32 $0xFFFFFF80  }
0xd6: {  	[spmem:s3] =	stream.indirect.scatter.add.f32 [tilespmem:s26], [sflag:$0x3], $0x80, s20, s21, $0xb8;
	[tilespmem:$0x1EB80] =	vst v63  }
0xd7: {  	v1 =	vld [tilespmem:$0x180];
	_ =	sdelay $0x7  }
0xd8: {  	[tilespmem:v1+s24+$0x0] =	vst.idx.add.f32.msk $0xffff, v0  }
0xd9: {  	v1 =	vld [tilespmem:$0x190];
	_ =	sdelay $0x7  }
0xda: {  	[tilespmem:v1+s24+$0x0] =	vst.idx.add.f32.msk $0xffff, v0  }
0xdb: {  	v1 =	vld [tilespmem:$0x1A0];
	_ =	sdelay $0x7  }
0xdc: {  	[tilespmem:v1+s24+$0x0] =	vst.idx.add.f32.msk $0xffff, v0  }
0xdd: {  	v1 =	vld [tilespmem:$0x1B0];
	_ =	sdelay $0x7  }
0xde: {  	[tilespmem:v1+s24+$0x0] =	vst.idx.add.f32.msk $0xffff, v0  }
0xdf: {  	v1 =	vld [tilespmem:$0x1C0];
	_ =	sdelay $0x7  }
0xe0: {  	[tilespmem:v1+s24+$0x0] =	vst.idx.add.f32.msk $0xffff, v0  }
0xe1: {  	v1 =	vld [tilespmem:$0x1D0];
	_ =	sdelay $0x7  }
0xe2: {  	[tilespmem:v1+s24+$0x0] =	vst.idx.add.f32.msk $0xffff, v0  }
0xe3: {  	v1 =	vld [tilespmem:$0x1E0];
	_ =	sdelay $0x7  }
0xe4: {  	[tilespmem:v1+s24+$0x0] =	vst.idx.add.f32.msk $0xffff, v0  }
0xe5: {  	v1 =	vld [tilespmem:$0x1F0];
	_ =	sdelay $0x7  }
0xe6: {  	[tilespmem:v1+s24+$0x0] =	vst.idx.add.f32.msk $0xffff, v0  }
0xe7: {  	_ =	swait.ge [sflag:s4], $0x4000  }
0xe8: {  	[sflag:s4] =	ssyncset.done $0x0  }
0xe9: {  	s17 =	simm.s32 @p0 $0x2;
	[sflag:s4] =	ssyncadd.s32 $0xFFFFC000  }
0xea: {  	_ =	swait.ge @p0 [sflag:s17], $0x4000  }
0xeb: {  	s12 =	rddreg [dreg:$0x6];
	[sflag:s17] =	ssyncset.done @p0 $0x0  }
0xec: {  	[sflag:s17] =	ssyncadd.s32 @p0 $0xFFFFC000;
	s12 =	sadd.s32 @!p0 s7, s12;
	s17 =	simm.s32 @!p0 $0x180  }
0xed: {  	[tilespmem:s17], [sflag:$0x8] =	stream.linear.gather @!p0 [hbm4b:s12+s18], $0x80, $0x38;
	[tilespmem:$0x1EB80] =	vst v63  }
0xee: {  	s12 =	simm.s32 @!p0 $0x5  }
0xef: {  	_ =	swait.ge @!p0 [sflag:s12], $0x80  }
0xf0: {  	[sflag:s12] =	ssyncset.done @!p0 $0x0  }
0xf1: {  	[sflag:s12] =	ssyncadd.s32 @!p0 $0xFFFFFF80;
	s12 =	simm.s32 @!p0 $0x280  }
0xf2: {  	[tilespmem:s12], [sflag:$0x1] =	stream.indirect.gather @!p0 [hbm4b:s1+s11], $0x80, s18, s11, $0xb8;
	[tilespmem:$0x1EB80] =	vst v63  }
0xf3: {  	s11 =	simm.s32 @!p0 $0x2  }
0xf4: {  	_ =	swait.ge @!p0 [sflag:s11], $0x4000  }
0xf5: {  	s12 =	rddreg [dreg:$0x5];
	[sflag:s11] =	ssyncset.done @!p0 $0x0  }
0xf6: {  	[sflag:s11] =	ssyncadd.s32 @!p0 $0xFFFFC000;
	s11 =	sadd.s32 @!p0 s7, s12;
	s12 =	simm.s32 @!p0 $0x100  }
0xf7: {  	[tilespmem:s12], [sflag:$0x7] =	stream.linear.gather @!p0 [hbm4b:s11+s18], $0x80, $0x38;
	[tilespmem:$0x1EB80] =	vst v63  }
0xf8: {  	_ =	swait.ge [sflag:s9], $0x80  }
0xf9: {  	[sflag:s9] =	ssyncset.done $0x0  }
0xfa: {  	[sflag:s9] =	ssyncadd.s32 $0xFFFFFF80  }
0xfb: {  	[spmem:s3] =	stream.indirect.scatter.add.f32 [tilespmem:s30], [sflag:$0x4], $0x80, s28, s21, $0xb8;
	[tilespmem:$0x1EB80] =	vst v63  }
0xfc: {  	v1 =	vld [tilespmem:$0x200];
	_ =	sdelay $0x7  }
0xfd: {  	[tilespmem:v1+s24+$0x0] =	vst.idx.add.f32.msk $0xffff, v0  }
0xfe: {  	v1 =	vld [tilespmem:$0x210];
	_ =	sdelay $0x7  }
0xff: {  	[tilespmem:v1+s24+$0x0] =	vst.idx.add.f32.msk $0xffff, v0  }
0x100: {  	v1 =	vld [tilespmem:$0x220];
	_ =	sdelay $0x7  }
0x101: {  	[tilespmem:v1+s24+$0x0] =	vst.idx.add.f32.msk $0xffff, v0  }
0x102: {  	v1 =	vld [tilespmem:$0x230];
	_ =	sdelay $0x7  }
0x103: {  	[tilespmem:v1+s24+$0x0] =	vst.idx.add.f32.msk $0xffff, v0  }
0x104: {  	v1 =	vld [tilespmem:$0x240];
	_ =	sdelay $0x7  }
0x105: {  	[tilespmem:v1+s24+$0x0] =	vst.idx.add.f32.msk $0xffff, v0  }
0x106: {  	v1 =	vld [tilespmem:$0x250];
	_ =	sdelay $0x7  }
0x107: {  	[tilespmem:v1+s24+$0x0] =	vst.idx.add.f32.msk $0xffff, v0  }
0x108: {  	v1 =	vld [tilespmem:$0x260];
	_ =	sdelay $0x7  }
0x109: {  	[tilespmem:v1+s24+$0x0] =	vst.idx.add.f32.msk $0xffff, v0  }
0x10a: {  	v1 =	vld [tilespmem:$0x270];
	_ =	sdelay $0x1  }
0x10b: {  	s7 =	sadd.s32 $0x60, s7  }
0x10c: {  	p0 =	sne.s32 s7, $0x4E0  }
.Ltmp0:
0x10d: {  	_ = 	snop;
	(pc) =	sbr.rel @p0 .LBB2_2-.Ltmp0, $2  }
0x10e: {  	_ =	sdelay $0x2  }
0x10f: {  	s19 =	sadd.s32 $0x300, s19;
	[tilespmem:v1+s24+$0x0] =	vst.idx.add.f32.msk $0xffff, v0  }
0x110: {  	s7 =	rddreg [dreg:$0x16];
	s11 =	simm.s32 $0x1C280  }
0x111: {  	[tilespmem:s11], [sflag:$0xA] =	stream.linear.gather [hbm4b:s7+s5], $0x10, $0x38;
	[tilespmem:$0x1EB80] =	vst v63  }
0x112: {  	_ =	swait.ge [sflag:s23], $0x10  }
0x113: {  	[sflag:s23] =	ssyncset.done $0x0  }
0x114: {  	s12 =	simm.s32 $0x1C300;
	s19 =	rddreg [dreg:$0x17];
	[sflag:s23] =	ssyncadd.s32 $0xFFFFFFF0  }
0x115: {  	[tilespmem:s12], [sflag:$0xA] =	stream.linear.gather [hbm4b:s19+s5], $0x10, $0x38;
	[tilespmem:$0x1EB80] =	vst v63  }
0x116: {  	_ =	swait.ge [sflag:s23], $0x10  }
0x117: {  	[sflag:s23] =	ssyncset.done $0x0  }
0x118: {  	[sflag:s23] =	ssyncadd.s32 $0xFFFFFFF0  }
0x119: {  	[tilespmem:s26], [sflag:$0x1] =	stream.indirect.gather [hbm4b:s1+s14], $0x80, s11, s14, $0xb8;
	[tilespmem:$0x1EB80] =	vst v63  }
0x11a: {  	_ =	swait.ge [sflag:s31], $0x800  }
0x11b: {  	[sflag:s31] =	ssyncset.done $0x0  }
0x11c: {  	[sflag:s31] =	ssyncadd.s32 $0xFFFFF800  }
0x11d: {  	_ =	swait.ge [sflag:s10], $0x4000  }
0x11e: {  	[sflag:s10] =	ssyncset.done $0x0  }
0x11f: {  	[sflag:s10] =	ssyncadd.s32 $0xFFFFC000  }
0x120: {  	[spmem:s3] =	stream.indirect.scatter.add.f32 [tilespmem:s26], [sflag:$0x3], $0x80, s12, s14, $0xb8;
	[tilespmem:$0x1EB80] =	vst v63  }
0x121: {  	_ =	swait.ge [sflag:s4], $0x800  }
0x122: {  	[sflag:s4] =	ssyncset.done $0x0  }
0x123: {  	[sflag:s4] =	ssyncadd.s32 $0xFFFFF800  }
0x124: {  	v1 =	vld [tilespmem:$0x1C300];
	_ =	sdelay $0x7  }
0x125: {  	[tilespmem:v1+s24+$0x0] =	vst.idx.add.f32.msk $0xffff, v0  }
0x126: {  	[bflag:$0x0] =	sbarrier.arrive $0xFFFF  }
0x127: {  	s12 =	rddreg [dreg:$0x18]  }
0x128: {  	[hbm:s12], [sflag:s13] =	dma.local [spmem:s16], $0x2800  }
0x129: {  	_ =	swait.ge [sflag:s23], $0x2800  }
0x12a: {  	[sflag:s23] =	ssyncset.done $0x0  }
0x12b: {  	s18 =	simm.s32 $0x400;
	s17 =	rddreg [dreg:$0x19];
	[sflag:s23] =	ssyncadd.s32 $0xFFFFD800  }
0x12c: {  	[hbm4b:s17+s21] =	stream.strided.scatter [tilespmem:s24], [sflag:$0xA], $0x2800, s18, s21, $0x38;
	[tilespmem:$0x1EB80] =	vst v63  }
0x12d: {  	_ =	swait.ge [sflag:s23], $0x2800  }
0x12e: {  	s15 =	sadd.s32 $0x1, s15;
	s19 =	rddreg [dreg:$0x1a]  }
0x12f: {  	p0 =	sne.s32 s15, s19  }
.Ltmp1:
0x130: {  	_ = 	snop;
	(pc) =	sbr.rel @p0 .LBB2_1-.Ltmp1, $3  }
0x131: {  	_ =	sdelay $0x1  }
0x132: {  	[sflag:s23] =	ssyncset.done $0x0  }
0x133: {  	[sflag:s23] =	ssyncadd.s32 $0xFFFFD800  }
0x134: {  	_ =	sfence.sel $0x180000  }
0x135: {  	[bflag:$0x0] =	sbarrier.arrive $0xFFFF  }
0x136: {  	_ =	strace $0x90000047  }
0x137: {  	s0 =	stileid.u32;
	[bflag:$0x2] =	sbarrier.arrive $0xFFFF  }
0x138: {  	p0 =	sne.s32 s0, $0x0;
	s0 =	rddreg [dreg:$0x4]  }
0x139: {  	s0 =	sadd.s32 @!p0 $0x100000, s0  }
0x13a: {  	[sflag:s0] =	ssyncadd.tile.s32 @!p0 $0x1;
	_ =	shalt  }
.Lfunc_end2:
_tile_overlayer_lowered:
.L_overlay_start_2:
0x13b: {  	(tag) =	ssettag $0x2  }
0x13c: {  	s0 =	rddreg [dreg:$0x0];
	s2 =	stileid.u32  }
0x13d: {  	s1 =	rddreg [dreg:$0x1];
	p0 =	sne.s32 s2, $0x0  }
0x13e: {  	s3 =	rddreg [dreg:$0x2];
	[bflag:$0x3] =	sbarrier.arrive $0xFFFF;
	s2 =	simm.s32 @!p0 $0x1C0A  }
0x13f: {  	[timem:s3], [sflag:s2] =	dma.local @!p0 [hbm:s0], s1  }
0x140: {  	s0 =	simm.s32 @!p0 $0xA  }
0x141: {  	_ =	swait.ge @!p0 [sflag:s0], s1  }
0x142: {  	s1 =	ssub.s32 @!p0 $0x0, s1;
	[sflag:s0] =	ssyncset.done @!p0 $0x0  }
0x143: {  	[sflag:s0] =	ssyncadd.s32 @!p0 s1  }
0x144: {  	[bflag:$0x3] =	sbarrier.arrive $0xFFFF  }
0x145: {  	_ =	shalt  }

// kernel: kernel.9.cloned.1.call-start
scs
__scs_entry_jumppad:
0x0: {  	(pc) =	sbr.rel $0x88, $3  }
0x1: {  	(tag) =	ssettag $0x0;
	lr =	simm.s32 $0x1  }
0x2: {  	[smem:$0x3F99] =	sst lr;
	_ =	strace $0xD0000000  }
0x3: {  	_ = 	snop  }
0x4: {  	_ = 	snop  }
0x5: {  	_ = 	snop  }
0x6: {  	_ = 	snop  }
0x7: {  	_ = 	snop  }
__scs_overlays_trampoline_lowered:
0x8: {  	[smem:$0x3FA8] =	sst s0  }
0x9: {  	[smem:$0x3FA9] =	sst s1  }
0xa: {  	[smem:$0x3FAA] =	sst s2  }
0xb: {  	[smem:$0x3FAB] =	sst s3  }
0xc: {  	[smem:$0x3FAC] =	sst s4  }
0xd: {  	[smem:$0x3FAD] =	sst s5  }
0xe: {  	[smem:$0x3FAE] =	sst s6  }
0xf: {  	[smem:$0x3FAF] =	sst s7  }
0x10: {  	[smem:$0x3FB0] =	sst s8  }
0x11: {  	[smem:$0x3FB1] =	sst s9;
	s0 =	simm.s32 @!p0 $0x0  }
0x12: {  	s1 =	sld [smem:$0x3F97];
	s0 =	simm.s32 @p0 $0x1  }
0x13: {  	[smem:$0x3FB2] =	sst s0;
	s0 =	simm.s32 @!p1 $0x0  }
0x14: {  	s2 =	sld [smem:$0x3F96];
	s0 =	simm.s32 @p1 $0x1  }
0x15: {  	[smem:$0x3FB3] =	sst s0;
	s0 =	simm.s32 @!p2 $0x0  }
0x16: {  	s3 =	sld [smem:$0x3FDB];
	s0 =	simm.s32 @p2 $0x1  }
0x17: {  	s4 =	simm.s32 $0x1BF5;
	[smem:$0x3FB5] =	sst s0  }
0x18: {  	s0 =	sld [smem:$0x3F98];
	_ =	swait.ge [sflag:s4], $0x0  }
0x19: {  	s7 =	sld [smem:$0x3F99]  }
0x1a: {  	s8 =	sadd.s32 $0xFFFFE003, lr  }
0x1b: {  	s9 =	sadd.s32 $0xFFFFFEF7, lr;
	s5 =	simm.s32 $0xFFFFFFFF;
	p2 =	slt.u32 s8, $0xFFFFF086  }
0x1c: {  	p1 =	slt.u32 s9, $0xF7A;
	s5 =	simm.s32 @!p2 $0x0  }
0x1d: {  	s5 =	simm.s32 @p1 $0x1;
	p0 =	seq.s32 s7, s2  }
0x1e: {  	s7 =	smul.u32 @!p0 $0xF7A, s2;
	p2 =	seq.s32 @!p0 s5, $0x0  }
0x1f: {  	s9 =	smul.u32 $0xF7A, s1;
	s8 =	simm.s32 @!p0 $0x1BF5;
	p2 =	por !p2, p0  }
0x20: {  	[sflag:s8] =	ssyncset.s32 @!p0 $0xFFFFF086;
	s6 =	sadd.s32 @!p0 s3, s7;
	s7 =	simm.s32 @!p0 $0x108  }
0x21: {  	s3 =	sadd.s32 s3, s9;
	s6 =	sadd.s32 @!p0 $0x88, s6;
	s7 =	simm.s32 @p2 $0x1082  }
0x22: {  	[simem:s7], [sflag:s8] =	dma.local @!p0 [hbm:s6], $0xF7A  }
0x23: {  	s9 =	sor.u32 $0xD0000000, s2;
	s6 =	simm.s32 $0x108;
	_ =	swait.ge @!p0 [sflag:s8], $0x0  }
0x24: {  	s3 =	sadd.s32 $0x88, s3;
	s6 =	simm.s32 @!p1 $0x1082;
	[sflag:s4] =	ssyncset.s32 $0xFFFFF086  }
0x25: {  	[simem:s6], [sflag:s4] =	dma.local [hbm:s3], $0xF7A  }
0x26: {  	[smem:$0x3F99] =	sst s1;
	(tag) =	ssettag s2;
	_ =	strace s9  }
0x27: {  	s1 =	sld [smem:$0x3FA9]  }
0x28: {  	s2 =	sld [smem:$0x3FAA]  }
0x29: {  	s4 =	sld [smem:$0x3FAC]  }
0x2a: {  	p0 =	seq.s32 s5, $0x0;
	s5 =	sld [smem:$0x3FAD]  }
0x2b: {  	s6 =	sld [smem:$0x3FAE]  }
0x2c: {  	s7 =	sld [smem:$0x3FAF]  }
0x2d: {  	s3 =	simm.s32 $0x108;
	s8 =	sld [smem:$0x3FB0]  }
0x2e: {  	s3 =	simm.s32 @!p0 $0x1082;
	s9 =	sld [smem:$0x3FB1]  }
0x2f: {  	lr =	sadd.s32 s0, s3;
	s0 =	sld [smem:$0x3FA8]  }
0x30: {  	s3 =	sld [smem:$0x3FAB]  }
0x31: {  	[smem:$0x3FB4] =	sst s10  }
0x32: {  	s10 =	sld [smem:$0x3FB2];
	_ =	sdelay $0x3  }
0x33: {  	p0 =	seq.s32 s10, $0x1;
	s10 =	sld [smem:$0x3FB4];
	_ =	sdelay $0x3  }
0x34: {  	[smem:$0x3FB4] =	sst s10  }
0x35: {  	s10 =	sld [smem:$0x3FB3];
	_ =	sdelay $0x3  }
0x36: {  	p1 =	seq.s32 s10, $0x1;
	s10 =	sld [smem:$0x3FB4];
	_ =	sdelay $0x3  }
0x37: {  	[smem:$0x3FB4] =	sst s10  }
0x38: {  	s10 =	sld [smem:$0x3FB5]  }
0x39: {  	_ = 	snop;
	(pc) =	sbr.ind lr, $3  }
0x3a: {  	_ = 	snop  }
0x3b: {  	_ = 	snop  }
0x3c: {  	p2 =	seq.s32 s10, $0x1;
	s10 =	sld [smem:$0x3FB4]  }
0x3d: {  	_ =	shalt  }
0x3e: {  	_ =	shalt  }
0x3f: {  	_ =	shalt  }
0x40: {  	_ =	shalt  }
0x41: {  	_ =	shalt  }
0x42: {  	_ =	shalt  }
0x43: {  	_ =	shalt  }
0x44: {  	_ =	shalt  }
0x45: {  	_ =	shalt  }
0x46: {  	_ =	shalt  }
0x47: {  	_ =	shalt  }
0x48: {  	_ =	shalt  }
0x49: {  	_ =	shalt  }
0x4a: {  	_ =	shalt  }
0x4b: {  	_ =	shalt  }
0x4c: {  	_ =	shalt  }
0x4d: {  	_ =	shalt  }
0x4e: {  	_ =	shalt  }
0x4f: {  	_ =	shalt  }
0x50: {  	_ =	shalt  }
0x51: {  	_ =	shalt  }
0x52: {  	_ =	shalt  }
0x53: {  	_ =	shalt  }
0x54: {  	_ =	shalt  }
0x55: {  	_ =	shalt  }
0x56: {  	_ =	shalt  }
0x57: {  	_ =	shalt  }
0x58: {  	_ =	shalt  }
0x59: {  	_ =	shalt  }
0x5a: {  	_ =	shalt  }
0x5b: {  	_ =	shalt  }
0x5c: {  	_ =	shalt  }
0x5d: {  	_ =	shalt  }
0x5e: {  	_ =	shalt  }
0x5f: {  	_ =	shalt  }
0x60: {  	_ =	shalt  }
0x61: {  	_ =	shalt  }
0x62: {  	_ =	shalt  }
0x63: {  	_ =	shalt  }
0x64: {  	_ =	shalt  }
0x65: {  	_ =	shalt  }
0x66: {  	_ =	shalt  }
0x67: {  	_ =	shalt  }
0x68: {  	_ =	shalt  }
0x69: {  	_ =	shalt  }
0x6a: {  	_ =	shalt  }
0x6b: {  	_ =	shalt  }
0x6c: {  	_ =	shalt  }
0x6d: {  	_ =	shalt  }
0x6e: {  	_ =	shalt  }
0x6f: {  	_ =	shalt  }
0x70: {  	_ =	shalt  }
0x71: {  	_ =	shalt  }
0x72: {  	_ =	shalt  }
0x73: {  	_ =	shalt  }
0x74: {  	_ =	shalt  }
0x75: {  	_ =	shalt  }
0x76: {  	_ =	shalt  }
0x77: {  	_ =	shalt  }
0x78: {  	_ =	shalt  }
0x79: {  	_ =	shalt  }
0x7a: {  	_ =	shalt  }
0x7b: {  	_ =	shalt  }
0x7c: {  	_ =	shalt  }
0x7d: {  	_ =	shalt  }
0x7e: {  	_ =	shalt  }
0x7f: {  	_ =	shalt  }
0x80: {  	_ =	shalt  }
0x81: {  	_ =	shalt  }
0x82: {  	_ =	shalt  }
0x83: {  	_ =	shalt  }
0x84: {  	_ =	shalt  }
0x85: {  	_ =	shalt  }
0x86: {  	_ =	shalt  }
0x87: {  	_ =	shalt  }
.Lfunc_end0:
.L_simem_size_0:
called_computation.1_lowered:
.L_overlay_start_0:
0x88: {  	s2 =	sld [smem:$0x3FD9]  }
0x89: {  	s3 =	sld [smem:$0x3FFE];
	_ =	sdelay $0x1  }
0x8a: {  	s1 =	srdreg.scid  }
0x8b: {  	s0 =	sand.u32 $0x1, s1  }
0x8c: {  	s17 =	sshll.u32 s0, $0xA;
	s2 =	sadd.s32 s3, s2  }
0x8d: {  	s2 =	sadd.s32 s2, s17  }
0x8e: {  	[smem:$0x3FC0] =	sst s2  }
0x8f: {  	_ = 	snop  }
0x90: {  	s2 =	sld [smem:$0x3FD0];
	(tm) =	ssettm $0x1  }
0x91: {  	s18 =	sld [smem:$0x3FFB];
	_ =	sdelay $0x3  }
0x92: {  	_ =	strace s18  }
0x93: {  	s3 =	sld [smem:$0x3FFC];
	_ =	sdelay $0x3  }
0x94: {  	_ =	strace s3  }
0x95: {  	s3 =	sld [smem:$0x3FFD];
	_ =	sdelay $0x3  }
0x96: {  	_ =	strace s3  }
0x97: {  	_ =	strace $0x8FFFFFFF  }
0x98: {  	s19 =	sld [smem:$0x3FDB];
	_ =	sdelay $0x1  }
0x99: {  	s4 =	simm.s32 $_scs_section_size  }
0x9a: {  	s5 =	simm.s32 $_size__tile_overlayer_lowered;
	s6 =	simm.s32 $_tile_overlayer_lowered  }
0x9b: {  	s22 =	simm.s32 $0x1BFF;
	s21 =	sshll.u32 s6, $0x1;
	s3 =	sadd.s32 s4, s19  }
0x9c: {  	s7 =	simm.s32 $0x0;
	s20 =	sshll.u32 s5, $0x1;
	s5 =	sadd.s32 s21, s3  }
0x9d: {  	[timem:s7], [sflag:s22] =	dma.local [hbm:s5], s20  }
0x9e: {  	_ =	swait.ge [sflag:s22], s20  }
0x9f: {  	s4 =	ssub.s32 $0x0, s20;
	[sflag:s22] =	ssyncset.done $0x0  }
0xa0: {  	[sflag:s22] =	ssyncadd.s32 s4;
	_ =	sdelay $0x1  }
0xa1: {  	s23 =	simm.s32 $0x1B8B  }
0xa2: {  	_ =	swait.ge [sflag:s23], $0x1  }
0xa3: {  	[sflag:s23] =	ssyncset.done $0x0  }
0xa4: {  	s25 =	simm.s32 $0x1B8E;
	s24 =	sld [smem:$0x3FFE];
	[sflag:s23] =	ssyncadd.s32 $0xFFFFFFFF  }
0xa5: {  	s26 =	simm.s32 $execute0_lowered;
	[smem:$0x3FD2] =	sst s25  }
0xa6: {  	s5 =	sshll.u32 s26, $0x1;
	_ =	strace $0x80000049;
	[dreg:$0x1] =	wrdreg $0xFFFFFFFF  }
0xa7: {  	s28 =	simm.s32 $_size_execute0_lowered;
	s3 =	sadd.s32 s3, s5;
	[dreg:$0x0] =	wrdreg $0x0  }
0xa8: {  	s5 =	sshll.u32 s28, $0x1;
	[dreg:$0x2] =	wrdreg s3  }
0xa9: {  	[dreg:$0x3] =	wrdreg s5  }
0xaa: {  	[dreg:$0x4] =	wrdreg $0xC0  }
0xab: {  	_ =	task [dreg:s7], $0x5FFFF  }
0xac: {  	[dreg:$0x1] =	wrdreg $0xFFFFFFFF  }
0xad: {  	[dreg:$0x0] =	wrdreg $0x60  }
0xae: {  	[dreg:$0x2] =	wrdreg s2  }
0xaf: {  	[dreg:$0x3] =	wrdreg s24  }
0xb0: {  	[dreg:$0x4] =	wrdreg $0x82800  }
0xb1: {  	[dreg:$0x5] =	wrdreg $0x9  }
0xb2: {  	_ =	task.clear_ibuf [dreg:s7], $0x6FFFF;
	_ =	strace $0x90000049  }
0xb3: {  	s29 =	simm.s32 $0x9;
	_ =	strace $0x8000004B  }
0xb4: {  	_ =	swait.ge [sflag:s29], $0x1  }
0xb5: {  	[sflag:s29] =	ssyncadd.s32 $0xFFFFFFFF  }
0xb6: {  	_ =	strace $0x9000004B  }
0xb7: {  	_ =	sfence  }
0xb8: {  	s30 =	sld [smem:$0x0];
	_ =	sdelay $0x2  }
0xb9: {  	s31 =	sshll.u32 s1, $0xD;
	s1 =	sshrl.u32 s1, $0x2  }
0xba: {  	s3 =	sand.u32 $0x4000, s31;
	s1 =	sadd.s32 s1, s30  }
0xbb: {  	s0 =	sor.u32 s3, s0;
	s1 =	sshll.u32 s1, $0x11  }
0xbc: {  	s0 =	sor.u32 s1, s0  }
0xbd: {  	s0 =	sadd.s32 $0x8F2B, s0  }
0xbe: {  	[sflag:s0] =	ssyncadd.remote.s32 $0x1  }
0xbf: {  	_ =	sfence.sel $0xFFFF  }
0xc0: {  	[dreg:$0x0] =	wrdreg $0xFFFFFFFF;
	(pc) =	sbr.abs _section_cstart, $3  }
0xc1: {  	[dreg:$0x1] =	wrdreg $0xFFFFFFFF  }
0xc2: {  	_ =	task.clear_ibuf [dreg:s7], $0x2FFFF;
	_ =	strace $0x9FFFFFFF  }
0xc3: {  	(tm) =	ssettm $0x7FFFFFFF  }
tec
execute0_lowered:
.L_overlay_start_1:
0x0: {  	(tag) =	ssettag $0x1  }
0x1: {  	s2 =	rddreg [dreg:$0x0]  }
0x2: {  	s0 =	rddreg [dreg:$0x1]  }
0x3: {  	s3 =	rddreg [dreg:$0x2];
	s11 =	stileid.u32  }
0x4: {  	s1 =	srdreg.scid;
	s4 =	simm.s32 $0x0;
	s28 =	simm.s32 $0x1  }
0x5: {  	s29 =	simm.s32 $0x8;
	s30 =	simm.s32 $0x3;
	s31 =	simm.s32 $0x7  }
0x6: {  	s5 =	smul.u32 $0x14000, s11;
	s1 =	sand.u32 $0x1, s1;
	[smem:$0x7FF] =	sst s4  }
0x7: {  	s7 =	sshll.u32 s11, $0x1;
	s14 =	smul.u32 $0x4E20, s11;
	s16 =	sshll.u32 s11, $0x6  }
0x8: {  	s6 =	smul.u32 $0x140000, s1;
	_ =	strace $0x8000004A;
	s7 =	sor.u32 s1, s7  }
0x9: {  	s9 =	ssub.s32 $0x2, s1;
	s1 =	smul.u32 $0x2710, s1;
	s8 =	sshrl.u32 s5, $0x3  }
0xa: {  	s7 =	smul.u32 $0x2710, s7;
	s12 =	sshrl.u32 s9, $0x1;
	s6 =	sadd.s32 s5, s6  }
0xb: {  	s5 =	sadd.s32 $0x2A00, s0;
	s8 =	sadd.s32 s8, s0;
	s1 =	sadd.s32 s1, s14  }
0xc: {  	s6 =	sshrl.u32 s6, $0x3;
	s10 =	sshrl.u32 s7, $0x3;
	s7 =	ssub.s32 s9, s12  }
0xd: {  	s8 =	sadd.s32 $0x16400, s8;
	s18 =	sadd.s32 $0x400, s1;
	s20 =	sadd.s32 $0x4E500, s1  }
0xe: {  	s24 =	sadd.s32 $0x380, s1;
	s26 =	sadd.s32 $0x4E300, s1;
	s0 =	sadd.s32 s6, s0  }
0xf: {  	s6 =	sadd.s32 s5, s10;
	s10 =	smul.u32 $0x50000, s11;
	[dreg:$0x14] =	wrdreg s8  }
0x10: {  	s19 =	sshrl.u32 s18, $0x3;
	s21 =	smax.u32 s7, $0x1;
	[dreg:$0xf] =	wrdreg s6  }
0x11: {  	s22 =	sshrl.u32 s20, $0x3;
	s13 =	sadd.s32 $0x9C40, s6;
	[dreg:$0x19] =	wrdreg s21  }
0x12: {  	s25 =	sshrl.u32 s24, $0x3;
	s12 =	sadd.s32 $0x10, s6;
	[dreg:$0x10] =	wrdreg s13  }
0x13: {  	s7 =	sshrl.u32 s26, $0x3;
	s15 =	sadd.s32 $0x20, s6;
	[dreg:$0x11] =	wrdreg s12  }
0x14: {  	s20 =	sadd.s32 $0x200, s1;
	s17 =	sadd.s32 $0x4E0, s6;
	[dreg:$0x12] =	wrdreg s15  }
0x15: {  	s6 =	sadd.s32 $0xA120, s6;
	s0 =	sadd.s32 $0x3E400, s0;
	[dreg:$0x16] =	wrdreg s17  }
0x16: {  	s23 =	sadd.s32 s22, s5;
	s9 =	sadd.s32 s7, s5;
	[dreg:$0x17] =	wrdreg s6  }
0x17: {  	s21 =	sshrl.u32 s20, $0x3;
	s22 =	sadd.s32 $0x4E380, s1;
	[dreg:$0x18] =	wrdreg s0  }
0x18: {  	s20 =	simm.s32 $0x100;
	s10 =	sshrl.u32 s10, $0x2;
	[dreg:$0x5] =	wrdreg s23  }
0x19: {  	s0 =	sadd.s32 s19, s5;
	s6 =	sadd.s32 $0x4E280, s1;
	[dreg:$0x7] =	wrdreg s9  }
0x1a: {  	s13 =	sadd.s32 $0x4E480, s1;
	s15 =	sadd.s32 $0x280, s1;
	s23 =	sadd.s32 $0x180, s1  }
0x1b: {  	s10 =	sadd.s32 s10, s3;
	[dreg:$0x4] =	wrdreg s0;
	s0 =	sadd.s32 s25, s5  }
0x1c: {  	s11 =	sshrl.u32 s6, $0x3;
	s14 =	sshrl.u32 s13, $0x3;
	s7 =	sshrl.u32 s15, $0x3  }
0x1d: {  	s25 =	sshrl.u32 s23, $0x3;
	s23 =	simm.s32 $0x280;
	[dreg:$0x13] =	wrdreg s10  }
0x1e: {  	s10 =	sor.u32 $0x1C0A, s16;
	[dreg:$0x6] =	wrdreg s0;
	s12 =	sadd.s32 s11, s5  }
0x1f: {  	s0 =	sadd.s32 s14, s5;
	s16 =	sadd.s32 $0x4E400, s1;
	s17 =	sadd.s32 s7, s5  }
0x20: {  	s7 =	sshrl.u32 s22, $0x3;
	s1 =	sadd.s32 $0x300, s1;
	[dreg:$0x8] =	wrdreg s12  }
0x21: {  	s26 =	sadd.s32 s25, s5;
	s22 =	simm.s32 $0x5;
	[dreg:$0x9] =	wrdreg s0  }
0x22: {  	s25 =	simm.s32 $0x6;
	s11 =	simm.s32 $0x0;
	[dreg:$0xa] =	wrdreg s17  }
0x23: {  	s18 =	sshrl.u32 s16, $0x3;
	s0 =	sadd.s32 s21, s5;
	[dreg:$0x1a] =	wrdreg s1  }
0x24: {  	s24 =	sadd.s32 s7, s5;
	[dreg:$0xe] =	wrdreg s26;
	s21 =	simm.s32 $0xA  }
0x25: {  	s26 =	simm.s32 $0x4280;
	s1 =	simm.s32 $0x9;
	[dreg:$0x15] =	wrdreg s10  }
0x26: {  	s7 =	simm.s32 $0x4;
	s19 =	sadd.s32 s18, s5;
	[dreg:$0xc] =	wrdreg s0  }
0x27: {  	[dreg:$0xd] =	wrdreg s24;
	s18 =	simm.s32 $0x180;
	s24 =	simm.s32 $0x200  }
0x28: {  	s0 =	simm.s32 $0x2;
	[dreg:$0xb] =	wrdreg s19;
	s19 =	simm.s32 $0x80  }
.LBB2_1:
0x29: {  	s6 =	rddreg [dreg:$0xf]  }
0x2a: {  	s13 =	rddreg [dreg:$0x10]  }
0x2b: {  	s14 =	rddreg [dreg:$0x11]  }
0x2c: {  	s15 =	rddreg [dreg:$0x12]  }
0x2d: {  	[tilespmem:s4], [sflag:$0x5] =	stream.linear.gather [hbm4b:s6+s4], $0x80, $0x38;
	[tilespmem:$0x1C380] =	vst v63  }
0x2e: {  	s16 =	rddreg [dreg:$0x13]  }
0x2f: {  	[tilespmem:s18], [sflag:$0x8] =	stream.linear.gather [hbm4b:s13+s4], $0x80, $0x38;
	[tilespmem:$0x1C380] =	vst v63  }
0x30: {  	s17 =	rddreg [dreg:$0x14];
	s8 =	sshrl.u32 s16, $0x3  }
0x31: {  	[tilespmem:s19], [sflag:$0x6] =	stream.linear.gather [hbm4b:s14+s4], $0x80, $0x38;
	[tilespmem:$0x1C380] =	vst v63  }
0x32: {  	[dreg:$0x1b] =	wrdreg s8  }
0x33: {  	[tilespmem:s20], [sflag:$0x7] =	stream.linear.gather [hbm4b:s15+s4], $0x80, $0x38;
	[tilespmem:$0x1C380] =	vst v63  }
0x34: {  	[spmem:s8], [sflag:s10] =	dma.local [hbm:s17], $0x2800  }
0x35: {  	_ =	swait.ge [sflag:s21], $0x2800  }
0x36: {  	[sflag:s21] =	ssyncset.done $0x0  }
0x37: {  	[sflag:s21] =	ssyncadd.s32 $0xFFFFD800  }
0x38: {  	_ =	swait.ge [sflag:s22], $0x80  }
0x39: {  	[sflag:s22] =	ssyncset.done $0x0  }
0x3a: {  	p0 =	por $0x1, $0x1;
	[sflag:s22] =	ssyncadd.s32 $0xFFFFFF80  }
0x3b: {  	[tilespmem:s23], [sflag:$0x1] =	stream.indirect.gather [hbm4b:s2+s19], $0x80, s4, s19, $0xb8;
	[tilespmem:$0x1C380] =	vst v63  }
0x3c: {  	s8 =	simm.s32 @!p0 $0x4;
	[bflag:$0x0] =	sbarrier.arrive $0xFFFF  }
0x3d: {  	_ =	swait.ge @!p0 [sflag:s8], $0x4000  }
0x3e: {  	s9 =	rddreg [dreg:$0x8];
	[sflag:s8] =	ssyncset.done @!p0 $0x0  }
0x3f: {  	[sflag:s8] =	ssyncadd.s32 @!p0 $0xFFFFC000;
	s9 =	sadd.s32 $0x0, s9  }
0x40: {  	[tilespmem:s24], [sflag:$0x9] =	stream.linear.gather [hbm4b:s9+s4], $0x80, $0x38;
	[tilespmem:$0x1C380] =	vst v63  }
0x41: {  	_ =	swait.ge [sflag:s25], $0x80  }
0x42: {  	[sflag:s25] =	ssyncset.done $0x0  }
0x43: {  	[sflag:s25] =	ssyncadd.s32 $0xFFFFFF80  }
0x44: {  	[tilespmem:s26], [sflag:$0x2] =	stream.indirect.gather [hbm4b:s2+s19], $0x80, s19, s19, $0xb8;
	[tilespmem:$0x1C380] =	vst v63  }
0x45: {  	_ =	swait.ge [sflag:s28], $0x4000  }
0x46: {  	s10 =	rddreg [dreg:$0xe];
	[sflag:s28] =	ssyncset.done $0x0  }
0x47: {  	[sflag:s28] =	ssyncadd.s32 $0xFFFFC000;
	s8 =	sadd.s32 $0x0, s10  }
0x48: {  	[tilespmem:s4], [sflag:$0x5] =	stream.linear.gather [hbm4b:s8+s4], $0x80, $0x38;
	[tilespmem:$0x1C380] =	vst v63  }
0x49: {  	_ =	swait.ge [sflag:s29], $0x80  }
0x4a: {  	[sflag:s29] =	ssyncset.done $0x0  }
0x4b: {  	[sflag:s29] =	ssyncadd.s32 $0xFFFFFF80  }
0x4c: {  	[spmem:s3] =	stream.indirect.scatter.add.f32 [tilespmem:s23], [sflag:$0x3], $0x80, s18, s19, $0xb8;
	[tilespmem:$0x1C380] =	vst v63  }
0x4d: {  	_ =	swait.ge [sflag:s30], $0x4000  }
0x4e: {  	s12 =	rddreg [dreg:$0x7];
	[sflag:s30] =	ssyncset.done $0x0  }
0x4f: {  	[sflag:s30] =	ssyncadd.s32 $0xFFFFC000;
	s8 =	sadd.s32 $0x0, s12  }
0x50: {  	[tilespmem:s18], [sflag:$0x8] =	stream.linear.gather [hbm4b:s8+s4], $0x80, $0x38;
	[tilespmem:$0x1C380] =	vst v63  }
0x51: {  	_ =	swait.ge [sflag:s31], $0x80  }
0x52: {  	[sflag:s31] =	ssyncset.done $0x0  }
0x53: {  	[sflag:s31] =	ssyncadd.s32 $0xFFFFFF80  }
0x54: {  	[tilespmem:s23], [sflag:$0x1] =	stream.indirect.gather [hbm4b:s2+s19], $0x80, s20, s19, $0xb8;
	[tilespmem:$0x1C380] =	vst v63  }
0x55: {  	_ =	swait.ge [sflag:s0], $0x4000  }
0x56: {  	s13 =	rddreg [dreg:$0xc];
	[sflag:s0] =	ssyncset.done $0x0  }
0x57: {  	[sflag:s0] =	ssyncadd.s32 $0xFFFFC000;
	s8 =	sadd.s32 $0x0, s13  }
0x58: {  	[tilespmem:s19], [sflag:$0x6] =	stream.linear.gather [hbm4b:s8+s4], $0x80, $0x38;
	[tilespmem:$0x1C380] =	vst v63  }
0x59: {  	_ =	swait.ge [sflag:s1], $0x80  }
0x5a: {  	[sflag:s1] =	ssyncset.done $0x0  }
0x5b: {  	[sflag:s1] =	ssyncadd.s32 $0xFFFFFF80  }
0x5c: {  	[spmem:s3] =	stream.indirect.scatter.add.f32 [tilespmem:s26], [sflag:$0x4], $0x80, s24, s19, $0xb8;
	[tilespmem:$0x1C380] =	vst v63  }
0x5d: {  	_ =	swait.ge [sflag:s7], $0x4000  }
0x5e: {  	s14 =	rddreg [dreg:$0xd];
	[sflag:s7] =	ssyncset.done $0x0  }
0x5f: {  	[sflag:s7] =	ssyncadd.s32 $0xFFFFC000;
	s8 =	sadd.s32 $0x0, s14  }
0x60: {  	[tilespmem:s24], [sflag:$0x9] =	stream.linear.gather [hbm4b:s8+s4], $0x80, $0x38;
	[tilespmem:$0x1C380] =	vst v63  }
0x61: {  	_ =	swait.ge [sflag:s22], $0x80  }
0x62: {  	[sflag:s22] =	ssyncset.done $0x0  }
0x63: {  	[sflag:s22] =	ssyncadd.s32 $0xFFFFFF80  }
0x64: {  	[tilespmem:s26], [sflag:$0x2] =	stream.indirect.gather [hbm4b:s2+s19], $0x80, s4, s19, $0xb8;
	[tilespmem:$0x1C380] =	vst v63  }
0x65: {  	_ =	swait.ge [sflag:s28], $0x4000  }
0x66: {  	s15 =	rddreg [dreg:$0xa];
	[sflag:s28] =	ssyncset.done $0x0  }
0x67: {  	[sflag:s28] =	ssyncadd.s32 $0xFFFFC000;
	s8 =	sadd.s32 $0x0, s15  }
0x68: {  	[tilespmem:s20], [sflag:$0x7] =	stream.linear.gather [hbm4b:s8+s4], $0x80, $0x38;
	[tilespmem:$0x1C380] =	vst v63  }
0x69: {  	_ =	swait.ge [sflag:s29], $0x80  }
0x6a: {  	[sflag:s29] =	ssyncset.done $0x0  }
0x6b: {  	[sflag:s29] =	ssyncadd.s32 $0xFFFFFF80  }
0x6c: {  	[spmem:s3] =	stream.indirect.scatter.add.f32 [tilespmem:s23], [sflag:$0x3], $0x80, s18, s19, $0xb8;
	[tilespmem:$0x1C380] =	vst v63  }
0x6d: {  	_ =	swait.ge [sflag:s30], $0x4000  }
0x6e: {  	s16 =	rddreg [dreg:$0xb];
	[sflag:s30] =	ssyncset.done $0x0  }
0x6f: {  	[sflag:s30] =	ssyncadd.s32 $0xFFFFC000;
	s8 =	sadd.s32 $0x0, s16  }
0x70: {  	[tilespmem:s18], [sflag:$0x8] =	stream.linear.gather [hbm4b:s8+s4], $0x80, $0x38;
	[tilespmem:$0x1C380] =	vst v63  }
0x71: {  	_ =	swait.ge [sflag:s25], $0x80  }
0x72: {  	[sflag:s25] =	ssyncset.done $0x0  }
0x73: {  	[sflag:s25] =	ssyncadd.s32 $0xFFFFFF80  }
0x74: {  	[tilespmem:s23], [sflag:$0x1] =	stream.indirect.gather [hbm4b:s2+s19], $0x80, s19, s19, $0xb8;
	[tilespmem:$0x1C380] =	vst v63  }
0x75: {  	_ =	swait.ge [sflag:s0], $0x4000  }
0x76: {  	p0 =	por $0x0, $0x0;
	s6 =	rddreg [dreg:$0x1a]  }
0x77: {  	[sflag:s0] =	ssyncset.done $0x0;
	s8 =	sshrl.u32 @!p0 s6, $0x3  }
0x78: {  	[sflag:s0] =	ssyncadd.s32 $0xFFFFC000;
	s9 =	sadd.s32 @!p0 s5, s8;
	s8 =	simm.s32 @!p0 $0x0  }
0x79: {  	[tilespmem:s8], [sflag:$0x5] =	stream.linear.gather @!p0 [hbm4b:s9+s8], $0x80, $0x38;
	[tilespmem:$0x1C380] =	vst v63  }
0x7a: {  	_ =	swait.ge [sflag:s1], $0x80  }
0x7b: {  	[sflag:s1] =	ssyncset.done $0x0  }
0x7c: {  	[sflag:s1] =	ssyncadd.s32 $0xFFFFFF80  }
0x7d: {  	[spmem:s3] =	stream.indirect.scatter.add.f32 [tilespmem:s26], [sflag:$0x4], $0x80, s24, s19, $0xb8;
	[tilespmem:$0x1C380] =	vst v63  }
0x7e: {  	_ =	swait.ge [sflag:s7], $0x4000  }
0x7f: {  	s17 =	rddreg [dreg:$0x9];
	[sflag:s7] =	ssyncset.done $0x0  }
0x80: {  	[sflag:s7] =	ssyncadd.s32 $0xFFFFC000;
	s9 =	sadd.s32 $0x0, s17  }
0x81: {  	[tilespmem:s24], [sflag:$0x9] =	stream.linear.gather [hbm4b:s9+s4], $0x80, $0x38;
	[tilespmem:$0x1C380] =	vst v63  }
0x82: {  	_ =	swait.ge [sflag:s31], $0x80  }
0x83: {  	[sflag:s31] =	ssyncset.done $0x0  }
0x84: {  	[sflag:s31] =	ssyncadd.s32 $0xFFFFFF80  }
0x85: {  	[tilespmem:s26], [sflag:$0x2] =	stream.indirect.gather [hbm4b:s2+s19], $0x80, s20, s19, $0xb8;
	[tilespmem:$0x1C380] =	vst v63  }
0x86: {  	_ =	swait.ge [sflag:s28], $0x4000  }
0x87: {  	[sflag:s28] =	ssyncset.done $0x0  }
0x88: {  	s9 =	simm.s32 @p0 $0x8;
	[sflag:s28] =	ssyncadd.s32 $0xFFFFC000  }
0x89: {  	_ =	swait.ge @p0 [sflag:s9], $0x80  }
0x8a: {  	s14 =	simm.s32 @p0 $0x280;
	s15 =	simm.s32 @p0 $0x3;
	[sflag:s9] =	ssyncset.done @p0 $0x0  }
0x8b: {  	s16 =	simm.s32 @p0 $0x180;
	[sflag:s9] =	ssyncadd.s32 @p0 $0xFFFFFF80;
	s9 =	simm.s32 @p0 $0x80  }
0x8c: {  	[spmem:s3] =	stream.indirect.scatter.add.f32 @p0 [tilespmem:s14], [sflag:$0x3], $0x80, s16, s9, $0xb8;
	[tilespmem:$0x1C380] =	vst v63  }
0x8d: {  	_ =	swait.ge @p0 [sflag:s15], $0x4000  }
0x8e: {  	[sflag:s15] =	ssyncset.done @p0 $0x0  }
0x8f: {  	s9 =	simm.s32 @p0 $0x2;
	[sflag:s15] =	ssyncadd.s32 @p0 $0xFFFFC000  }
0x90: {  	_ =	swait.ge @p0 [sflag:s9], $0x4000  }
0x91: {  	s15 =	simm.s32 @!p0 $0x8;
	s14 =	rddreg [dreg:$0x6];
	[sflag:s9] =	ssyncset.done @p0 $0x0  }
0x92: {  	[sflag:s9] =	ssyncadd.s32 @p0 $0xFFFFC000;
	s9 =	sadd.s32 @!p0 $0x0, s14;
	s14 =	simm.s32 @!p0 $0x80  }
0x93: {  	[tilespmem:s14], [sflag:$0x6] =	stream.linear.gather @!p0 [hbm4b:s9+s8], $0x80, $0x38;
	[tilespmem:$0x1C380] =	vst v63  }
0x94: {  	_ =	swait.ge @!p0 [sflag:s15], $0x80  }
0x95: {  	s16 =	simm.s32 @!p0 $0x280;
	[sflag:s15] =	ssyncset.done @!p0 $0x0  }
0x96: {  	s9 =	simm.s32 @!p0 $0x3;
	[sflag:s15] =	ssyncadd.s32 @!p0 $0xFFFFFF80;
	s15 =	simm.s32 @!p0 $0x180  }
0x97: {  	[spmem:s3] =	stream.indirect.scatter.add.f32 @!p0 [tilespmem:s16], [sflag:$0x3], $0x80, s15, s14, $0xb8;
	[tilespmem:$0x1C380] =	vst v63  }
0x98: {  	_ =	swait.ge @!p0 [sflag:s9], $0x4000  }
0x99: {  	s10 =	rddreg [dreg:$0x5];
	[sflag:s9] =	ssyncset.done @!p0 $0x0  }
0x9a: {  	[sflag:s9] =	ssyncadd.s32 @!p0 $0xFFFFC000;
	s9 =	sadd.s32 @!p0 $0x0, s10  }
0x9b: {  	[tilespmem:s15], [sflag:$0x8] =	stream.linear.gather @!p0 [hbm4b:s9+s8], $0x80, $0x38;
	[tilespmem:$0x1C380] =	vst v63  }
0x9c: {  	s9 =	simm.s32 @!p0 $0x5  }
0x9d: {  	_ =	swait.ge @!p0 [sflag:s9], $0x80  }
0x9e: {  	[sflag:s9] =	ssyncset.done @!p0 $0x0  }
0x9f: {  	[sflag:s9] =	ssyncadd.s32 @!p0 $0xFFFFFF80;
	s9 =	simm.s32 @!p0 $0x2  }
0xa0: {  	[tilespmem:s16], [sflag:$0x1] =	stream.indirect.gather @!p0 [hbm4b:s2+s14], $0x80, s8, s14, $0xb8;
	[tilespmem:$0x1C380] =	vst v63  }
0xa1: {  	_ =	swait.ge @!p0 [sflag:s9], $0x4000  }
0xa2: {  	s10 =	rddreg [dreg:$0x4];
	[sflag:s9] =	ssyncset.done @!p0 $0x0  }
0xa3: {  	[sflag:s9] =	ssyncadd.s32 @!p0 $0xFFFFC000;
	s9 =	sadd.s32 @!p0 $0x0, s10;
	s10 =	simm.s32 @!p0 $0x100  }
0xa4: {  	[tilespmem:s10], [sflag:$0x7] =	stream.linear.gather @!p0 [hbm4b:s9+s8], $0x80, $0x38;
	[tilespmem:$0x1C380] =	vst v63  }
0xa5: {  	p1 =	por $0x0, $0x0;
	s15 =	sadd.s32 $0x300, s6;
	_ =	swait.ge [sflag:s1], $0x80  }
0xa6: {  	s14 =	simm.s32 $0x60;
	s16 =	simm.s32 $0xC0;
	[sflag:s1] =	ssyncset.done $0x0  }
.LBB2_2:
0xa7: {  	s9 =	simm.s32 @!p1 $0x4;
	[sflag:s1] =	ssyncadd.s32 $0xFFFFFF80  }
0xa8: {  	[spmem:s3] =	stream.indirect.scatter.add.f32 [tilespmem:s26], [sflag:$0x4], $0x80, s24, s19, $0xb8;
	[tilespmem:$0x1C380] =	vst v63  }
0xa9: {  	_ =	swait.ge @!p1 [sflag:s9], $0x4000  }
0xaa: {  	[sflag:s9] =	ssyncset.done @!p1 $0x0;
	s10 =	rddreg [dreg:$0x8]  }
0xab: {  	[sflag:s9] =	ssyncadd.s32 @!p1 $0xFFFFC000;
	s12 =	sadd.s32 s14, s10  }
0xac: {  	[tilespmem:s24], [sflag:$0x9] =	stream.linear.gather [hbm4b:s12+s4], $0x80, $0x38;
	[tilespmem:$0x1C380] =	vst v63  }
0xad: {  	_ =	swait.ge [sflag:s25], $0x80  }
0xae: {  	[sflag:s25] =	ssyncset.done $0x0  }
0xaf: {  	[sflag:s25] =	ssyncadd.s32 $0xFFFFFF80  }
0xb0: {  	[tilespmem:s26], [sflag:$0x2] =	stream.indirect.gather [hbm4b:s2+s19], $0x80, s19, s19, $0xb8;
	[tilespmem:$0x1C380] =	vst v63  }
0xb1: {  	_ =	swait.ge [sflag:s28], $0x4000  }
0xb2: {  	s13 =	rddreg [dreg:$0xe];
	[sflag:s28] =	ssyncset.done $0x0  }
0xb3: {  	[sflag:s28] =	ssyncadd.s32 $0xFFFFC000;
	s9 =	sadd.s32 s14, s13  }
0xb4: {  	[tilespmem:s4], [sflag:$0x5] =	stream.linear.gather [hbm4b:s9+s4], $0x80, $0x38;
	[tilespmem:$0x1C380] =	vst v63  }
0xb5: {  	_ =	swait.ge [sflag:s29], $0x80  }
0xb6: {  	[sflag:s29] =	ssyncset.done $0x0  }
0xb7: {  	[sflag:s29] =	ssyncadd.s32 $0xFFFFFF80  }
0xb8: {  	[spmem:s3] =	stream.indirect.scatter.add.f32 [tilespmem:s23], [sflag:$0x3], $0x80, s18, s19, $0xb8;
	[tilespmem:$0x1C380] =	vst v63  }
0xb9: {  	_ =	swait.ge [sflag:s30], $0x4000  }
0xba: {  	s17 =	rddreg [dreg:$0x7];
	[sflag:s30] =	ssyncset.done $0x0  }
0xbb: {  	[sflag:s30] =	ssyncadd.s32 $0xFFFFC000;
	s9 =	sadd.s32 s14, s17  }
0xbc: {  	[tilespmem:s18], [sflag:$0x8] =	stream.linear.gather [hbm4b:s9+s4], $0x80, $0x38;
	[tilespmem:$0x1C380] =	vst v63  }
0xbd: {  	_ =	swait.ge [sflag:s31], $0x80  }
0xbe: {  	[sflag:s31] =	ssyncset.done $0x0  }
0xbf: {  	[sflag:s31] =	ssyncadd.s32 $0xFFFFFF80  }
0xc0: {  	[tilespmem:s23], [sflag:$0x1] =	stream.indirect.gather [hbm4b:s2+s19], $0x80, s20, s19, $0xb8;
	[tilespmem:$0x1C380] =	vst v63  }
0xc1: {  	_ =	swait.ge [sflag:s0], $0x4000  }
0xc2: {  	s6 =	rddreg [dreg:$0xc];
	[sflag:s0] =	ssyncset.done $0x0  }
0xc3: {  	[sflag:s0] =	ssyncadd.s32 $0xFFFFC000;
	s9 =	sadd.s32 s14, s6  }
0xc4: {  	[tilespmem:s19], [sflag:$0x6] =	stream.linear.gather [hbm4b:s9+s4], $0x80, $0x38;
	[tilespmem:$0x1C380] =	vst v63  }
0xc5: {  	_ =	swait.ge [sflag:s1], $0x80  }
0xc6: {  	[sflag:s1] =	ssyncset.done $0x0  }
0xc7: {  	[sflag:s1] =	ssyncadd.s32 $0xFFFFFF80  }
0xc8: {  	[spmem:s3] =	stream.indirect.scatter.add.f32 [tilespmem:s26], [sflag:$0x4], $0x80, s24, s19, $0xb8;
	[tilespmem:$0x1C380] =	vst v63  }
0xc9: {  	_ =	swait.ge [sflag:s7], $0x4000  }
0xca: {  	s10 =	rddreg [dreg:$0xd];
	[sflag:s7] =	ssyncset.done $0x0  }
0xcb: {  	[sflag:s7] =	ssyncadd.s32 $0xFFFFC000;
	s9 =	sadd.s32 s14, s10  }
0xcc: {  	[tilespmem:s24], [sflag:$0x9] =	stream.linear.gather [hbm4b:s9+s4], $0x80, $0x38;
	[tilespmem:$0x1C380] =	vst v63  }
0xcd: {  	_ =	swait.ge [sflag:s22], $0x80  }
0xce: {  	[sflag:s22] =	ssyncset.done $0x0  }
0xcf: {  	[sflag:s22] =	ssyncadd.s32 $0xFFFFFF80  }
0xd0: {  	[tilespmem:s26], [sflag:$0x2] =	stream.indirect.gather [hbm4b:s2+s19], $0x80, s4, s19, $0xb8;
	[tilespmem:$0x1C380] =	vst v63  }
0xd1: {  	_ =	swait.ge [sflag:s28], $0x4000  }
0xd2: {  	s12 =	rddreg [dreg:$0xa];
	[sflag:s28] =	ssyncset.done $0x0  }
0xd3: {  	[sflag:s28] =	ssyncadd.s32 $0xFFFFC000;
	s9 =	sadd.s32 s14, s12  }
0xd4: {  	[tilespmem:s20], [sflag:$0x7] =	stream.linear.gather [hbm4b:s9+s4], $0x80, $0x38;
	[tilespmem:$0x1C380] =	vst v63  }
0xd5: {  	_ =	swait.ge [sflag:s29], $0x80  }
0xd6: {  	[sflag:s29] =	ssyncset.done $0x0  }
0xd7: {  	[sflag:s29] =	ssyncadd.s32 $0xFFFFFF80  }
0xd8: {  	[spmem:s3] =	stream.indirect.scatter.add.f32 [tilespmem:s23], [sflag:$0x3], $0x80, s18, s19, $0xb8;
	[tilespmem:$0x1C380] =	vst v63  }
0xd9: {  	_ =	swait.ge [sflag:s30], $0x4000  }
0xda: {  	s13 =	rddreg [dreg:$0xb];
	[sflag:s30] =	ssyncset.done $0x0  }
0xdb: {  	[sflag:s30] =	ssyncadd.s32 $0xFFFFC000;
	s9 =	sadd.s32 s14, s13  }
0xdc: {  	[tilespmem:s18], [sflag:$0x8] =	stream.linear.gather [hbm4b:s9+s4], $0x80, $0x38;
	[tilespmem:$0x1C380] =	vst v63  }
0xdd: {  	_ =	swait.ge [sflag:s25], $0x80  }
0xde: {  	[sflag:s25] =	ssyncset.done $0x0  }
0xdf: {  	[sflag:s25] =	ssyncadd.s32 $0xFFFFFF80  }
0xe0: {  	[tilespmem:s23], [sflag:$0x1] =	stream.indirect.gather [hbm4b:s2+s19], $0x80, s19, s19, $0xb8;
	[tilespmem:$0x1C380] =	vst v63  }
0xe1: {  	p1 =	seq.s32 s14, $0x480;
	_ =	swait.ge [sflag:s0], $0x4000  }
0xe2: {  	s9 =	sshrl.u32 @!p1 s15, $0x3;
	[sflag:s0] =	ssyncset.done $0x0  }
0xe3: {  	s10 =	sadd.s32 @!p1 s5, s9;
	s9 =	simm.s32 @!p1 $0x0;
	[sflag:s0] =	ssyncadd.s32 $0xFFFFC000  }
0xe4: {  	[tilespmem:s9], [sflag:$0x5] =	stream.linear.gather @!p1 [hbm4b:s10+s9], $0x80, $0x38;
	[tilespmem:$0x1C380] =	vst v63  }
0xe5: {  	_ =	swait.ge [sflag:s1], $0x80  }
0xe6: {  	[sflag:s1] =	ssyncset.done $0x0  }
0xe7: {  	[sflag:s1] =	ssyncadd.s32 $0xFFFFFF80  }
0xe8: {  	[spmem:s3] =	stream.indirect.scatter.add.f32 [tilespmem:s26], [sflag:$0x4], $0x80, s24, s19, $0xb8;
	[tilespmem:$0x1C380] =	vst v63  }
0xe9: {  	_ =	swait.ge [sflag:s7], $0x4000  }
0xea: {  	s17 =	rddreg [dreg:$0x9];
	[sflag:s7] =	ssyncset.done $0x0  }
0xeb: {  	[sflag:s7] =	ssyncadd.s32 $0xFFFFC000;
	s10 =	sadd.s32 s14, s17  }
0xec: {  	[tilespmem:s24], [sflag:$0x9] =	stream.linear.gather [hbm4b:s10+s4], $0x80, $0x38;
	[tilespmem:$0x1C380] =	vst v63  }
0xed: {  	_ =	swait.ge [sflag:s31], $0x80  }
0xee: {  	[sflag:s31] =	ssyncset.done $0x0  }
0xef: {  	[sflag:s31] =	ssyncadd.s32 $0xFFFFFF80  }
0xf0: {  	[tilespmem:s26], [sflag:$0x2] =	stream.indirect.gather [hbm4b:s2+s19], $0x80, s20, s19, $0xb8;
	[tilespmem:$0x1C380] =	vst v63  }
0xf1: {  	_ =	swait.ge [sflag:s28], $0x4000  }
0xf2: {  	[sflag:s28] =	ssyncset.done $0x0  }
0xf3: {  	s10 =	simm.s32 @p1 $0x8;
	[sflag:s28] =	ssyncadd.s32 $0xFFFFC000  }
0xf4: {  	_ =	swait.ge @p1 [sflag:s10], $0x80  }
0xf5: {  	s6 =	simm.s32 @p1 $0x280;
	s12 =	simm.s32 @p1 $0x3;
	[sflag:s10] =	ssyncset.done @p1 $0x0  }
0xf6: {  	s17 =	simm.s32 @p1 $0x180;
	[sflag:s10] =	ssyncadd.s32 @p1 $0xFFFFFF80;
	s10 =	simm.s32 @p1 $0x80  }
0xf7: {  	[spmem:s3] =	stream.indirect.scatter.add.f32 @p1 [tilespmem:s6], [sflag:$0x3], $0x80, s17, s10, $0xb8;
	[tilespmem:$0x1C380] =	vst v63  }
0xf8: {  	_ =	swait.ge @p1 [sflag:s12], $0x4000  }
0xf9: {  	[sflag:s12] =	ssyncset.done @p1 $0x0  }
0xfa: {  	s6 =	simm.s32 @p1 $0x2;
	[sflag:s12] =	ssyncadd.s32 @p1 $0xFFFFC000  }
0xfb: {  	_ =	swait.ge @p1 [sflag:s6], $0x4000  }
0xfc: {  	s12 =	simm.s32 @!p1 $0x8;
	s10 =	rddreg [dreg:$0x6];
	[sflag:s6] =	ssyncset.done @p1 $0x0  }
0xfd: {  	[sflag:s6] =	ssyncadd.s32 @p1 $0xFFFFC000;
	s6 =	sadd.s32 @!p1 s14, s10;
	s10 =	simm.s32 @!p1 $0x80  }
0xfe: {  	[tilespmem:s10], [sflag:$0x6] =	stream.linear.gather @!p1 [hbm4b:s6+s9], $0x80, $0x38;
	[tilespmem:$0x1C380] =	vst v63  }
0xff: {  	_ =	swait.ge @!p1 [sflag:s12], $0x80  }
0x100: {  	s17 =	simm.s32 @!p1 $0x280;
	[sflag:s12] =	ssyncset.done @!p1 $0x0  }
0x101: {  	s6 =	simm.s32 @!p1 $0x3;
	[sflag:s12] =	ssyncadd.s32 @!p1 $0xFFFFFF80;
	s12 =	simm.s32 @!p1 $0x180  }
0x102: {  	[spmem:s3] =	stream.indirect.scatter.add.f32 @!p1 [tilespmem:s17], [sflag:$0x3], $0x80, s12, s10, $0xb8;
	[tilespmem:$0x1C380] =	vst v63  }
0x103: {  	_ =	swait.ge @!p1 [sflag:s6], $0x4000  }
0x104: {  	s13 =	rddreg [dreg:$0x5];
	[sflag:s6] =	ssyncset.done @!p1 $0x0  }
0x105: {  	[sflag:s6] =	ssyncadd.s32 @!p1 $0xFFFFC000;
	s6 =	sadd.s32 @!p1 s14, s13;
	s13 =	simm.s32 @!p1 $0x5  }
0x106: {  	[tilespmem:s12], [sflag:$0x8] =	stream.linear.gather @!p1 [hbm4b:s6+s9], $0x80, $0x38;
	[tilespmem:$0x1C380] =	vst v63  }
0x107: {  	_ =	swait.ge @!p1 [sflag:s13], $0x80  }
0x108: {  	s8 =	smov.u32 s16;
	[sflag:s13] =	ssyncset.done @!p1 $0x0  }
0x109: {  	s16 =	sadd.s32 $0x60, s16;
	s6 =	simm.s32 @!p1 $0x2;
	[sflag:s13] =	ssyncadd.s32 @!p1 $0xFFFFFF80  }
0x10a: {  	[tilespmem:s17], [sflag:$0x1] =	stream.indirect.gather @!p1 [hbm4b:s2+s10], $0x80, s9, s10, $0xb8;
	[tilespmem:$0x1C380] =	vst v63  }
0x10b: {  	p0 =	sne.s32 s16, $0x4E0;
	_ =	swait.ge @!p1 [sflag:s6], $0x4000  }
.Ltmp0:
0x10c: {  	s10 =	rddreg [dreg:$0x4];
	[sflag:s6] =	ssyncset.done @!p1 $0x0;
	(pc) =	sbr.rel @p0 .LBB2_2-.Ltmp0, $4  }
0x10d: {  	[sflag:s6] =	ssyncadd.s32 @!p1 $0xFFFFC000;
	s6 =	sadd.s32 @!p1 s14, s10;
	s10 =	simm.s32 @!p1 $0x100  }
0x10e: {  	[tilespmem:s10], [sflag:$0x7] =	stream.linear.gather @!p1 [hbm4b:s6+s9], $0x80, $0x38;
	[tilespmem:$0x1C380] =	vst v63  }
0x10f: {  	s14 =	smov.u32 s8;
	_ =	swait.ge [sflag:s1], $0x80  }
0x110: {  	s15 =	sadd.s32 $0x300, s15;
	p1 =	seq.s32 s14, $0x0;
	[sflag:s1] =	ssyncset.done $0x0  }
0x111: {  	s6 =	simm.s32 @!p1 $0x4;
	[sflag:s1] =	ssyncadd.s32 $0xFFFFFF80  }
0x112: {  	[spmem:s3] =	stream.indirect.scatter.add.f32 [tilespmem:s26], [sflag:$0x4], $0x80, s24, s19, $0xb8;
	[tilespmem:$0x1C380] =	vst v63  }
0x113: {  	_ =	swait.ge @!p1 [sflag:s6], $0x4000  }
0x114: {  	s8 =	rddreg [dreg:$0x8];
	[sflag:s6] =	ssyncset.done @!p1 $0x0  }
0x115: {  	[sflag:s6] =	ssyncadd.s32 @!p1 $0xFFFFC000;
	s17 =	sadd.s32 s14, s8  }
0x116: {  	[tilespmem:s24], [sflag:$0x9] =	stream.linear.gather [hbm4b:s17+s4], $0x80, $0x38;
	[tilespmem:$0x1C380] =	vst v63  }
0x117: {  	_ =	swait.ge [sflag:s25], $0x80  }
0x118: {  	[sflag:s25] =	ssyncset.done $0x0  }
0x119: {  	[sflag:s25] =	ssyncadd.s32 $0xFFFFFF80  }
0x11a: {  	[tilespmem:s26], [sflag:$0x2] =	stream.indirect.gather [hbm4b:s2+s19], $0x80, s19, s19, $0xb8;
	[tilespmem:$0x1C380] =	vst v63  }
0x11b: {  	_ =	swait.ge [sflag:s28], $0x4000  }
0x11c: {  	s8 =	rddreg [dreg:$0xe];
	[sflag:s28] =	ssyncset.done $0x0  }
0x11d: {  	[sflag:s28] =	ssyncadd.s32 $0xFFFFC000;
	s6 =	sadd.s32 s14, s8  }
0x11e: {  	[tilespmem:s4], [sflag:$0x5] =	stream.linear.gather [hbm4b:s6+s4], $0x80, $0x38;
	[tilespmem:$0x1C380] =	vst v63  }
0x11f: {  	_ =	swait.ge [sflag:s29], $0x80  }
0x120: {  	[sflag:s29] =	ssyncset.done $0x0  }
0x121: {  	[sflag:s29] =	ssyncadd.s32 $0xFFFFFF80  }
0x122: {  	[spmem:s3] =	stream.indirect.scatter.add.f32 [tilespmem:s23], [sflag:$0x3], $0x80, s18, s19, $0xb8;
	[tilespmem:$0x1C380] =	vst v63  }
0x123: {  	_ =	swait.ge [sflag:s30], $0x4000  }
0x124: {  	s9 =	rddreg [dreg:$0x7];
	[sflag:s30] =	ssyncset.done $0x0  }
0x125: {  	[sflag:s30] =	ssyncadd.s32 $0xFFFFC000;
	s6 =	sadd.s32 s14, s9  }
0x126: {  	[tilespmem:s18], [sflag:$0x8] =	stream.linear.gather [hbm4b:s6+s4], $0x80, $0x38;
	[tilespmem:$0x1C380] =	vst v63  }
0x127: {  	_ =	swait.ge [sflag:s31], $0x80  }
0x128: {  	[sflag:s31] =	ssyncset.done $0x0  }
0x129: {  	[sflag:s31] =	ssyncadd.s32 $0xFFFFFF80  }
0x12a: {  	[tilespmem:s23], [sflag:$0x1] =	stream.indirect.gather [hbm4b:s2+s19], $0x80, s20, s19, $0xb8;
	[tilespmem:$0x1C380] =	vst v63  }
0x12b: {  	_ =	swait.ge [sflag:s0], $0x4000  }
0x12c: {  	s10 =	rddreg [dreg:$0xc];
	[sflag:s0] =	ssyncset.done $0x0  }
0x12d: {  	[sflag:s0] =	ssyncadd.s32 $0xFFFFC000;
	s6 =	sadd.s32 s14, s10  }
0x12e: {  	[tilespmem:s19], [sflag:$0x6] =	stream.linear.gather [hbm4b:s6+s4], $0x80, $0x38;
	[tilespmem:$0x1C380] =	vst v63  }
0x12f: {  	_ =	swait.ge [sflag:s1], $0x80  }
0x130: {  	[sflag:s1] =	ssyncset.done $0x0  }
0x131: {  	[sflag:s1] =	ssyncadd.s32 $0xFFFFFF80  }
0x132: {  	[spmem:s3] =	stream.indirect.scatter.add.f32 [tilespmem:s26], [sflag:$0x4], $0x80, s24, s19, $0xb8;
	[tilespmem:$0x1C380] =	vst v63  }
0x133: {  	_ =	swait.ge [sflag:s7], $0x4000  }
0x134: {  	s12 =	rddreg [dreg:$0xd];
	[sflag:s7] =	ssyncset.done $0x0  }
0x135: {  	[sflag:s7] =	ssyncadd.s32 $0xFFFFC000;
	s6 =	sadd.s32 s14, s12  }
0x136: {  	[tilespmem:s24], [sflag:$0x9] =	stream.linear.gather [hbm4b:s6+s4], $0x80, $0x38;
	[tilespmem:$0x1C380] =	vst v63  }
0x137: {  	_ =	swait.ge [sflag:s22], $0x80  }
0x138: {  	[sflag:s22] =	ssyncset.done $0x0  }
0x139: {  	[sflag:s22] =	ssyncadd.s32 $0xFFFFFF80  }
0x13a: {  	[tilespmem:s26], [sflag:$0x2] =	stream.indirect.gather [hbm4b:s2+s19], $0x80, s4, s19, $0xb8;
	[tilespmem:$0x1C380] =	vst v63  }
0x13b: {  	_ =	swait.ge [sflag:s28], $0x4000  }
0x13c: {  	s13 =	rddreg [dreg:$0xa];
	[sflag:s28] =	ssyncset.done $0x0  }
0x13d: {  	[sflag:s28] =	ssyncadd.s32 $0xFFFFC000;
	s6 =	sadd.s32 s14, s13  }
0x13e: {  	[tilespmem:s20], [sflag:$0x7] =	stream.linear.gather [hbm4b:s6+s4], $0x80, $0x38;
	[tilespmem:$0x1C380] =	vst v63  }
0x13f: {  	_ =	swait.ge [sflag:s29], $0x80  }
0x140: {  	[sflag:s29] =	ssyncset.done $0x0  }
0x141: {  	[sflag:s29] =	ssyncadd.s32 $0xFFFFFF80  }
0x142: {  	[spmem:s3] =	stream.indirect.scatter.add.f32 [tilespmem:s23], [sflag:$0x3], $0x80, s18, s19, $0xb8;
	[tilespmem:$0x1C380] =	vst v63  }
0x143: {  	_ =	swait.ge [sflag:s30], $0x4000  }
0x144: {  	s16 =	rddreg [dreg:$0xb];
	[sflag:s30] =	ssyncset.done $0x0  }
0x145: {  	[sflag:s30] =	ssyncadd.s32 $0xFFFFC000;
	s6 =	sadd.s32 s14, s16  }
0x146: {  	[tilespmem:s18], [sflag:$0x8] =	stream.linear.gather [hbm4b:s6+s4], $0x80, $0x38;
	[tilespmem:$0x1C380] =	vst v63  }
0x147: {  	_ =	swait.ge [sflag:s25], $0x80  }
0x148: {  	[sflag:s25] =	ssyncset.done $0x0  }
0x149: {  	[sflag:s25] =	ssyncadd.s32 $0xFFFFFF80  }
0x14a: {  	[tilespmem:s23], [sflag:$0x1] =	stream.indirect.gather [hbm4b:s2+s19], $0x80, s19, s19, $0xb8;
	[tilespmem:$0x1C380] =	vst v63  }
0x14b: {  	p0 =	seq.s32 s14, $0x480;
	_ =	swait.ge [sflag:s0], $0x4000  }
0x14c: {  	s6 =	sshrl.u32 @!p0 s15, $0x3;
	[sflag:s0] =	ssyncset.done $0x0  }
0x14d: {  	s8 =	simm.s32 @!p0 $0x0;
	s6 =	sadd.s32 @!p0 s5, s6;
	[sflag:s0] =	ssyncadd.s32 $0xFFFFC000  }
0x14e: {  	[tilespmem:s8], [sflag:$0x5] =	stream.linear.gather @!p0 [hbm4b:s6+s8], $0x80, $0x38;
	[tilespmem:$0x1C380] =	vst v63  }
0x14f: {  	_ =	swait.ge [sflag:s1], $0x80  }
0x150: {  	[sflag:s1] =	ssyncset.done $0x0  }
0x151: {  	[sflag:s1] =	ssyncadd.s32 $0xFFFFFF80  }
0x152: {  	[spmem:s3] =	stream.indirect.scatter.add.f32 [tilespmem:s26], [sflag:$0x4], $0x80, s24, s19, $0xb8;
	[tilespmem:$0x1C380] =	vst v63  }
0x153: {  	_ =	swait.ge [sflag:s7], $0x4000  }
0x154: {  	s17 =	rddreg [dreg:$0x9];
	[sflag:s7] =	ssyncset.done $0x0  }
0x155: {  	[sflag:s7] =	ssyncadd.s32 $0xFFFFC000;
	s6 =	sadd.s32 s14, s17  }
0x156: {  	[tilespmem:s24], [sflag:$0x9] =	stream.linear.gather [hbm4b:s6+s4], $0x80, $0x38;
	[tilespmem:$0x1C380] =	vst v63  }
0x157: {  	_ =	swait.ge [sflag:s31], $0x80  }
0x158: {  	[sflag:s31] =	ssyncset.done $0x0  }
0x159: {  	[sflag:s31] =	ssyncadd.s32 $0xFFFFFF80  }
0x15a: {  	[tilespmem:s26], [sflag:$0x2] =	stream.indirect.gather [hbm4b:s2+s19], $0x80, s20, s19, $0xb8;
	[tilespmem:$0x1C380] =	vst v63  }
0x15b: {  	_ =	swait.ge [sflag:s28], $0x4000  }
0x15c: {  	[sflag:s28] =	ssyncset.done $0x0  }
0x15d: {  	s6 =	simm.s32 @p0 $0x8;
	[sflag:s28] =	ssyncadd.s32 $0xFFFFC000  }
0x15e: {  	_ =	swait.ge @p0 [sflag:s6], $0x80  }
0x15f: {  	s9 =	simm.s32 @p0 $0x280;
	s10 =	simm.s32 @p0 $0x3;
	[sflag:s6] =	ssyncset.done @p0 $0x0  }
0x160: {  	s12 =	simm.s32 @p0 $0x180;
	[sflag:s6] =	ssyncadd.s32 @p0 $0xFFFFFF80;
	s6 =	simm.s32 @p0 $0x80  }
0x161: {  	[spmem:s3] =	stream.indirect.scatter.add.f32 @p0 [tilespmem:s9], [sflag:$0x3], $0x80, s12, s6, $0xb8;
	[tilespmem:$0x1C380] =	vst v63  }
0x162: {  	_ =	swait.ge @p0 [sflag:s10], $0x4000  }
0x163: {  	[sflag:s10] =	ssyncset.done @p0 $0x0  }
0x164: {  	s6 =	simm.s32 @p0 $0x2;
	[sflag:s10] =	ssyncadd.s32 @p0 $0xFFFFC000  }
0x165: {  	_ =	swait.ge @p0 [sflag:s6], $0x4000  }
0x166: {  	s10 =	simm.s32 @!p0 $0x8;
	s9 =	rddreg [dreg:$0x6];
	[sflag:s6] =	ssyncset.done @p0 $0x0  }
0x167: {  	[sflag:s6] =	ssyncadd.s32 @p0 $0xFFFFC000;
	s6 =	sadd.s32 @!p0 s14, s9;
	s9 =	simm.s32 @!p0 $0x80  }
0x168: {  	[tilespmem:s9], [sflag:$0x6] =	stream.linear.gather @!p0 [hbm4b:s6+s8], $0x80, $0x38;
	[tilespmem:$0x1C380] =	vst v63  }
0x169: {  	_ =	swait.ge @!p0 [sflag:s10], $0x80  }
0x16a: {  	s12 =	simm.s32 @!p0 $0x280;
	[sflag:s10] =	ssyncset.done @!p0 $0x0  }
0x16b: {  	s6 =	simm.s32 @!p0 $0x3;
	[sflag:s10] =	ssyncadd.s32 @!p0 $0xFFFFFF80;
	s10 =	simm.s32 @!p0 $0x180  }
0x16c: {  	[spmem:s3] =	stream.indirect.scatter.add.f32 @!p0 [tilespmem:s12], [sflag:$0x3], $0x80, s10, s9, $0xb8;
	[tilespmem:$0x1C380] =	vst v63  }
0x16d: {  	_ =	swait.ge @!p0 [sflag:s6], $0x4000  }
0x16e: {  	s13 =	rddreg [dreg:$0x5];
	[sflag:s6] =	ssyncset.done @!p0 $0x0  }
0x16f: {  	[sflag:s6] =	ssyncadd.s32 @!p0 $0xFFFFC000;
	s6 =	sadd.s32 @!p0 s14, s13  }
0x170: {  	[tilespmem:s10], [sflag:$0x8] =	stream.linear.gather @!p0 [hbm4b:s6+s8], $0x80, $0x38;
	[tilespmem:$0x1C380] =	vst v63  }
0x171: {  	s6 =	simm.s32 @!p0 $0x5  }
0x172: {  	_ =	swait.ge @!p0 [sflag:s6], $0x80  }
0x173: {  	[sflag:s6] =	ssyncset.done @!p0 $0x0  }
0x174: {  	[sflag:s6] =	ssyncadd.s32 @!p0 $0xFFFFFF80;
	s6 =	simm.s32 @!p0 $0x2  }
0x175: {  	[tilespmem:s12], [sflag:$0x1] =	stream.indirect.gather @!p0 [hbm4b:s2+s9], $0x80, s8, s9, $0xb8;
	[tilespmem:$0x1C380] =	vst v63  }
0x176: {  	_ =	swait.ge @!p0 [sflag:s6], $0x4000  }
0x177: {  	s9 =	rddreg [dreg:$0x4];
	[sflag:s6] =	ssyncset.done @!p0 $0x0  }
0x178: {  	[sflag:s6] =	ssyncadd.s32 @!p0 $0xFFFFC000;
	s6 =	sadd.s32 @!p0 s14, s9;
	s9 =	simm.s32 @!p0 $0x100  }
0x179: {  	[tilespmem:s9], [sflag:$0x7] =	stream.linear.gather @!p0 [hbm4b:s6+s8], $0x80, $0x38;
	[tilespmem:$0x1C380] =	vst v63  }
0x17a: {  	_ =	swait.ge [sflag:s1], $0x80  }
0x17b: {  	[sflag:s1] =	ssyncset.done $0x0  }
0x17c: {  	[sflag:s1] =	ssyncadd.s32 $0xFFFFFF80  }
0x17d: {  	[spmem:s3] =	stream.indirect.scatter.add.f32 [tilespmem:s26], [sflag:$0x4], $0x80, s24, s19, $0xb8;
	[tilespmem:$0x1C380] =	vst v63  }
0x17e: {  	s10 =	simm.s32 $0x1C280;
	s9 =	rddreg [dreg:$0x16]  }
0x17f: {  	[tilespmem:s10], [sflag:$0xA] =	stream.linear.gather [hbm4b:s9+s4], $0x10, $0x38;
	[tilespmem:$0x1C380] =	vst v63  }
0x180: {  	_ =	swait.ge [sflag:s21], $0x10  }
0x181: {  	[sflag:s21] =	ssyncset.done $0x0  }
0x182: {  	s13 =	simm.s32 $0x1C300;
	s12 =	rddreg [dreg:$0x17];
	[sflag:s21] =	ssyncadd.s32 $0xFFFFFFF0  }
0x183: {  	[tilespmem:s13], [sflag:$0xA] =	stream.linear.gather [hbm4b:s12+s4], $0x10, $0x38;
	[tilespmem:$0x1C380] =	vst v63  }
0x184: {  	_ =	swait.ge [sflag:s21], $0x10  }
0x185: {  	[sflag:s21] =	ssyncset.done $0x0  }
0x186: {  	s14 =	simm.s32 $0x10;
	[sflag:s21] =	ssyncadd.s32 $0xFFFFFFF0  }
0x187: {  	[tilespmem:s23], [sflag:$0x1] =	stream.indirect.gather [hbm4b:s2+s14], $0x80, s10, s14, $0xb8;
	[tilespmem:$0x1C380] =	vst v63  }
0x188: {  	_ =	swait.ge [sflag:s28], $0x800  }
0x189: {  	[sflag:s28] =	ssyncset.done $0x0  }
0x18a: {  	[sflag:s28] =	ssyncadd.s32 $0xFFFFF800  }
0x18b: {  	_ =	swait.ge [sflag:s7], $0x4000  }
0x18c: {  	[sflag:s7] =	ssyncset.done $0x0  }
0x18d: {  	[sflag:s7] =	ssyncadd.s32 $0xFFFFC000  }
0x18e: {  	[spmem:s3] =	stream.indirect.scatter.add.f32 [tilespmem:s23], [sflag:$0x3], $0x80, s13, s14, $0xb8;
	[tilespmem:$0x1C380] =	vst v63  }
0x18f: {  	_ =	swait.ge [sflag:s30], $0x800  }
0x190: {  	[sflag:s30] =	ssyncset.done $0x0  }
0x191: {  	[sflag:s30] =	ssyncadd.s32 $0xFFFFF800  }
0x192: {  	[bflag:$0x0] =	sbarrier.arrive $0xFFFF  }
0x193: {  	s10 =	rddreg [dreg:$0x15]  }
0x194: {  	s15 =	rddreg [dreg:$0x18]  }
0x195: {  	s16 =	rddreg [dreg:$0x1b]  }
0x196: {  	[hbm:s15], [sflag:s10] =	dma.local [spmem:s16], $0x2800  }
0x197: {  	_ =	swait.ge [sflag:s21], $0x2800  }
0x198: {  	s11 =	sadd.s32 $0x1, s11;
	s17 =	rddreg [dreg:$0x19]  }
0x199: {  	p0 =	sne.s32 s11, s17  }
.Ltmp1:
0x19a: {  	_ = 	snop;
	(pc) =	sbr.rel @p0 .LBB2_1-.Ltmp1, $3  }
0x19b: {  	_ =	sdelay $0x1  }
0x19c: {  	[sflag:s21] =	ssyncset.done $0x0  }
0x19d: {  	[sflag:s21] =	ssyncadd.s32 $0xFFFFD800  }
0x19e: {  	_ =	sfence.sel $0x180000  }
0x19f: {  	[bflag:$0x0] =	sbarrier.arrive $0xFFFF  }
0x1a0: {  	_ =	strace $0x9000004A  }
0x1a1: {  	s0 =	stileid.u32;
	[bflag:$0x2] =	sbarrier.arrive $0xFFFF  }
0x1a2: {  	p0 =	sne.s32 s0, $0x0;
	s0 =	rddreg [dreg:$0x3]  }
0x1a3: {  	s0 =	sadd.s32 @!p0 $0x100000, s0  }
0x1a4: {  	[sflag:s0] =	ssyncadd.tile.s32 @!p0 $0x1;
	_ =	shalt  }
.Lfunc_end2:
_tile_overlayer_lowered:
.L_overlay_start_2:
0x1a5: {  	(tag) =	ssettag $0x2  }
0x1a6: {  	s0 =	rddreg [dreg:$0x0];
	s2 =	stileid.u32  }
0x1a7: {  	s1 =	rddreg [dreg:$0x1];
	p0 =	sne.s32 s2, $0x0  }
0x1a8: {  	s3 =	rddreg [dreg:$0x2];
	[bflag:$0x3] =	sbarrier.arrive $0xFFFF;
	s2 =	simm.s32 @!p0 $0x1C0A  }
0x1a9: {  	[timem:s3], [sflag:s2] =	dma.local @!p0 [hbm:s0], s1  }
0x1aa: {  	s0 =	simm.s32 @!p0 $0xA  }
0x1ab: {  	_ =	swait.ge @!p0 [sflag:s0], s1  }
0x1ac: {  	s1 =	ssub.s32 @!p0 $0x0, s1;
	[sflag:s0] =	ssyncset.done @!p0 $0x0  }
0x1ad: {  	[sflag:s0] =	ssyncadd.s32 @!p0 s1  }
0x1ae: {  	[bflag:$0x3] =	sbarrier.arrive $0xFFFF  }
0x1af: {  	_ =	shalt  }

</sc_bundles>
